<compile_context>
chip_gen: v7x
topology: tpu7x:2x2x1
jax: 0.10.2.dev20260603
libtpu: 0.0.44.dev20260713+nightly
codegen_flags: <defaults>
</compile_context>

<pallas_src>
import functools

import jax
import jax.numpy as jnp
from jax import lax
from jax.experimental import pallas as pl
from jax.experimental.pallas import tpu as pltpu
from jax.experimental.pallas import tpu_sc as plsc

VOCAB = 1000000
B = 16384
S = 50
D = 32
L = 16
NW = 32
BPW = B // NW
C = 32
NCHUNK = BPW // C
IDS = C * S
GSLICE = 128
NG = IDS // GSLICE
GREM = IDS - NG * GSLICE


def _worker(ids_hbm, len_hbm, table_hbm, out_hbm,
            ids_all, len_all, rows_a, rows_b, outb_a, outb_b,
            sem_a, sem_b):
    wid = lax.axis_index("s") * 2 + lax.axis_index("c")
    w_row0 = wid * BPW

    pltpu.sync_copy(ids_hbm.at[pl.ds(w_row0 * S, BPW * S)], ids_all)
    pltpu.sync_copy(len_hbm.at[pl.ds(w_row0, BPW)], len_all)

    def xform(k, _):
        v = ids_all[pl.ds(k * L, L)]
        ids_all[pl.ds(k * L, L)] = (
            (v & -512) + ((v & 127) << 2) + ((v >> 7) & 3))
        return 0

    lax.fori_loop(0, BPW * S // L, xform, 0)

    def fire(g, rows_r, sem):
        base = g * IDS
        for j in range(NG):
            pltpu.async_copy(
                table_hbm.at[ids_all.at[pl.ds(base + j * GSLICE, GSLICE)]],
                rows_r.at[pl.ds(j * GSLICE, GSLICE)], sem)
        pltpu.async_copy(
            table_hbm.at[ids_all.at[pl.ds(base + NG * GSLICE, GREM)]],
            rows_r.at[pl.ds(NG * GSLICE, GREM)], sem)

    def drain(rows_r, sem):
        pltpu.make_async_copy(table_hbm.at[pl.ds(0, IDS)], rows_r, sem).wait()

    def compute(g, rows_r, outb_r):
        row0 = w_row0 + g * C
        for grp in range(C // L):
            lenv = len_all[pl.ds(g * C + grp * L, L)]

            def row_body(r, _):
                lenb = lax.gather(
                    lenv, jnp.full((L, 1), r, jnp.int32),
                    lax.GatherDimensionNumbers(
                        offset_dims=(), collapsed_slice_dims=(0,),
                        start_index_map=(0,)),
                    slice_sizes=(1,),
                    mode=lax.GatherScatterMode.PROMISE_IN_BOUNDS)
                zero_reg = lax.shift_right_logical(
                    lax.broadcasted_iota(jnp.int32, (L,), 0), 4)
                lenb = lenb + zero_reg
                base = (grp * L + r) * S

                def s_body(s, acc):
                    a0, a1 = acc
                    m = jnp.full((L,), s, jnp.int32) < lenb
                    v0 = rows_r[base + s, pl.ds(0, L)]
                    v1 = rows_r[base + s, pl.ds(L, L)]
                    zero = jnp.zeros((L,), jnp.float32)
                    return (a0 + jnp.where(m, v0, zero),
                            a1 + jnp.where(m, v1, zero))

                a0, a1 = lax.fori_loop(
                    0, S, s_body,
                    (jnp.zeros((L,), jnp.float32),
                     jnp.zeros((L,), jnp.float32)))
                denom = jnp.maximum(lenb, 1).astype(jnp.float32)
                outb_r[pl.ds((grp * L + r) * D, L)] = a0 / denom
                outb_r[pl.ds((grp * L + r) * D + L, L)] = a1 / denom
                return 0

            lax.fori_loop(0, L, row_body, 0)
        pltpu.sync_copy(outb_r, out_hbm.at[pl.ds(row0 * D, C * D)])

    fire(0, rows_a, sem_a)

    def outer(i, _):
        g0 = 2 * i
        fire(g0 + 1, rows_b, sem_b)
        drain(rows_a, sem_a)
        compute(g0, rows_a, outb_a)

        @pl.when(i < NCHUNK // 2 - 1)
        def _():
            fire(g0 + 2, rows_a, sem_a)

        drain(rows_b, sem_b)
        compute(g0 + 1, rows_b, outb_b)
        return 0

    lax.fori_loop(0, NCHUNK // 2, outer, 0)


@functools.partial(
    pl.kernel,
    mesh=plsc.VectorSubcoreMesh(core_axis_name="c", subcore_axis_name="s"),
    out_type=jax.ShapeDtypeStruct((B * D,), jnp.float32),
    compiler_params=pltpu.CompilerParams(use_tc_tiling_on_sc=False),
    scratch_types=[
        pltpu.VMEM((BPW * S,), jnp.int32), pltpu.VMEM((BPW,), jnp.int32),
        pltpu.VMEM((IDS, D), jnp.float32), pltpu.VMEM((IDS, D), jnp.float32),
        pltpu.VMEM((C * D,), jnp.float32), pltpu.VMEM((C * D,), jnp.float32),
        pltpu.SemaphoreType.DMA, pltpu.SemaphoreType.DMA,
    ],
)
def _embed_kernel(ids_hbm, len_hbm, table_hbm, out_hbm, *scratch):
    _worker(ids_hbm, len_hbm, table_hbm, out_hbm, *scratch)


TCB = 65536


def _tc_transpose_body(tt_ref, out_ref):
    blk = tt_ref[...]
    outs = []
    for sg in range(TCB // 512):
        stacked = jnp.concatenate(
            [blk[:, sg * 512 + q * 128:sg * 512 + (q + 1) * 128]
             for q in range(4)], axis=0)
        outs.append(jnp.transpose(stacked))
    o = jnp.concatenate(outs, axis=0)
    out_ref[...] = o.reshape(TCB * D)


NTB = pl.cdiv(VOCAB, TCB)
VOCAB_PAD = NTB * TCB

_tc_transpose = pl.pallas_call(
    _tc_transpose_body,
    grid=(NTB,),
    in_specs=[pl.BlockSpec((D, TCB), lambda i: (0, i))],
    out_specs=pl.BlockSpec((TCB * D,), lambda i: (i,)),
    out_shape=jax.ShapeDtypeStruct((VOCAB_PAD * D,), jnp.float32),
)


def kernel(input_ids, lengths, table):
    tbl_lin = _tc_transpose(table.T).reshape(VOCAB_PAD, D)
    out = _embed_kernel(input_ids.reshape(-1).astype(jnp.int32),
                        lengths.astype(jnp.int32), tbl_lin)
    return out.reshape(B, D)

# --- scband reference (transcript-rebuilt; emitter-appended) ---
"""Pipeline reference for scband-multi-value-embedding-81149112090949 (READ-ONLY COPY).

The authoritative reference and input builder live on the scoring server;
editing this copy changes nothing except your own understanding.
"""

import jax, jax.numpy as jnp
import numpy as np

VOCAB = 1000000
EMBED_DIM = 32
BATCH = 16384
SEQ = 50


def setup_inputs(seed: int = 0) -> dict:
    key = jax.random.key(seed)
    k1, k2, k3 = jax.random.split(key, 3)
    input_ids = jax.random.randint(k1, (BATCH, SEQ), 0, VOCAB, dtype=jnp.int64 if jax.config.jax_enable_x64 else jnp.int32)
    lengths = jax.random.randint(k2, (BATCH,), 0, SEQ, dtype=jnp.int64 if jax.config.jax_enable_x64 else jnp.int32)
    table = jax.random.normal(k3, (VOCAB, EMBED_DIM), dtype=jnp.float32) * 0.01
    return {"input_ids": input_ids, "lengths": lengths, "table": table}


def reference(input_ids, lengths, table):
    # embedding lookup: [B, S, D]
    embeddings = jnp.take(table, input_ids, axis=0)
    # mask by lengths
    seq_len = input_ids.shape[1]
    mask = (jnp.arange(seq_len)[None, :] < lengths[:, None]).astype(jnp.float32)
    embeddings = embeddings * mask[:, :, None]
    # mean combiner
    lengths_f = lengths.astype(jnp.float32)[:, None]
    combined = embeddings.sum(axis=1) / jnp.clip(lengths_f, 1.0, None)
    return combined

if __name__ == "__main__":
    import jax
    _d = setup_inputs()
    print(jax.jit(kernel)(*tuple(_d.values())))

</pallas_src>

<mosaic_0001>
#map = affine_map<(d0, d1) -> (0)>
#map1 = affine_map<(d0, d1) -> (0, 0)>
module attributes {stable_mosaic.version = 14 : i64} {
  func.func @_embed_kernel(%arg0: i32, %arg1: i32, %arg2: memref<819200xi32, #tpu.memory_space<hbm>>, %arg3: memref<16384xi32, #tpu.memory_space<hbm>>, %arg4: memref<1048576x32xf32, #tpu.memory_space<hbm>>, %arg5: memref<524288xf32, #tpu.memory_space<hbm>>, %arg6: memref<25600xi32, #tpu.memory_space<vmem>>, %arg7: memref<512xi32, #tpu.memory_space<vmem>>, %arg8: memref<1600x32xf32, #tpu.memory_space<vmem>>, %arg9: memref<1600x32xf32, #tpu.memory_space<vmem>>, %arg10: memref<1024xf32, #tpu.memory_space<vmem>>, %arg11: memref<1024xf32, #tpu.memory_space<vmem>>, %arg12: memref<!tpu.dma_semaphore, #tpu.memory_space<semaphore_mem>>, %arg13: memref<!tpu.dma_semaphore, #tpu.memory_space<semaphore_mem>>) attributes {dimension_semantics = [#tpu.dimension_semantics<core_parallel>, #tpu.dimension_semantics<subcore_parallel>], iteration_bounds = array<i64: 2, 16>, scalar_prefetch = 0 : i64, scratch_operands = 8 : i64, tpu.core_type = #tpu.core_type<sc_vector_subcore>, window_params = [{transform_indices = #map}, {transform_indices = #map}, {transform_indices = #map1}, {transform_indices = #map}]} {
    %mul3A = arith.constant 2 : i32
    %mul3A_0 = arith.muli %arg1, %mul3A : i32
    %add3A = arith.addi %mul3A_0, %arg0 : i32
    %mul3A_1 = arith.constant 512 : i32
    %mul3A_2 = arith.muli %add3A, %mul3A_1 : i32
    %mul3A_3 = arith.constant 50 : i32
    %mul3A_4 = arith.muli %mul3A_2, %mul3A_3 : i32
    "tpu.region"() ({
      %run_scoped3A = tpu.sem_alloc : memref<!tpu.dma_semaphore, #tpu.memory_space<semaphore_mem>>
      %dma_start3A_121 = tpu.memref_slice %arg2[%mul3A_4] : memref<819200xi32, #tpu.memory_space<hbm>> -> memref<25600xi32, #tpu.memory_space<hbm>>
      %dma_start3A_122 = tpu.memref_slice %arg2[%mul3A_4] : memref<819200xi32, #tpu.memory_space<hbm>> -> memref<25600xi32, #tpu.memory_space<hbm>>
      tpu.enqueue_dma source(%dma_start3A_122 : memref<25600xi32, #tpu.memory_space<hbm>>) target(%arg6 : memref<25600xi32, #tpu.memory_space<vmem>>) target_semaphore(%run_scoped3A : memref<!tpu.dma_semaphore, #tpu.memory_space<semaphore_mem>>)
      %dma_wait3A = tpu.memref_slice %arg2[%mul3A_4] : memref<819200xi32, #tpu.memory_space<hbm>> -> memref<25600xi32, #tpu.memory_space<hbm>>
      %dma_wait3A_123 = tpu.memref_slice %arg2[%mul3A_4] : memref<819200xi32, #tpu.memory_space<hbm>> -> memref<25600xi32, #tpu.memory_space<hbm>>
      tpu.wait_dma2 semaphore(%run_scoped3A : memref<!tpu.dma_semaphore, #tpu.memory_space<semaphore_mem>>) src(%dma_wait3A_123 : memref<25600xi32, #tpu.memory_space<hbm>>) dst(%arg6 : memref<25600xi32, #tpu.memory_space<vmem>>)
      tpu.yield
    }) : () -> ()
    "tpu.region"() ({
      %run_scoped3A = tpu.sem_alloc : memref<!tpu.dma_semaphore, #tpu.memory_space<semaphore_mem>>
      %dma_start3A_121 = tpu.memref_slice %arg3[%mul3A_2] : memref<16384xi32, #tpu.memory_space<hbm>> -> memref<512xi32, #tpu.memory_space<hbm>>
      %dma_start3A_122 = tpu.memref_slice %arg3[%mul3A_2] : memref<16384xi32, #tpu.memory_space<hbm>> -> memref<512xi32, #tpu.memory_space<hbm>>
      tpu.enqueue_dma source(%dma_start3A_122 : memref<512xi32, #tpu.memory_space<hbm>>) target(%arg7 : memref<512xi32, #tpu.memory_space<vmem>>) target_semaphore(%run_scoped3A : memref<!tpu.dma_semaphore, #tpu.memory_space<semaphore_mem>>)
      %dma_wait3A = tpu.memref_slice %arg3[%mul3A_2] : memref<16384xi32, #tpu.memory_space<hbm>> -> memref<512xi32, #tpu.memory_space<hbm>>
      %dma_wait3A_123 = tpu.memref_slice %arg3[%mul3A_2] : memref<16384xi32, #tpu.memory_space<hbm>> -> memref<512xi32, #tpu.memory_space<hbm>>
      tpu.wait_dma2 semaphore(%run_scoped3A : memref<!tpu.dma_semaphore, #tpu.memory_space<semaphore_mem>>) src(%dma_wait3A_123 : memref<512xi32, #tpu.memory_space<hbm>>) dst(%arg7 : memref<512xi32, #tpu.memory_space<vmem>>)
      tpu.yield
    }) : () -> ()
    %scan3A = arith.constant 0 : i32
    %scan3A_5 = arith.constant 0 : i32
    %scan3A_6 = arith.constant 1600 : i32
    %scan3A_7 = arith.addi %scan3A_5, %scan3A_6 : i32
    %scan3A_8 = arith.constant 1 : i32
    %scan3A_9 = scf.for %scan3A_121 = %scan3A_5 to %scan3A_7 step %scan3A_8 iter_args(%scan3A_122 = %scan3A) -> (i32)  : i32 {
      %mul3A_123 = arith.constant 16 : i32
      %mul3A_124 = arith.muli %scan3A_121, %mul3A_123 : i32
      %get3A = arith.index_cast %mul3A_124 : i32 to index
      %get3A_125 = tpu.vector_load %arg6[%get3A] {strides = array<i32>} : memref<25600xi32, #tpu.memory_space<vmem>>, vector<16xi32>,
      %get3A_126 = vector.shape_cast %get3A_125 : vector<16xi32> to vector<16xi32>
      %and3A = arith.constant -512 : i32
      %and3A_127 = vector.broadcast %and3A : i32 to vector<16xi32>
      %and3A_128 = arith.andi %get3A_126, %and3A_127 : vector<16xi32>
      %and3A_129 = arith.constant 127 : i32
      %and3A_130 = vector.broadcast %and3A_129 : i32 to vector<16xi32>
      %and3A_131 = arith.andi %get3A_126, %and3A_130 : vector<16xi32>
      %shift_left3A = arith.constant 2 : i32
      %shift_left3A_132 = vector.broadcast %shift_left3A : i32 to vector<16xi32>
      %shift_left3A_133 = arith.shli %and3A_131, %shift_left3A_132 : vector<16xi32>
      %add3A_134 = arith.addi %and3A_128, %shift_left3A_133 : vector<16xi32>
      %shift_right_arithmetic3A = arith.constant 7 : i32
      %shift_right_arithmetic3A_135 = vector.broadcast %shift_right_arithmetic3A : i32 to vector<16xi32>
      %shift_right_arithmetic3A_136 = arith.shrsi %get3A_126, %shift_right_arithmetic3A_135 : vector<16xi32>
      %and3A_137 = arith.constant 3 : i32
      %and3A_138 = vector.broadcast %and3A_137 : i32 to vector<16xi32>
      %and3A_139 = arith.andi %shift_right_arithmetic3A_136, %and3A_138 : vector<16xi32>
      %add3A_140 = arith.addi %add3A_134, %and3A_139 : vector<16xi32>
      %mul3A_141 = arith.constant 16 : i32
      %mul3A_142 = arith.muli %scan3A_121, %mul3A_141 : i32
      %swap3A = arith.index_cast %mul3A_142 : i32 to index
      %swap3A_143 = tpu.vector_load %arg6[%swap3A] {strides = array<i32>} : memref<25600xi32, #tpu.memory_space<vmem>>, vector<16xi32>,
      %swap3A_144 = vector.shape_cast %swap3A_143 : vector<16xi32> to vector<16xi32>
      %swap3A_145 = vector.shape_cast %add3A_140 : vector<16xi32> to vector<16xi32>
      tpu.vector_store %arg6[%swap3A], %swap3A_145 {strides = array<i32>} : memref<25600xi32, #tpu.memory_space<vmem>>, vector<16xi32>,
      %scan3A_146 = arith.constant 0 : i32
      scf.yield %scan3A_146 : i32
    }
    %scan3A_10 = arith.constant 1600 : i32
    %dma_start3A = arith.constant 0 : i32
    %dma_start3A_11 = arith.constant 0 : i32
    %dma_start3A_12 = tpu.memref_slice %arg8[%dma_start3A, %dma_start3A_11] : memref<1600x32xf32, #tpu.memory_space<vmem>> -> memref<128x32xf32, #tpu.memory_space<vmem>>
    %dma_start3A_13 = arith.constant 0 : i32
    %dma_start3A_14 = tpu.memref_slice %arg6[%dma_start3A_13] : memref<25600xi32, #tpu.memory_space<vmem>> -> memref<128xi32, #tpu.memory_space<vmem>>
    %dma_start3A_15 = arith.constant 0 : i32
    %dma_start3A_16 = arith.constant 0 : i32
    %dma_start3A_17 = tpu.memref_slice %arg4[%dma_start3A_15, %dma_start3A_16] : memref<1048576x32xf32, #tpu.memory_space<hbm>> -> memref<1048576x32xf32, #tpu.memory_space<hbm>>
    tpu.enqueue_indirect_dma source(%dma_start3A_17 : memref<1048576x32xf32, #tpu.memory_space<hbm>>) target(%dma_start3A_12 : memref<128x32xf32, #tpu.memory_space<vmem>>) offsets(%dma_start3A_14 : memref<128xi32, #tpu.memory_space<vmem>>) semaphore(%arg12 : memref<!tpu.dma_semaphore, #tpu.memory_space<semaphore_mem>>)
    %dma_start3A_18 = arith.constant 128 : i32
    %dma_start3A_19 = arith.constant 0 : i32
    %dma_start3A_20 = tpu.memref_slice %arg8[%dma_start3A_18, %dma_start3A_19] : memref<1600x32xf32, #tpu.memory_space<vmem>> -> memref<128x32xf32, #tpu.memory_space<vmem>>
    %dma_start3A_21 = arith.constant 128 : i32
    %dma_start3A_22 = tpu.memref_slice %arg6[%dma_start3A_21] : memref<25600xi32, #tpu.memory_space<vmem>> -> memref<128xi32, #tpu.memory_space<vmem>>
    %dma_start3A_23 = arith.constant 0 : i32
    %dma_start3A_24 = arith.constant 0 : i32
    %dma_start3A_25 = tpu.memref_slice %arg4[%dma_start3A_23, %dma_start3A_24] : memref<1048576x32xf32, #tpu.memory_space<hbm>> -> memref<1048576x32xf32, #tpu.memory_space<hbm>>
    tpu.enqueue_indirect_dma source(%dma_start3A_25 : memref<1048576x32xf32, #tpu.memory_space<hbm>>) target(%dma_start3A_20 : memref<128x32xf32, #tpu.memory_space<vmem>>) offsets(%dma_start3A_22 : memref<128xi32, #tpu.memory_space<vmem>>) semaphore(%arg12 : memref<!tpu.dma_semaphore, #tpu.memory_space<semaphore_mem>>)
    %dma_start3A_26 = arith.constant 256 : i32
    %dma_start3A_27 = arith.constant 0 : i32
    %dma_start3A_28 = tpu.memref_slice %arg8[%dma_start3A_26, %dma_start3A_27] : memref<1600x32xf32, #tpu.memory_space<vmem>> -> memref<128x32xf32, #tpu.memory_space<vmem>>
    %dma_start3A_29 = arith.constant 256 : i32
    %dma_start3A_30 = tpu.memref_slice %arg6[%dma_start3A_29] : memref<25600xi32, #tpu.memory_space<vmem>> -> memref<128xi32, #tpu.memory_space<vmem>>
    %dma_start3A_31 = arith.constant 0 : i32
    %dma_start3A_32 = arith.constant 0 : i32
    %dma_start3A_33 = tpu.memref_slice %arg4[%dma_start3A_31, %dma_start3A_32] : memref<1048576x32xf32, #tpu.memory_space<hbm>> -> memref<1048576x32xf32, #tpu.memory_space<hbm>>
    tpu.enqueue_indirect_dma source(%dma_start3A_33 : memref<1048576x32xf32, #tpu.memory_space<hbm>>) target(%dma_start3A_28 : memref<128x32xf32, #tpu.memory_space<vmem>>) offsets(%dma_start3A_30 : memref<128xi32, #tpu.memory_space<vmem>>) semaphore(%arg12 : memref<!tpu.dma_semaphore, #tpu.memory_space<semaphore_mem>>)
    %dma_start3A_34 = arith.constant 384 : i32
    %dma_start3A_35 = arith.constant 0 : i32
    %dma_start3A_36 = tpu.memref_slice %arg8[%dma_start3A_34, %dma_start3A_35] : memref<1600x32xf32, #tpu.memory_space<vmem>> -> memref<128x32xf32, #tpu.memory_space<vmem>>
    %dma_start3A_37 = arith.constant 384 : i32
    %dma_start3A_38 = tpu.memref_slice %arg6[%dma_start3A_37] : memref<25600xi32, #tpu.memory_space<vmem>> -> memref<128xi32, #tpu.memory_space<vmem>>
    %dma_start3A_39 = arith.constant 0 : i32
    %dma_start3A_40 = arith.constant 0 : i32
    %dma_start3A_41 = tpu.memref_slice %arg4[%dma_start3A_39, %dma_start3A_40] : memref<1048576x32xf32, #tpu.memory_space<hbm>> -> memref<1048576x32xf32, #tpu.memory_space<hbm>>
    tpu.enqueue_indirect_dma source(%dma_start3A_41 : memref<1048576x32xf32, #tpu.memory_space<hbm>>) target(%dma_start3A_36 : memref<128x32xf32, #tpu.memory_space<vmem>>) offsets(%dma_start3A_38 : memref<128xi32, #tpu.memory_space<vmem>>) semaphore(%arg12 : memref<!tpu.dma_semaphore, #tpu.memory_space<semaphore_mem>>)
    %dma_start3A_42 = arith.constant 512 : i32
    %dma_start3A_43 = arith.constant 0 : i32
    %dma_start3A_44 = tpu.memref_slice %arg8[%dma_start3A_42, %dma_start3A_43] : memref<1600x32xf32, #tpu.memory_space<vmem>> -> memref<128x32xf32, #tpu.memory_space<vmem>>
    %dma_start3A_45 = arith.constant 512 : i32
    %dma_start3A_46 = tpu.memref_slice %arg6[%dma_start3A_45] : memref<25600xi32, #tpu.memory_space<vmem>> -> memref<128xi32, #tpu.memory_space<vmem>>
    %dma_start3A_47 = arith.constant 0 : i32
    %dma_start3A_48 = arith.constant 0 : i32
    %dma_start3A_49 = tpu.memref_slice %arg4[%dma_start3A_47, %dma_start3A_48] : memref<1048576x32xf32, #tpu.memory_space<hbm>> -> memref<1048576x32xf32, #tpu.memory_space<hbm>>
    tpu.enqueue_indirect_dma source(%dma_start3A_49 : memref<1048576x32xf32, #tpu.memory_space<hbm>>) target(%dma_start3A_44 : memref<128x32xf32, #tpu.memory_space<vmem>>) offsets(%dma_start3A_46 : memref<128xi32, #tpu.memory_space<vmem>>) semaphore(%arg12 : memref<!tpu.dma_semaphore, #tpu.memory_space<semaphore_mem>>)
    %dma_start3A_50 = arith.constant 640 : i32
    %dma_start3A_51 = arith.constant 0 : i32
    %dma_start3A_52 = tpu.memref_slice %arg8[%dma_start3A_50, %dma_start3A_51] : memref<1600x32xf32, #tpu.memory_space<vmem>> -> memref<128x32xf32, #tpu.memory_space<vmem>>
    %dma_start3A_53 = arith.constant 640 : i32
    %dma_start3A_54 = tpu.memref_slice %arg6[%dma_start3A_53] : memref<25600xi32, #tpu.memory_space<vmem>> -> memref<128xi32, #tpu.memory_space<vmem>>
    %dma_start3A_55 = arith.constant 0 : i32
    %dma_start3A_56 = arith.constant 0 : i32
    %dma_start3A_57 = tpu.memref_slice %arg4[%dma_start3A_55, %dma_start3A_56] : memref<1048576x32xf32, #tpu.memory_space<hbm>> -> memref<1048576x32xf32, #tpu.memory_space<hbm>>
    tpu.enqueue_indirect_dma source(%dma_start3A_57 : memref<1048576x32xf32, #tpu.memory_space<hbm>>) target(%dma_start3A_52 : memref<128x32xf32, #tpu.memory_space<vmem>>) offsets(%dma_start3A_54 : memref<128xi32, #tpu.memory_space<vmem>>) semaphore(%arg12 : memref<!tpu.dma_semaphore, #tpu.memory_space<semaphore_mem>>)
    %dma_start3A_58 = arith.constant 768 : i32
    %dma_start3A_59 = arith.constant 0 : i32
    %dma_start3A_60 = tpu.memref_slice %arg8[%dma_start3A_58, %dma_start3A_59] : memref<1600x32xf32, #tpu.memory_space<vmem>> -> memref<128x32xf32, #tpu.memory_space<vmem>>
    %dma_start3A_61 = arith.constant 768 : i32
    %dma_start3A_62 = tpu.memref_slice %arg6[%dma_start3A_61] : memref<25600xi32, #tpu.memory_space<vmem>> -> memref<128xi32, #tpu.memory_space<vmem>>
    %dma_start3A_63 = arith.constant 0 : i32
    %dma_start3A_64 = arith.constant 0 : i32
    %dma_start3A_65 = tpu.memref_slice %arg4[%dma_start3A_63, %dma_start3A_64] : memref<1048576x32xf32, #tpu.memory_space<hbm>> -> memref<1048576x32xf32, #tpu.memory_space<hbm>>
    tpu.enqueue_indirect_dma source(%dma_start3A_65 : memref<1048576x32xf32, #tpu.memory_space<hbm>>) target(%dma_start3A_60 : memref<128x32xf32, #tpu.memory_space<vmem>>) offsets(%dma_start3A_62 : memref<128xi32, #tpu.memory_space<vmem>>) semaphore(%arg12 : memref<!tpu.dma_semaphore, #tpu.memory_space<semaphore_mem>>)
    %dma_start3A_66 = arith.constant 896 : i32
    %dma_start3A_67 = arith.constant 0 : i32
    %dma_start3A_68 = tpu.memref_slice %arg8[%dma_start3A_66, %dma_start3A_67] : memref<1600x32xf32, #tpu.memory_space<vmem>> -> memref<128x32xf32, #tpu.memory_space<vmem>>
    %dma_start3A_69 = arith.constant 896 : i32
    %dma_start3A_70 = tpu.memref_slice %arg6[%dma_start3A_69] : memref<25600xi32, #tpu.memory_space<vmem>> -> memref<128xi32, #tpu.memory_space<vmem>>
    %dma_start3A_71 = arith.constant 0 : i32
    %dma_start3A_72 = arith.constant 0 : i32
    %dma_start3A_73 = tpu.memref_slice %arg4[%dma_start3A_71, %dma_start3A_72] : memref<1048576x32xf32, #tpu.memory_space<hbm>> -> memref<1048576x32xf32, #tpu.memory_space<hbm>>
    tpu.enqueue_indirect_dma source(%dma_start3A_73 : memref<1048576x32xf32, #tpu.memory_space<hbm>>) target(%dma_start3A_68 : memref<128x32xf32, #tpu.memory_space<vmem>>) offsets(%dma_start3A_70 : memref<128xi32, #tpu.memory_space<vmem>>) semaphore(%arg12 : memref<!tpu.dma_semaphore, #tpu.memory_space<semaphore_mem>>)
    %dma_start3A_74 = arith.constant 1024 : i32
    %dma_start3A_75 = arith.constant 0 : i32
    %dma_start3A_76 = tpu.memref_slice %arg8[%dma_start3A_74, %dma_start3A_75] : memref<1600x32xf32, #tpu.memory_space<vmem>> -> memref<128x32xf32, #tpu.memory_space<vmem>>
    %dma_start3A_77 = arith.constant 1024 : i32
    %dma_start3A_78 = tpu.memref_slice %arg6[%dma_start3A_77] : memref<25600xi32, #tpu.memory_space<vmem>> -> memref<128xi32, #tpu.memory_space<vmem>>
    %dma_start3A_79 = arith.constant 0 : i32
    %dma_start3A_80 = arith.constant 0 : i32
    %dma_start3A_81 = tpu.memref_slice %arg4[%dma_start3A_79, %dma_start3A_80] : memref<1048576x32xf32, #tpu.memory_space<hbm>> -> memref<1048576x32xf32, #tpu.memory_space<hbm>>
    tpu.enqueue_indirect_dma source(%dma_start3A_81 : memref<1048576x32xf32, #tpu.memory_space<hbm>>) target(%dma_start3A_76 : memref<128x32xf32, #tpu.memory_space<vmem>>) offsets(%dma_start3A_78 : memref<128xi32, #tpu.memory_space<vmem>>) semaphore(%arg12 : memref<!tpu.dma_semaphore, #tpu.memory_space<semaphore_mem>>)
    %dma_start3A_82 = arith.constant 1152 : i32
    %dma_start3A_83 = arith.constant 0 : i32
    %dma_start3A_84 = tpu.memref_slice %arg8[%dma_start3A_82, %dma_start3A_83] : memref<1600x32xf32, #tpu.memory_space<vmem>> -> memref<128x32xf32, #tpu.memory_space<vmem>>
    %dma_start3A_85 = arith.constant 1152 : i32
    %dma_start3A_86 = tpu.memref_slice %arg6[%dma_start3A_85] : memref<25600xi32, #tpu.memory_space<vmem>> -> memref<128xi32, #tpu.memory_space<vmem>>
    %dma_start3A_87 = arith.constant 0 : i32
    %dma_start3A_88 = arith.constant 0 : i32
    %dma_start3A_89 = tpu.memref_slice %arg4[%dma_start3A_87, %dma_start3A_88] : memref<1048576x32xf32, #tpu.memory_space<hbm>> -> memref<1048576x32xf32, #tpu.memory_space<hbm>>
    tpu.enqueue_indirect_dma source(%dma_start3A_89 : memref<1048576x32xf32, #tpu.memory_space<hbm>>) target(%dma_start3A_84 : memref<128x32xf32, #tpu.memory_space<vmem>>) offsets(%dma_start3A_86 : memref<128xi32, #tpu.memory_space<vmem>>) semaphore(%arg12 : memref<!tpu.dma_semaphore, #tpu.memory_space<semaphore_mem>>)
    %dma_start3A_90 = arith.constant 1280 : i32
    %dma_start3A_91 = arith.constant 0 : i32
    %dma_start3A_92 = tpu.memref_slice %arg8[%dma_start3A_90, %dma_start3A_91] : memref<1600x32xf32, #tpu.memory_space<vmem>> -> memref<128x32xf32, #tpu.memory_space<vmem>>
    %dma_start3A_93 = arith.constant 1280 : i32
    %dma_start3A_94 = tpu.memref_slice %arg6[%dma_start3A_93] : memref<25600xi32, #tpu.memory_space<vmem>> -> memref<128xi32, #tpu.memory_space<vmem>>
    %dma_start3A_95 = arith.constant 0 : i32
    %dma_start3A_96 = arith.constant 0 : i32
    %dma_start3A_97 = tpu.memref_slice %arg4[%dma_start3A_95, %dma_start3A_96] : memref<1048576x32xf32, #tpu.memory_space<hbm>> -> memref<1048576x32xf32, #tpu.memory_space<hbm>>
    tpu.enqueue_indirect_dma source(%dma_start3A_97 : memref<1048576x32xf32, #tpu.memory_space<hbm>>) target(%dma_start3A_92 : memref<128x32xf32, #tpu.memory_space<vmem>>) offsets(%dma_start3A_94 : memref<128xi32, #tpu.memory_space<vmem>>) semaphore(%arg12 : memref<!tpu.dma_semaphore, #tpu.memory_space<semaphore_mem>>)
    %dma_start3A_98 = arith.constant 1408 : i32
    %dma_start3A_99 = arith.constant 0 : i32
    %dma_start3A_100 = tpu.memref_slice %arg8[%dma_start3A_98, %dma_start3A_99] : memref<1600x32xf32, #tpu.memory_space<vmem>> -> memref<128x32xf32, #tpu.memory_space<vmem>>
    %dma_start3A_101 = arith.constant 1408 : i32
    %dma_start3A_102 = tpu.memref_slice %arg6[%dma_start3A_101] : memref<25600xi32, #tpu.memory_space<vmem>> -> memref<128xi32, #tpu.memory_space<vmem>>
    %dma_start3A_103 = arith.constant 0 : i32
    %dma_start3A_104 = arith.constant 0 : i32
    %dma_start3A_105 = tpu.memref_slice %arg4[%dma_start3A_103, %dma_start3A_104] : memref<1048576x32xf32, #tpu.memory_space<hbm>> -> memref<1048576x32xf32, #tpu.memory_space<hbm>>
    tpu.enqueue_indirect_dma source(%dma_start3A_105 : memref<1048576x32xf32, #tpu.memory_space<hbm>>) target(%dma_start3A_100 : memref<128x32xf32, #tpu.memory_space<vmem>>) offsets(%dma_start3A_102 : memref<128xi32, #tpu.memory_space<vmem>>) semaphore(%arg12 : memref<!tpu.dma_semaphore, #tpu.memory_space<semaphore_mem>>)
    %dma_start3A_106 = arith.constant 1536 : i32
    %dma_start3A_107 = arith.constant 0 : i32
    %dma_start3A_108 = tpu.memref_slice %arg8[%dma_start3A_106, %dma_start3A_107] : memref<1600x32xf32, #tpu.memory_space<vmem>> -> memref<64x32xf32, #tpu.memory_space<vmem>>
    %dma_start3A_109 = arith.constant 1536 : i32
    %dma_start3A_110 = tpu.memref_slice %arg6[%dma_start3A_109] : memref<25600xi32, #tpu.memory_space<vmem>> -> memref<64xi32, #tpu.memory_space<vmem>>
    %dma_start3A_111 = arith.constant 0 : i32
    %dma_start3A_112 = arith.constant 0 : i32
    %dma_start3A_113 = tpu.memref_slice %arg4[%dma_start3A_111, %dma_start3A_112] : memref<1048576x32xf32, #tpu.memory_space<hbm>> -> memref<1048576x32xf32, #tpu.memory_space<hbm>>
    tpu.enqueue_indirect_dma source(%dma_start3A_113 : memref<1048576x32xf32, #tpu.memory_space<hbm>>) target(%dma_start3A_108 : memref<64x32xf32, #tpu.memory_space<vmem>>) offsets(%dma_start3A_110 : memref<64xi32, #tpu.memory_space<vmem>>) semaphore(%arg12 : memref<!tpu.dma_semaphore, #tpu.memory_space<semaphore_mem>>)
    %scan3A_114 = arith.constant 0 : i32
    %scan3A_115 = arith.constant 0 : i32
    %scan3A_116 = arith.constant 8 : i32
    %scan3A_117 = arith.addi %scan3A_115, %scan3A_116 : i32
    %scan3A_118 = arith.constant 1 : i32
    %scan3A_119 = scf.for %scan3A_121 = %scan3A_115 to %scan3A_117 step %scan3A_118 iter_args(%scan3A_122 = %scan3A_114) -> (i32)  : i32 {
      %mul3A_123 = arith.constant 2 : i32
      %mul3A_124 = arith.muli %mul3A_123, %scan3A_121 : i32
      %add3A_125 = arith.constant 1 : i32
      %add3A_126 = arith.addi %mul3A_124, %add3A_125 : i32
      %mul3A_127 = arith.constant 1600 : i32
      %mul3A_128 = arith.muli %add3A_126, %mul3A_127 : i32
      %add3A_129 = arith.constant 0 : i32
      %add3A_130 = arith.addi %mul3A_128, %add3A_129 : i32
      %dma_start3A_131 = arith.constant 0 : i32
      %dma_start3A_132 = arith.constant 0 : i32
      %dma_start3A_133 = tpu.memref_slice %arg9[%dma_start3A_131, %dma_start3A_132] : memref<1600x32xf32, #tpu.memory_space<vmem>> -> memref<128x32xf32, #tpu.memory_space<vmem>>
      %dma_start3A_134 = tpu.memref_slice %arg6[%add3A_130] : memref<25600xi32, #tpu.memory_space<vmem>> -> memref<128xi32, #tpu.memory_space<vmem>>
      %dma_start3A_135 = arith.constant 0 : i32
      %dma_start3A_136 = arith.constant 0 : i32
      %dma_start3A_137 = tpu.memref_slice %arg4[%dma_start3A_135, %dma_start3A_136] : memref<1048576x32xf32, #tpu.memory_space<hbm>> -> memref<1048576x32xf32, #tpu.memory_space<hbm>>
      tpu.enqueue_indirect_dma source(%dma_start3A_137 : memref<1048576x32xf32, #tpu.memory_space<hbm>>) target(%dma_start3A_133 : memref<128x32xf32, #tpu.memory_space<vmem>>) offsets(%dma_start3A_134 : memref<128xi32, #tpu.memory_space<vmem>>) semaphore(%arg13 : memref<!tpu.dma_semaphore, #tpu.memory_space<semaphore_mem>>)
      %add3A_138 = arith.constant 128 : i32
      %add3A_139 = arith.addi %mul3A_128, %add3A_138 : i32
      %dma_start3A_140 = arith.constant 128 : i32
      %dma_start3A_141 = arith.constant 0 : i32
      %dma_start3A_142 = tpu.memref_slice %arg9[%dma_start3A_140, %dma_start3A_141] : memref<1600x32xf32, #tpu.memory_space<vmem>> -> memref<128x32xf32, #tpu.memory_space<vmem>>
      %dma_start3A_143 = tpu.memref_slice %arg6[%add3A_139] : memref<25600xi32, #tpu.memory_space<vmem>> -> memref<128xi32, #tpu.memory_space<vmem>>
      %dma_start3A_144 = arith.constant 0 : i32
      %dma_start3A_145 = arith.constant 0 : i32
      %dma_start3A_146 = tpu.memref_slice %arg4[%dma_start3A_144, %dma_start3A_145] : memref<1048576x32xf32, #tpu.memory_space<hbm>> -> memref<1048576x32xf32, #tpu.memory_space<hbm>>
      tpu.enqueue_indirect_dma source(%dma_start3A_146 : memref<1048576x32xf32, #tpu.memory_space<hbm>>) target(%dma_start3A_142 : memref<128x32xf32, #tpu.memory_space<vmem>>) offsets(%dma_start3A_143 : memref<128xi32, #tpu.memory_space<vmem>>) semaphore(%arg13 : memref<!tpu.dma_semaphore, #tpu.memory_space<semaphore_mem>>)
      %add3A_147 = arith.constant 256 : i32
      %add3A_148 = arith.addi %mul3A_128, %add3A_147 : i32
      %dma_start3A_149 = arith.constant 256 : i32
      %dma_start3A_150 = arith.constant 0 : i32
      %dma_start3A_151 = tpu.memref_slice %arg9[%dma_start3A_149, %dma_start3A_150] : memref<1600x32xf32, #tpu.memory_space<vmem>> -> memref<128x32xf32, #tpu.memory_space<vmem>>
      %dma_start3A_152 = tpu.memref_slice %arg6[%add3A_148] : memref<25600xi32, #tpu.memory_space<vmem>> -> memref<128xi32, #tpu.memory_space<vmem>>
      %dma_start3A_153 = arith.constant 0 : i32
      %dma_start3A_154 = arith.constant 0 : i32
      %dma_start3A_155 = tpu.memref_slice %arg4[%dma_start3A_153, %dma_start3A_154] : memref<1048576x32xf32, #tpu.memory_space<hbm>> -> memref<1048576x32xf32, #tpu.memory_space<hbm>>
      tpu.enqueue_indirect_dma source(%dma_start3A_155 : memref<1048576x32xf32, #tpu.memory_space<hbm>>) target(%dma_start3A_151 : memref<128x32xf32, #tpu.memory_space<vmem>>) offsets(%dma_start3A_152 : memref<128xi32, #tpu.memory_space<vmem>>) semaphore(%arg13 : memref<!tpu.dma_semaphore, #tpu.memory_space<semaphore_mem>>)
      %add3A_156 = arith.constant 384 : i32
      %add3A_157 = arith.addi %mul3A_128, %add3A_156 : i32
      %dma_start3A_158 = arith.constant 384 : i32
      %dma_start3A_159 = arith.constant 0 : i32
      %dma_start3A_160 = tpu.memref_slice %arg9[%dma_start3A_158, %dma_start3A_159] : memref<1600x32xf32, #tpu.memory_space<vmem>> -> memref<128x32xf32, #tpu.memory_space<vmem>>
      %dma_start3A_161 = tpu.memref_slice %arg6[%add3A_157] : memref<25600xi32, #tpu.memory_space<vmem>> -> memref<128xi32, #tpu.memory_space<vmem>>
      %dma_start3A_162 = arith.constant 0 : i32
      %dma_start3A_163 = arith.constant 0 : i32
      %dma_start3A_164 = tpu.memref_slice %arg4[%dma_start3A_162, %dma_start3A_163] : memref<1048576x32xf32, #tpu.memory_space<hbm>> -> memref<1048576x32xf32, #tpu.memory_space<hbm>>
      tpu.enqueue_indirect_dma source(%dma_start3A_164 : memref<1048576x32xf32, #tpu.memory_space<hbm>>) target(%dma_start3A_160 : memref<128x32xf32, #tpu.memory_space<vmem>>) offsets(%dma_start3A_161 : memref<128xi32, #tpu.memory_space<vmem>>) semaphore(%arg13 : memref<!tpu.dma_semaphore, #tpu.memory_space<semaphore_mem>>)
      %add3A_165 = arith.constant 512 : i32
      %add3A_166 = arith.addi %mul3A_128, %add3A_165 : i32
      %dma_start3A_167 = arith.constant 512 : i32
      %dma_start3A_168 = arith.constant 0 : i32
      %dma_start3A_169 = tpu.memref_slice %arg9[%dma_start3A_167, %dma_start3A_168] : memref<1600x32xf32, #tpu.memory_space<vmem>> -> memref<128x32xf32, #tpu.memory_space<vmem>>
      %dma_start3A_170 = tpu.memref_slice %arg6[%add3A_166] : memref<25600xi32, #tpu.memory_space<vmem>> -> memref<128xi32, #tpu.memory_space<vmem>>
      %dma_start3A_171 = arith.constant 0 : i32
      %dma_start3A_172 = arith.constant 0 : i32
      %dma_start3A_173 = tpu.memref_slice %arg4[%dma_start3A_171, %dma_start3A_172] : memref<1048576x32xf32, #tpu.memory_space<hbm>> -> memref<1048576x32xf32, #tpu.memory_space<hbm>>
      tpu.enqueue_indirect_dma source(%dma_start3A_173 : memref<1048576x32xf32, #tpu.memory_space<hbm>>) target(%dma_start3A_169 : memref<128x32xf32, #tpu.memory_space<vmem>>) offsets(%dma_start3A_170 : memref<128xi32, #tpu.memory_space<vmem>>) semaphore(%arg13 : memref<!tpu.dma_semaphore, #tpu.memory_space<semaphore_mem>>)
      %add3A_174 = arith.constant 640 : i32
      %add3A_175 = arith.addi %mul3A_128, %add3A_174 : i32
      %dma_start3A_176 = arith.constant 640 : i32
      %dma_start3A_177 = arith.constant 0 : i32
      %dma_start3A_178 = tpu.memref_slice %arg9[%dma_start3A_176, %dma_start3A_177] : memref<1600x32xf32, #tpu.memory_space<vmem>> -> memref<128x32xf32, #tpu.memory_space<vmem>>
      %dma_start3A_179 = tpu.memref_slice %arg6[%add3A_175] : memref<25600xi32, #tpu.memory_space<vmem>> -> memref<128xi32, #tpu.memory_space<vmem>>
      %dma_start3A_180 = arith.constant 0 : i32
      %dma_start3A_181 = arith.constant 0 : i32
      %dma_start3A_182 = tpu.memref_slice %arg4[%dma_start3A_180, %dma_start3A_181] : memref<1048576x32xf32, #tpu.memory_space<hbm>> -> memref<1048576x32xf32, #tpu.memory_space<hbm>>
      tpu.enqueue_indirect_dma source(%dma_start3A_182 : memref<1048576x32xf32, #tpu.memory_space<hbm>>) target(%dma_start3A_178 : memref<128x32xf32, #tpu.memory_space<vmem>>) offsets(%dma_start3A_179 : memref<128xi32, #tpu.memory_space<vmem>>) semaphore(%arg13 : memref<!tpu.dma_semaphore, #tpu.memory_space<semaphore_mem>>)
      %add3A_183 = arith.constant 768 : i32
      %add3A_184 = arith.addi %mul3A_128, %add3A_183 : i32
      %dma_start3A_185 = arith.constant 768 : i32
      %dma_start3A_186 = arith.constant 0 : i32
      %dma_start3A_187 = tpu.memref_slice %arg9[%dma_start3A_185, %dma_start3A_186] : memref<1600x32xf32, #tpu.memory_space<vmem>> -> memref<128x32xf32, #tpu.memory_space<vmem>>
      %dma_start3A_188 = tpu.memref_slice %arg6[%add3A_184] : memref<25600xi32, #tpu.memory_space<vmem>> -> memref<128xi32, #tpu.memory_space<vmem>>
      %dma_start3A_189 = arith.constant 0 : i32
      %dma_start3A_190 = arith.constant 0 : i32
      %dma_start3A_191 = tpu.memref_slice %arg4[%dma_start3A_189, %dma_start3A_190] : memref<1048576x32xf32, #tpu.memory_space<hbm>> -> memref<1048576x32xf32, #tpu.memory_space<hbm>>
      tpu.enqueue_indirect_dma source(%dma_start3A_191 : memref<1048576x32xf32, #tpu.memory_space<hbm>>) target(%dma_start3A_187 : memref<128x32xf32, #tpu.memory_space<vmem>>) offsets(%dma_start3A_188 : memref<128xi32, #tpu.memory_space<vmem>>) semaphore(%arg13 : memref<!tpu.dma_semaphore, #tpu.memory_space<semaphore_mem>>)
      %add3A_192 = arith.constant 896 : i32
      %add3A_193 = arith.addi %mul3A_128, %add3A_192 : i32
      %dma_start3A_194 = arith.constant 896 : i32
      %dma_start3A_195 = arith.constant 0 : i32
      %dma_start3A_196 = tpu.memref_slice %arg9[%dma_start3A_194, %dma_start3A_195] : memref<1600x32xf32, #tpu.memory_space<vmem>> -> memref<128x32xf32, #tpu.memory_space<vmem>>
      %dma_start3A_197 = tpu.memref_slice %arg6[%add3A_193] : memref<25600xi32, #tpu.memory_space<vmem>> -> memref<128xi32, #tpu.memory_space<vmem>>
      %dma_start3A_198 = arith.constant 0 : i32
      %dma_start3A_199 = arith.constant 0 : i32
      %dma_start3A_200 = tpu.memref_slice %arg4[%dma_start3A_198, %dma_start3A_199] : memref<1048576x32xf32, #tpu.memory_space<hbm>> -> memref<1048576x32xf32, #tpu.memory_space<hbm>>
      tpu.enqueue_indirect_dma source(%dma_start3A_200 : memref<1048576x32xf32, #tpu.memory_space<hbm>>) target(%dma_start3A_196 : memref<128x32xf32, #tpu.memory_space<vmem>>) offsets(%dma_start3A_197 : memref<128xi32, #tpu.memory_space<vmem>>) semaphore(%arg13 : memref<!tpu.dma_semaphore, #tpu.memory_space<semaphore_mem>>)
      %add3A_201 = arith.constant 1024 : i32
      %add3A_202 = arith.addi %mul3A_128, %add3A_201 : i32
      %dma_start3A_203 = arith.constant 1024 : i32
      %dma_start3A_204 = arith.constant 0 : i32
      %dma_start3A_205 = tpu.memref_slice %arg9[%dma_start3A_203, %dma_start3A_204] : memref<1600x32xf32, #tpu.memory_space<vmem>> -> memref<128x32xf32, #tpu.memory_space<vmem>>
      %dma_start3A_206 = tpu.memref_slice %arg6[%add3A_202] : memref<25600xi32, #tpu.memory_space<vmem>> -> memref<128xi32, #tpu.memory_space<vmem>>
      %dma_start3A_207 = arith.constant 0 : i32
      %dma_start3A_208 = arith.constant 0 : i32
      %dma_start3A_209 = tpu.memref_slice %arg4[%dma_start3A_207, %dma_start3A_208] : memref<1048576x32xf32, #tpu.memory_space<hbm>> -> memref<1048576x32xf32, #tpu.memory_space<hbm>>
      tpu.enqueue_indirect_dma source(%dma_start3A_209 : memref<1048576x32xf32, #tpu.memory_space<hbm>>) target(%dma_start3A_205 : memref<128x32xf32, #tpu.memory_space<vmem>>) offsets(%dma_start3A_206 : memref<128xi32, #tpu.memory_space<vmem>>) semaphore(%arg13 : memref<!tpu.dma_semaphore, #tpu.memory_space<semaphore_mem>>)
      %add3A_210 = arith.constant 1152 : i32
      %add3A_211 = arith.addi %mul3A_128, %add3A_210 : i32
      %dma_start3A_212 = arith.constant 1152 : i32
      %dma_start3A_213 = arith.constant 0 : i32
      %dma_start3A_214 = tpu.memref_slice %arg9[%dma_start3A_212, %dma_start3A_213] : memref<1600x32xf32, #tpu.memory_space<vmem>> -> memref<128x32xf32, #tpu.memory_space<vmem>>
      %dma_start3A_215 = tpu.memref_slice %arg6[%add3A_211] : memref<25600xi32, #tpu.memory_space<vmem>> -> memref<128xi32, #tpu.memory_space<vmem>>
      %dma_start3A_216 = arith.constant 0 : i32
      %dma_start3A_217 = arith.constant 0 : i32
      %dma_start3A_218 = tpu.memref_slice %arg4[%dma_start3A_216, %dma_start3A_217] : memref<1048576x32xf32, #tpu.memory_space<hbm>> -> memref<1048576x32xf32, #tpu.memory_space<hbm>>
      tpu.enqueue_indirect_dma source(%dma_start3A_218 : memref<1048576x32xf32, #tpu.memory_space<hbm>>) target(%dma_start3A_214 : memref<128x32xf32, #tpu.memory_space<vmem>>) offsets(%dma_start3A_215 : memref<128xi32, #tpu.memory_space<vmem>>) semaphore(%arg13 : memref<!tpu.dma_semaphore, #tpu.memory_space<semaphore_mem>>)
      %add3A_219 = arith.constant 1280 : i32
      %add3A_220 = arith.addi %mul3A_128, %add3A_219 : i32
      %dma_start3A_221 = arith.constant 1280 : i32
      %dma_start3A_222 = arith.constant 0 : i32
      %dma_start3A_223 = tpu.memref_slice %arg9[%dma_start3A_221, %dma_start3A_222] : memref<1600x32xf32, #tpu.memory_space<vmem>> -> memref<128x32xf32, #tpu.memory_space<vmem>>
      %dma_start3A_224 = tpu.memref_slice %arg6[%add3A_220] : memref<25600xi32, #tpu.memory_space<vmem>> -> memref<128xi32, #tpu.memory_space<vmem>>
      %dma_start3A_225 = arith.constant 0 : i32
      %dma_start3A_226 = arith.constant 0 : i32
      %dma_start3A_227 = tpu.memref_slice %arg4[%dma_start3A_225, %dma_start3A_226] : memref<1048576x32xf32, #tpu.memory_space<hbm>> -> memref<1048576x32xf32, #tpu.memory_space<hbm>>
      tpu.enqueue_indirect_dma source(%dma_start3A_227 : memref<1048576x32xf32, #tpu.memory_space<hbm>>) target(%dma_start3A_223 : memref<128x32xf32, #tpu.memory_space<vmem>>) offsets(%dma_start3A_224 : memref<128xi32, #tpu.memory_space<vmem>>) semaphore(%arg13 : memref<!tpu.dma_semaphore, #tpu.memory_space<semaphore_mem>>)
      %add3A_228 = arith.constant 1408 : i32
      %add3A_229 = arith.addi %mul3A_128, %add3A_228 : i32
      %dma_start3A_230 = arith.constant 1408 : i32
      %dma_start3A_231 = arith.constant 0 : i32
      %dma_start3A_232 = tpu.memref_slice %arg9[%dma_start3A_230, %dma_start3A_231] : memref<1600x32xf32, #tpu.memory_space<vmem>> -> memref<128x32xf32, #tpu.memory_space<vmem>>
      %dma_start3A_233 = tpu.memref_slice %arg6[%add3A_229] : memref<25600xi32, #tpu.memory_space<vmem>> -> memref<128xi32, #tpu.memory_space<vmem>>
      %dma_start3A_234 = arith.constant 0 : i32
      %dma_start3A_235 = arith.constant 0 : i32
      %dma_start3A_236 = tpu.memref_slice %arg4[%dma_start3A_234, %dma_start3A_235] : memref<1048576x32xf32, #tpu.memory_space<hbm>> -> memref<1048576x32xf32, #tpu.memory_space<hbm>>
      tpu.enqueue_indirect_dma source(%dma_start3A_236 : memref<1048576x32xf32, #tpu.memory_space<hbm>>) target(%dma_start3A_232 : memref<128x32xf32, #tpu.memory_space<vmem>>) offsets(%dma_start3A_233 : memref<128xi32, #tpu.memory_space<vmem>>) semaphore(%arg13 : memref<!tpu.dma_semaphore, #tpu.memory_space<semaphore_mem>>)
      %add3A_237 = arith.constant 1536 : i32
      %add3A_238 = arith.addi %mul3A_128, %add3A_237 : i32
      %dma_start3A_239 = arith.constant 1536 : i32
      %dma_start3A_240 = arith.constant 0 : i32
      %dma_start3A_241 = tpu.memref_slice %arg9[%dma_start3A_239, %dma_start3A_240] : memref<1600x32xf32, #tpu.memory_space<vmem>> -> memref<64x32xf32, #tpu.memory_space<vmem>>
      %dma_start3A_242 = tpu.memref_slice %arg6[%add3A_238] : memref<25600xi32, #tpu.memory_space<vmem>> -> memref<64xi32, #tpu.memory_space<vmem>>
      %dma_start3A_243 = arith.constant 0 : i32
      %dma_start3A_244 = arith.constant 0 : i32
      %dma_start3A_245 = tpu.memref_slice %arg4[%dma_start3A_243, %dma_start3A_244] : memref<1048576x32xf32, #tpu.memory_space<hbm>> -> memref<1048576x32xf32, #tpu.memory_space<hbm>>
      tpu.enqueue_indirect_dma source(%dma_start3A_245 : memref<1048576x32xf32, #tpu.memory_space<hbm>>) target(%dma_start3A_241 : memref<64x32xf32, #tpu.memory_space<vmem>>) offsets(%dma_start3A_242 : memref<64xi32, #tpu.memory_space<vmem>>) semaphore(%arg13 : memref<!tpu.dma_semaphore, #tpu.memory_space<semaphore_mem>>)
      %dma_wait3A = arith.constant 0 : i32
      %dma_wait3A_246 = arith.constant 0 : i32
      %dma_wait3A_247 = tpu.memref_slice %arg4[%dma_wait3A, %dma_wait3A_246] : memref<1048576x32xf32, #tpu.memory_space<hbm>> -> memref<1600x32xf32, #tpu.memory_space<hbm>>
      %dma_wait3A_248 = arith.constant 0 : i32
      %dma_wait3A_249 = arith.constant 0 : i32
      %dma_wait3A_250 = tpu.memref_slice %arg4[%dma_wait3A_248, %dma_wait3A_249] : memref<1048576x32xf32, #tpu.memory_space<hbm>> -> memref<1600x32xf32, #tpu.memory_space<hbm>>
      tpu.wait_dma2 semaphore(%arg12 : memref<!tpu.dma_semaphore, #tpu.memory_space<semaphore_mem>>) src(%dma_wait3A_250 : memref<1600x32xf32, #tpu.memory_space<hbm>>) dst(%arg8 : memref<1600x32xf32, #tpu.memory_space<vmem>>)
      %mul3A_251 = arith.constant 32 : i32
      %mul3A_252 = arith.muli %mul3A_124, %mul3A_251 : i32
      %add3A_253 = arith.addi %mul3A_2, %mul3A_252 : i32
      %mul3A_254 = arith.constant 32 : i32
      %mul3A_255 = arith.muli %mul3A_124, %mul3A_254 : i32
      %add3A_256 = arith.constant 0 : i32
      %add3A_257 = arith.addi %mul3A_255, %add3A_256 : i32
      %get3A = arith.index_cast %add3A_257 : i32 to index
      %get3A_258 = tpu.vector_load %arg7[%get3A] {strides = array<i32>} : memref<512xi32, #tpu.memory_space<vmem>>, vector<16xi32>,
      %get3A_259 = vector.shape_cast %get3A_258 : vector<16xi32> to vector<16xi32>
      %scan3A_260 = arith.constant 0 : i32
      %scan3A_261 = arith.constant 0 : i32
      %scan3A_262 = arith.constant 16 : i32
      %scan3A_263 = arith.addi %scan3A_261, %scan3A_262 : i32
      %scan3A_264 = arith.constant 1 : i32
      %scan3A_265 = scf.for %scan3A_327 = %scan3A_261 to %scan3A_263 step %scan3A_264 iter_args(%scan3A_328 = %scan3A_260) -> (i32)  : i32 {
        %broadcast_in_dim3A = vector.broadcast %scan3A_327 : i32 to vector<16x1xi32>
        %gather3A = vector.shape_cast %broadcast_in_dim3A : vector<16x1xi32> to vector<16xi32>
        %gather3A_329 = tpu.dynamic_gather %get3A_259[%gather3A] in [0] : vector<16xi32>, vector<16xi32> -> vector<16xi32>
        %iota3A = tpu.iota {dimensions = array<i32: 0>} : vector<16xi32>
        %shift_right_logical3A = arith.constant 4 : i32
        %shift_right_logical3A_330 = vector.broadcast %shift_right_logical3A : i32 to vector<16xi32>
        %shift_right_logical3A_331 = arith.shrui %iota3A, %shift_right_logical3A_330 : vector<16xi32>
        %add3A_332 = arith.addi %gather3A_329, %shift_right_logical3A_331 : vector<16xi32>
        %add3A_333 = arith.constant 0 : i32
        %add3A_334 = arith.addi %add3A_333, %scan3A_327 : i32
        %mul3A_335 = arith.constant 50 : i32
        %mul3A_336 = arith.muli %add3A_334, %mul3A_335 : i32
        %broadcast_in_dim3A_337 = arith.constant 0.000000e+00 : f32
        %broadcast_in_dim3A_338 = vector.broadcast %broadcast_in_dim3A_337 : f32 to vector<16xf32>
        %broadcast_in_dim3A_339 = arith.constant 0.000000e+00 : f32
        %broadcast_in_dim3A_340 = vector.broadcast %broadcast_in_dim3A_339 : f32 to vector<16xf32>
        %scan3A_341 = arith.constant 0 : i32
        %scan3A_342 = arith.constant 50 : i32
        %scan3A_343 = arith.addi %scan3A_341, %scan3A_342 : i32
        %scan3A_344 = arith.constant 1 : i32
        %scan3A_345:2 = scf.for %scan3A_369 = %scan3A_341 to %scan3A_343 step %scan3A_344 iter_args(%scan3A_370 = %broadcast_in_dim3A_338, %scan3A_371 = %broadcast_in_dim3A_340) -> (vector<16xf32>, vector<16xf32>)  : i32 {
          %broadcast_in_dim3A_372 = vector.broadcast %scan3A_369 : i32 to vector<16xi32>
          %lt3A_373 = arith.cmpi slt, %broadcast_in_dim3A_372, %add3A_332 : vector<16xi32>
          %add3A_374 = arith.addi %mul3A_336, %scan3A_369 : i32
          %get3A_375 = arith.index_cast %add3A_374 : i32 to index
          %get3A_376 = arith.constant 0 : index
          %get3A_377 = tpu.vector_load %arg8[%get3A_375, %get3A_376] {strides = array<i32>} : memref<1600x32xf32, #tpu.memory_space<vmem>>, vector<1x16xf32>,
          %get3A_378 = vector.shape_cast %get3A_377 : vector<1x16xf32> to vector<16xf32>
          %add3A_379 = arith.addi %mul3A_336, %scan3A_369 : i32
          %get3A_380 = arith.index_cast %add3A_379 : i32 to index
          %get3A_381 = arith.constant 16 : index
          %get3A_382 = tpu.vector_load %arg8[%get3A_380, %get3A_381] {strides = array<i32>} : memref<1600x32xf32, #tpu.memory_space<vmem>>, vector<1x16xf32>,
          %get3A_383 = vector.shape_cast %get3A_382 : vector<1x16xf32> to vector<16xf32>
          %broadcast_in_dim3A_384 = arith.constant 0.000000e+00 : f32
          %broadcast_in_dim3A_385 = vector.broadcast %broadcast_in_dim3A_384 : f32 to vector<16xf32>
          %select_n3A = arith.select %lt3A_373, %get3A_378, %broadcast_in_dim3A_385 : vector<16xi1>, vector<16xf32>
          %add3A_386 = arith.addf %scan3A_370, %select_n3A : vector<16xf32>
          %select_n3A_387 = arith.select %lt3A_373, %get3A_383, %broadcast_in_dim3A_385 : vector<16xi1>, vector<16xf32>
          %add3A_388 = arith.addf %scan3A_371, %select_n3A_387 : vector<16xf32>
          scf.yield %add3A_386, %add3A_388 : vector<16xf32>, vector<16xf32>
        }
        %scan3A_346 = arith.constant 50 : i32
        %max3A = arith.constant 1 : i32
        %max3A_347 = vector.broadcast %max3A : i32 to vector<16xi32>
        %max3A_348 = arith.maxsi %add3A_332, %max3A_347 : vector<16xi32>
        %convert_element_type3A_349 = arith.sitofp %max3A_348 : vector<16xi32> to vector<16xf32>
        %div3A = arith.divf %scan3A_345#0, %convert_element_type3A_349 : vector<16xf32>
        %add3A_350 = arith.constant 0 : i32
        %add3A_351 = arith.addi %add3A_350, %scan3A_327 : i32
        %mul3A_352 = arith.constant 32 : i32
        %mul3A_353 = arith.muli %add3A_351, %mul3A_352 : i32
        %swap3A = arith.index_cast %mul3A_353 : i32 to index
        %swap3A_354 = tpu.vector_load %arg10[%swap3A] {strides = array<i32>} : memref<1024xf32, #tpu.memory_space<vmem>>, vector<16xf32>,
        %swap3A_355 = vector.shape_cast %swap3A_354 : vector<16xf32> to vector<16xf32>
        %swap3A_356 = vector.shape_cast %div3A : vector<16xf32> to vector<16xf32>
        tpu.vector_store %arg10[%swap3A], %swap3A_356 {strides = array<i32>} : memref<1024xf32, #tpu.memory_space<vmem>>, vector<16xf32>,
        %div3A_357 = arith.divf %scan3A_345#1, %convert_element_type3A_349 : vector<16xf32>
        %add3A_358 = arith.constant 0 : i32
        %add3A_359 = arith.addi %add3A_358, %scan3A_327 : i32
        %mul3A_360 = arith.constant 32 : i32
        %mul3A_361 = arith.muli %add3A_359, %mul3A_360 : i32
        %add3A_362 = arith.constant 16 : i32
        %add3A_363 = arith.addi %mul3A_361, %add3A_362 : i32
        %swap3A_364 = arith.index_cast %add3A_363 : i32 to index
        %swap3A_365 = tpu.vector_load %arg10[%swap3A_364] {strides = array<i32>} : memref<1024xf32, #tpu.memory_space<vmem>>, vector<16xf32>,
        %swap3A_366 = vector.shape_cast %swap3A_365 : vector<16xf32> to vector<16xf32>
        %swap3A_367 = vector.shape_cast %div3A_357 : vector<16xf32> to vector<16xf32>
        tpu.vector_store %arg10[%swap3A_364], %swap3A_367 {strides = array<i32>} : memref<1024xf32, #tpu.memory_space<vmem>>, vector<16xf32>,
        %scan3A_368 = arith.constant 0 : i32
        scf.yield %scan3A_368 : i32
      }
      %scan3A_266 = arith.constant 16 : i32
      %mul3A_267 = arith.constant 32 : i32
      %mul3A_268 = arith.muli %mul3A_124, %mul3A_267 : i32
      %add3A_269 = arith.constant 16 : i32
      %add3A_270 = arith.addi %mul3A_268, %add3A_269 : i32
      %get3A_271 = arith.index_cast %add3A_270 : i32 to index
      %get3A_272 = tpu.vector_load %arg7[%get3A_271] {strides = array<i32>} : memref<512xi32, #tpu.memory_space<vmem>>, vector<16xi32>,
      %get3A_273 = vector.shape_cast %get3A_272 : vector<16xi32> to vector<16xi32>
      %scan3A_274 = arith.constant 0 : i32
      %scan3A_275 = arith.constant 0 : i32
      %scan3A_276 = arith.constant 16 : i32
      %scan3A_277 = arith.addi %scan3A_275, %scan3A_276 : i32
      %scan3A_278 = arith.constant 1 : i32
      %scan3A_279 = scf.for %scan3A_327 = %scan3A_275 to %scan3A_277 step %scan3A_278 iter_args(%scan3A_328 = %scan3A_274) -> (i32)  : i32 {
        %broadcast_in_dim3A = vector.broadcast %scan3A_327 : i32 to vector<16x1xi32>
        %gather3A = vector.shape_cast %broadcast_in_dim3A : vector<16x1xi32> to vector<16xi32>
        %gather3A_329 = tpu.dynamic_gather %get3A_273[%gather3A] in [0] : vector<16xi32>, vector<16xi32> -> vector<16xi32>
        %iota3A = tpu.iota {dimensions = array<i32: 0>} : vector<16xi32>
        %shift_right_logical3A = arith.constant 4 : i32
        %shift_right_logical3A_330 = vector.broadcast %shift_right_logical3A : i32 to vector<16xi32>
        %shift_right_logical3A_331 = arith.shrui %iota3A, %shift_right_logical3A_330 : vector<16xi32>
        %add3A_332 = arith.addi %gather3A_329, %shift_right_logical3A_331 : vector<16xi32>
        %add3A_333 = arith.constant 16 : i32
        %add3A_334 = arith.addi %add3A_333, %scan3A_327 : i32
        %mul3A_335 = arith.constant 50 : i32
        %mul3A_336 = arith.muli %add3A_334, %mul3A_335 : i32
        %broadcast_in_dim3A_337 = arith.constant 0.000000e+00 : f32
        %broadcast_in_dim3A_338 = vector.broadcast %broadcast_in_dim3A_337 : f32 to vector<16xf32>
        %broadcast_in_dim3A_339 = arith.constant 0.000000e+00 : f32
        %broadcast_in_dim3A_340 = vector.broadcast %broadcast_in_dim3A_339 : f32 to vector<16xf32>
        %scan3A_341 = arith.constant 0 : i32
        %scan3A_342 = arith.constant 50 : i32
        %scan3A_343 = arith.addi %scan3A_341, %scan3A_342 : i32
        %scan3A_344 = arith.constant 1 : i32
        %scan3A_345:2 = scf.for %scan3A_369 = %scan3A_341 to %scan3A_343 step %scan3A_344 iter_args(%scan3A_370 = %broadcast_in_dim3A_338, %scan3A_371 = %broadcast_in_dim3A_340) -> (vector<16xf32>, vector<16xf32>)  : i32 {
          %broadcast_in_dim3A_372 = vector.broadcast %scan3A_369 : i32 to vector<16xi32>
          %lt3A_373 = arith.cmpi slt, %broadcast_in_dim3A_372, %add3A_332 : vector<16xi32>
          %add3A_374 = arith.addi %mul3A_336, %scan3A_369 : i32
          %get3A_375 = arith.index_cast %add3A_374 : i32 to index
          %get3A_376 = arith.constant 0 : index
          %get3A_377 = tpu.vector_load %arg8[%get3A_375, %get3A_376] {strides = array<i32>} : memref<1600x32xf32, #tpu.memory_space<vmem>>, vector<1x16xf32>,
          %get3A_378 = vector.shape_cast %get3A_377 : vector<1x16xf32> to vector<16xf32>
          %add3A_379 = arith.addi %mul3A_336, %scan3A_369 : i32
          %get3A_380 = arith.index_cast %add3A_379 : i32 to index
          %get3A_381 = arith.constant 16 : index
          %get3A_382 = tpu.vector_load %arg8[%get3A_380, %get3A_381] {strides = array<i32>} : memref<1600x32xf32, #tpu.memory_space<vmem>>, vector<1x16xf32>,
          %get3A_383 = vector.shape_cast %get3A_382 : vector<1x16xf32> to vector<16xf32>
          %broadcast_in_dim3A_384 = arith.constant 0.000000e+00 : f32
          %broadcast_in_dim3A_385 = vector.broadcast %broadcast_in_dim3A_384 : f32 to vector<16xf32>
          %select_n3A = arith.select %lt3A_373, %get3A_378, %broadcast_in_dim3A_385 : vector<16xi1>, vector<16xf32>
          %add3A_386 = arith.addf %scan3A_370, %select_n3A : vector<16xf32>
          %select_n3A_387 = arith.select %lt3A_373, %get3A_383, %broadcast_in_dim3A_385 : vector<16xi1>, vector<16xf32>
          %add3A_388 = arith.addf %scan3A_371, %select_n3A_387 : vector<16xf32>
          scf.yield %add3A_386, %add3A_388 : vector<16xf32>, vector<16xf32>
        }
        %scan3A_346 = arith.constant 50 : i32
        %max3A = arith.constant 1 : i32
        %max3A_347 = vector.broadcast %max3A : i32 to vector<16xi32>
        %max3A_348 = arith.maxsi %add3A_332, %max3A_347 : vector<16xi32>
        %convert_element_type3A_349 = arith.sitofp %max3A_348 : vector<16xi32> to vector<16xf32>
        %div3A = arith.divf %scan3A_345#0, %convert_element_type3A_349 : vector<16xf32>
        %add3A_350 = arith.constant 16 : i32
        %add3A_351 = arith.addi %add3A_350, %scan3A_327 : i32
        %mul3A_352 = arith.constant 32 : i32
        %mul3A_353 = arith.muli %add3A_351, %mul3A_352 : i32
        %swap3A = arith.index_cast %mul3A_353 : i32 to index
        %swap3A_354 = tpu.vector_load %arg10[%swap3A] {strides = array<i32>} : memref<1024xf32, #tpu.memory_space<vmem>>, vector<16xf32>,
        %swap3A_355 = vector.shape_cast %swap3A_354 : vector<16xf32> to vector<16xf32>
        %swap3A_356 = vector.shape_cast %div3A : vector<16xf32> to vector<16xf32>
        tpu.vector_store %arg10[%swap3A], %swap3A_356 {strides = array<i32>} : memref<1024xf32, #tpu.memory_space<vmem>>, vector<16xf32>,
        %div3A_357 = arith.divf %scan3A_345#1, %convert_element_type3A_349 : vector<16xf32>
        %add3A_358 = arith.constant 16 : i32
        %add3A_359 = arith.addi %add3A_358, %scan3A_327 : i32
        %mul3A_360 = arith.constant 32 : i32
        %mul3A_361 = arith.muli %add3A_359, %mul3A_360 : i32
        %add3A_362 = arith.constant 16 : i32
        %add3A_363 = arith.addi %mul3A_361, %add3A_362 : i32
        %swap3A_364 = arith.index_cast %add3A_363 : i32 to index
        %swap3A_365 = tpu.vector_load %arg10[%swap3A_364] {strides = array<i32>} : memref<1024xf32, #tpu.memory_space<vmem>>, vector<16xf32>,
        %swap3A_366 = vector.shape_cast %swap3A_365 : vector<16xf32> to vector<16xf32>
        %swap3A_367 = vector.shape_cast %div3A_357 : vector<16xf32> to vector<16xf32>
        tpu.vector_store %arg10[%swap3A_364], %swap3A_367 {strides = array<i32>} : memref<1024xf32, #tpu.memory_space<vmem>>, vector<16xf32>,
        %scan3A_368 = arith.constant 0 : i32
        scf.yield %scan3A_368 : i32
      }
      %scan3A_280 = arith.constant 16 : i32
      %mul3A_281 = arith.constant 32 : i32
      %mul3A_282 = arith.muli %add3A_253, %mul3A_281 : i32
      "tpu.region"() ({
        %run_scoped3A = tpu.sem_alloc : memref<!tpu.dma_semaphore, #tpu.memory_space<semaphore_mem>>
        %dma_start3A_327 = tpu.memref_slice %arg5[%mul3A_282] : memref<524288xf32, #tpu.memory_space<hbm>> -> memref<1024xf32, #tpu.memory_space<hbm>>
        %dma_start3A_328 = tpu.memref_slice %arg5[%mul3A_282] : memref<524288xf32, #tpu.memory_space<hbm>> -> memref<1024xf32, #tpu.memory_space<hbm>>
        tpu.enqueue_dma source(%arg10 : memref<1024xf32, #tpu.memory_space<vmem>>) target(%dma_start3A_328 : memref<1024xf32, #tpu.memory_space<hbm>>) target_semaphore(%run_scoped3A : memref<!tpu.dma_semaphore, #tpu.memory_space<semaphore_mem>>)
        %dma_wait3A_329 = tpu.memref_slice %arg5[%mul3A_282] : memref<524288xf32, #tpu.memory_space<hbm>> -> memref<1024xf32, #tpu.memory_space<hbm>>
        %dma_wait3A_330 = tpu.memref_slice %arg5[%mul3A_282] : memref<524288xf32, #tpu.memory_space<hbm>> -> memref<1024xf32, #tpu.memory_space<hbm>>
        tpu.wait_dma2 semaphore(%run_scoped3A : memref<!tpu.dma_semaphore, #tpu.memory_space<semaphore_mem>>) src(%arg10 : memref<1024xf32, #tpu.memory_space<vmem>>) dst(%dma_wait3A_330 : memref<1024xf32, #tpu.memory_space<hbm>>)
        tpu.yield
      }) : () -> ()
      %lt3A = arith.constant 7 : i32
      %lt3A_283 = arith.cmpi slt, %scan3A_121, %lt3A : i32
      %convert_element_type3A = arith.extui %lt3A_283 : i1 to i32
      %cond3A = arith.constant 0 : i32
      %cond3A_284 = arith.cmpi ne, %convert_element_type3A, %cond3A : i32
      scf.if %cond3A_284 {
        %add3A_327 = arith.constant 2 : i32
        %add3A_328 = arith.addi %mul3A_124, %add3A_327 : i32
        %mul3A_329 = arith.constant 1600 : i32
        %mul3A_330 = arith.muli %add3A_328, %mul3A_329 : i32
        %add3A_331 = arith.constant 0 : i32
        %add3A_332 = arith.addi %mul3A_330, %add3A_331 : i32
        %dma_start3A_333 = arith.constant 0 : i32
        %dma_start3A_334 = arith.constant 0 : i32
        %dma_start3A_335 = tpu.memref_slice %arg8[%dma_start3A_333, %dma_start3A_334] : memref<1600x32xf32, #tpu.memory_space<vmem>> -> memref<128x32xf32, #tpu.memory_space<vmem>>
        %dma_start3A_336 = tpu.memref_slice %arg6[%add3A_332] : memref<25600xi32, #tpu.memory_space<vmem>> -> memref<128xi32, #tpu.memory_space<vmem>>
        %dma_start3A_337 = arith.constant 0 : i32
        %dma_start3A_338 = arith.constant 0 : i32
        %dma_start3A_339 = tpu.memref_slice %arg4[%dma_start3A_337, %dma_start3A_338] : memref<1048576x32xf32, #tpu.memory_space<hbm>> -> memref<1048576x32xf32, #tpu.memory_space<hbm>>
        tpu.enqueue_indirect_dma source(%dma_start3A_339 : memref<1048576x32xf32, #tpu.memory_space<hbm>>) target(%dma_start3A_335 : memref<128x32xf32, #tpu.memory_space<vmem>>) offsets(%dma_start3A_336 : memref<128xi32, #tpu.memory_space<vmem>>) semaphore(%arg12 : memref<!tpu.dma_semaphore, #tpu.memory_space<semaphore_mem>>)
        %add3A_340 = arith.constant 128 : i32
        %add3A_341 = arith.addi %mul3A_330, %add3A_340 : i32
        %dma_start3A_342 = arith.constant 128 : i32
        %dma_start3A_343 = arith.constant 0 : i32
        %dma_start3A_344 = tpu.memref_slice %arg8[%dma_start3A_342, %dma_start3A_343] : memref<1600x32xf32, #tpu.memory_space<vmem>> -> memref<128x32xf32, #tpu.memory_space<vmem>>
        %dma_start3A_345 = tpu.memref_slice %arg6[%add3A_341] : memref<25600xi32, #tpu.memory_space<vmem>> -> memref<128xi32, #tpu.memory_space<vmem>>
        %dma_start3A_346 = arith.constant 0 : i32
        %dma_start3A_347 = arith.constant 0 : i32
        %dma_start3A_348 = tpu.memref_slice %arg4[%dma_start3A_346, %dma_start3A_347] : memref<1048576x32xf32, #tpu.memory_space<hbm>> -> memref<1048576x32xf32, #tpu.memory_space<hbm>>
        tpu.enqueue_indirect_dma source(%dma_start3A_348 : memref<1048576x32xf32, #tpu.memory_space<hbm>>) target(%dma_start3A_344 : memref<128x32xf32, #tpu.memory_space<vmem>>) offsets(%dma_start3A_345 : memref<128xi32, #tpu.memory_space<vmem>>) semaphore(%arg12 : memref<!tpu.dma_semaphore, #tpu.memory_space<semaphore_mem>>)
        %add3A_349 = arith.constant 256 : i32
        %add3A_350 = arith.addi %mul3A_330, %add3A_349 : i32
        %dma_start3A_351 = arith.constant 256 : i32
        %dma_start3A_352 = arith.constant 0 : i32
        %dma_start3A_353 = tpu.memref_slice %arg8[%dma_start3A_351, %dma_start3A_352] : memref<1600x32xf32, #tpu.memory_space<vmem>> -> memref<128x32xf32, #tpu.memory_space<vmem>>
        %dma_start3A_354 = tpu.memref_slice %arg6[%add3A_350] : memref<25600xi32, #tpu.memory_space<vmem>> -> memref<128xi32, #tpu.memory_space<vmem>>
        %dma_start3A_355 = arith.constant 0 : i32
        %dma_start3A_356 = arith.constant 0 : i32
        %dma_start3A_357 = tpu.memref_slice %arg4[%dma_start3A_355, %dma_start3A_356] : memref<1048576x32xf32, #tpu.memory_space<hbm>> -> memref<1048576x32xf32, #tpu.memory_space<hbm>>
        tpu.enqueue_indirect_dma source(%dma_start3A_357 : memref<1048576x32xf32, #tpu.memory_space<hbm>>) target(%dma_start3A_353 : memref<128x32xf32, #tpu.memory_space<vmem>>) offsets(%dma_start3A_354 : memref<128xi32, #tpu.memory_space<vmem>>) semaphore(%arg12 : memref<!tpu.dma_semaphore, #tpu.memory_space<semaphore_mem>>)
        %add3A_358 = arith.constant 384 : i32
        %add3A_359 = arith.addi %mul3A_330, %add3A_358 : i32
        %dma_start3A_360 = arith.constant 384 : i32
        %dma_start3A_361 = arith.constant 0 : i32
        %dma_start3A_362 = tpu.memref_slice %arg8[%dma_start3A_360, %dma_start3A_361] : memref<1600x32xf32, #tpu.memory_space<vmem>> -> memref<128x32xf32, #tpu.memory_space<vmem>>
        %dma_start3A_363 = tpu.memref_slice %arg6[%add3A_359] : memref<25600xi32, #tpu.memory_space<vmem>> -> memref<128xi32, #tpu.memory_space<vmem>>
        %dma_start3A_364 = arith.constant 0 : i32
        %dma_start3A_365 = arith.constant 0 : i32
        %dma_start3A_366 = tpu.memref_slice %arg4[%dma_start3A_364, %dma_start3A_365] : memref<1048576x32xf32, #tpu.memory_space<hbm>> -> memref<1048576x32xf32, #tpu.memory_space<hbm>>
        tpu.enqueue_indirect_dma source(%dma_start3A_366 : memref<1048576x32xf32, #tpu.memory_space<hbm>>) target(%dma_start3A_362 : memref<128x32xf32, #tpu.memory_space<vmem>>) offsets(%dma_start3A_363 : memref<128xi32, #tpu.memory_space<vmem>>) semaphore(%arg12 : memref<!tpu.dma_semaphore, #tpu.memory_space<semaphore_mem>>)
        %add3A_367 = arith.constant 512 : i32
        %add3A_368 = arith.addi %mul3A_330, %add3A_367 : i32
        %dma_start3A_369 = arith.constant 512 : i32
        %dma_start3A_370 = arith.constant 0 : i32
        %dma_start3A_371 = tpu.memref_slice %arg8[%dma_start3A_369, %dma_start3A_370] : memref<1600x32xf32, #tpu.memory_space<vmem>> -> memref<128x32xf32, #tpu.memory_space<vmem>>
        %dma_start3A_372 = tpu.memref_slice %arg6[%add3A_368] : memref<25600xi32, #tpu.memory_space<vmem>> -> memref<128xi32, #tpu.memory_space<vmem>>
        %dma_start3A_373 = arith.constant 0 : i32
        %dma_start3A_374 = arith.constant 0 : i32
        %dma_start3A_375 = tpu.memref_slice %arg4[%dma_start3A_373, %dma_start3A_374] : memref<1048576x32xf32, #tpu.memory_space<hbm>> -> memref<1048576x32xf32, #tpu.memory_space<hbm>>
        tpu.enqueue_indirect_dma source(%dma_start3A_375 : memref<1048576x32xf32, #tpu.memory_space<hbm>>) target(%dma_start3A_371 : memref<128x32xf32, #tpu.memory_space<vmem>>) offsets(%dma_start3A_372 : memref<128xi32, #tpu.memory_space<vmem>>) semaphore(%arg12 : memref<!tpu.dma_semaphore, #tpu.memory_space<semaphore_mem>>)
        %add3A_376 = arith.constant 640 : i32
        %add3A_377 = arith.addi %mul3A_330, %add3A_376 : i32
        %dma_start3A_378 = arith.constant 640 : i32
        %dma_start3A_379 = arith.constant 0 : i32
        %dma_start3A_380 = tpu.memref_slice %arg8[%dma_start3A_378, %dma_start3A_379] : memref<1600x32xf32, #tpu.memory_space<vmem>> -> memref<128x32xf32, #tpu.memory_space<vmem>>
        %dma_start3A_381 = tpu.memref_slice %arg6[%add3A_377] : memref<25600xi32, #tpu.memory_space<vmem>> -> memref<128xi32, #tpu.memory_space<vmem>>
        %dma_start3A_382 = arith.constant 0 : i32
        %dma_start3A_383 = arith.constant 0 : i32
        %dma_start3A_384 = tpu.memref_slice %arg4[%dma_start3A_382, %dma_start3A_383] : memref<1048576x32xf32, #tpu.memory_space<hbm>> -> memref<1048576x32xf32, #tpu.memory_space<hbm>>
        tpu.enqueue_indirect_dma source(%dma_start3A_384 : memref<1048576x32xf32, #tpu.memory_space<hbm>>) target(%dma_start3A_380 : memref<128x32xf32, #tpu.memory_space<vmem>>) offsets(%dma_start3A_381 : memref<128xi32, #tpu.memory_space<vmem>>) semaphore(%arg12 : memref<!tpu.dma_semaphore, #tpu.memory_space<semaphore_mem>>)
        %add3A_385 = arith.constant 768 : i32
        %add3A_386 = arith.addi %mul3A_330, %add3A_385 : i32
        %dma_start3A_387 = arith.constant 768 : i32
        %dma_start3A_388 = arith.constant 0 : i32
        %dma_start3A_389 = tpu.memref_slice %arg8[%dma_start3A_387, %dma_start3A_388] : memref<1600x32xf32, #tpu.memory_space<vmem>> -> memref<128x32xf32, #tpu.memory_space<vmem>>
        %dma_start3A_390 = tpu.memref_slice %arg6[%add3A_386] : memref<25600xi32, #tpu.memory_space<vmem>> -> memref<128xi32, #tpu.memory_space<vmem>>
        %dma_start3A_391 = arith.constant 0 : i32
        %dma_start3A_392 = arith.constant 0 : i32
        %dma_start3A_393 = tpu.memref_slice %arg4[%dma_start3A_391, %dma_start3A_392] : memref<1048576x32xf32, #tpu.memory_space<hbm>> -> memref<1048576x32xf32, #tpu.memory_space<hbm>>
        tpu.enqueue_indirect_dma source(%dma_start3A_393 : memref<1048576x32xf32, #tpu.memory_space<hbm>>) target(%dma_start3A_389 : memref<128x32xf32, #tpu.memory_space<vmem>>) offsets(%dma_start3A_390 : memref<128xi32, #tpu.memory_space<vmem>>) semaphore(%arg12 : memref<!tpu.dma_semaphore, #tpu.memory_space<semaphore_mem>>)
        %add3A_394 = arith.constant 896 : i32
        %add3A_395 = arith.addi %mul3A_330, %add3A_394 : i32
        %dma_start3A_396 = arith.constant 896 : i32
        %dma_start3A_397 = arith.constant 0 : i32
        %dma_start3A_398 = tpu.memref_slice %arg8[%dma_start3A_396, %dma_start3A_397] : memref<1600x32xf32, #tpu.memory_space<vmem>> -> memref<128x32xf32, #tpu.memory_space<vmem>>
        %dma_start3A_399 = tpu.memref_slice %arg6[%add3A_395] : memref<25600xi32, #tpu.memory_space<vmem>> -> memref<128xi32, #tpu.memory_space<vmem>>
        %dma_start3A_400 = arith.constant 0 : i32
        %dma_start3A_401 = arith.constant 0 : i32
        %dma_start3A_402 = tpu.memref_slice %arg4[%dma_start3A_400, %dma_start3A_401] : memref<1048576x32xf32, #tpu.memory_space<hbm>> -> memref<1048576x32xf32, #tpu.memory_space<hbm>>
        tpu.enqueue_indirect_dma source(%dma_start3A_402 : memref<1048576x32xf32, #tpu.memory_space<hbm>>) target(%dma_start3A_398 : memref<128x32xf32, #tpu.memory_space<vmem>>) offsets(%dma_start3A_399 : memref<128xi32, #tpu.memory_space<vmem>>) semaphore(%arg12 : memref<!tpu.dma_semaphore, #tpu.memory_space<semaphore_mem>>)
        %add3A_403 = arith.constant 1024 : i32
        %add3A_404 = arith.addi %mul3A_330, %add3A_403 : i32
        %dma_start3A_405 = arith.constant 1024 : i32
        %dma_start3A_406 = arith.constant 0 : i32
        %dma_start3A_407 = tpu.memref_slice %arg8[%dma_start3A_405, %dma_start3A_406] : memref<1600x32xf32, #tpu.memory_space<vmem>> -> memref<128x32xf32, #tpu.memory_space<vmem>>
        %dma_start3A_408 = tpu.memref_slice %arg6[%add3A_404] : memref<25600xi32, #tpu.memory_space<vmem>> -> memref<128xi32, #tpu.memory_space<vmem>>
        %dma_start3A_409 = arith.constant 0 : i32
        %dma_start3A_410 = arith.constant 0 : i32
        %dma_start3A_411 = tpu.memref_slice %arg4[%dma_start3A_409, %dma_start3A_410] : memref<1048576x32xf32, #tpu.memory_space<hbm>> -> memref<1048576x32xf32, #tpu.memory_space<hbm>>
        tpu.enqueue_indirect_dma source(%dma_start3A_411 : memref<1048576x32xf32, #tpu.memory_space<hbm>>) target(%dma_start3A_407 : memref<128x32xf32, #tpu.memory_space<vmem>>) offsets(%dma_start3A_408 : memref<128xi32, #tpu.memory_space<vmem>>) semaphore(%arg12 : memref<!tpu.dma_semaphore, #tpu.memory_space<semaphore_mem>>)
        %add3A_412 = arith.constant 1152 : i32
        %add3A_413 = arith.addi %mul3A_330, %add3A_412 : i32
        %dma_start3A_414 = arith.constant 1152 : i32
        %dma_start3A_415 = arith.constant 0 : i32
        %dma_start3A_416 = tpu.memref_slice %arg8[%dma_start3A_414, %dma_start3A_415] : memref<1600x32xf32, #tpu.memory_space<vmem>> -> memref<128x32xf32, #tpu.memory_space<vmem>>
        %dma_start3A_417 = tpu.memref_slice %arg6[%add3A_413] : memref<25600xi32, #tpu.memory_space<vmem>> -> memref<128xi32, #tpu.memory_space<vmem>>
        %dma_start3A_418 = arith.constant 0 : i32
        %dma_start3A_419 = arith.constant 0 : i32
        %dma_start3A_420 = tpu.memref_slice %arg4[%dma_start3A_418, %dma_start3A_419] : memref<1048576x32xf32, #tpu.memory_space<hbm>> -> memref<1048576x32xf32, #tpu.memory_space<hbm>>
        tpu.enqueue_indirect_dma source(%dma_start3A_420 : memref<1048576x32xf32, #tpu.memory_space<hbm>>) target(%dma_start3A_416 : memref<128x32xf32, #tpu.memory_space<vmem>>) offsets(%dma_start3A_417 : memref<128xi32, #tpu.memory_space<vmem>>) semaphore(%arg12 : memref<!tpu.dma_semaphore, #tpu.memory_space<semaphore_mem>>)
        %add3A_421 = arith.constant 1280 : i32
        %add3A_422 = arith.addi %mul3A_330, %add3A_421 : i32
        %dma_start3A_423 = arith.constant 1280 : i32
        %dma_start3A_424 = arith.constant 0 : i32
        %dma_start3A_425 = tpu.memref_slice %arg8[%dma_start3A_423, %dma_start3A_424] : memref<1600x32xf32, #tpu.memory_space<vmem>> -> memref<128x32xf32, #tpu.memory_space<vmem>>
        %dma_start3A_426 = tpu.memref_slice %arg6[%add3A_422] : memref<25600xi32, #tpu.memory_space<vmem>> -> memref<128xi32, #tpu.memory_space<vmem>>
        %dma_start3A_427 = arith.constant 0 : i32
        %dma_start3A_428 = arith.constant 0 : i32
        %dma_start3A_429 = tpu.memref_slice %arg4[%dma_start3A_427, %dma_start3A_428] : memref<1048576x32xf32, #tpu.memory_space<hbm>> -> memref<1048576x32xf32, #tpu.memory_space<hbm>>
        tpu.enqueue_indirect_dma source(%dma_start3A_429 : memref<1048576x32xf32, #tpu.memory_space<hbm>>) target(%dma_start3A_425 : memref<128x32xf32, #tpu.memory_space<vmem>>) offsets(%dma_start3A_426 : memref<128xi32, #tpu.memory_space<vmem>>) semaphore(%arg12 : memref<!tpu.dma_semaphore, #tpu.memory_space<semaphore_mem>>)
        %add3A_430 = arith.constant 1408 : i32
        %add3A_431 = arith.addi %mul3A_330, %add3A_430 : i32
        %dma_start3A_432 = arith.constant 1408 : i32
        %dma_start3A_433 = arith.constant 0 : i32
        %dma_start3A_434 = tpu.memref_slice %arg8[%dma_start3A_432, %dma_start3A_433] : memref<1600x32xf32, #tpu.memory_space<vmem>> -> memref<128x32xf32, #tpu.memory_space<vmem>>
        %dma_start3A_435 = tpu.memref_slice %arg6[%add3A_431] : memref<25600xi32, #tpu.memory_space<vmem>> -> memref<128xi32, #tpu.memory_space<vmem>>
        %dma_start3A_436 = arith.constant 0 : i32
        %dma_start3A_437 = arith.constant 0 : i32
        %dma_start3A_438 = tpu.memref_slice %arg4[%dma_start3A_436, %dma_start3A_437] : memref<1048576x32xf32, #tpu.memory_space<hbm>> -> memref<1048576x32xf32, #tpu.memory_space<hbm>>
        tpu.enqueue_indirect_dma source(%dma_start3A_438 : memref<1048576x32xf32, #tpu.memory_space<hbm>>) target(%dma_start3A_434 : memref<128x32xf32, #tpu.memory_space<vmem>>) offsets(%dma_start3A_435 : memref<128xi32, #tpu.memory_space<vmem>>) semaphore(%arg12 : memref<!tpu.dma_semaphore, #tpu.memory_space<semaphore_mem>>)
        %add3A_439 = arith.constant 1536 : i32
        %add3A_440 = arith.addi %mul3A_330, %add3A_439 : i32
        %dma_start3A_441 = arith.constant 1536 : i32
        %dma_start3A_442 = arith.constant 0 : i32
        %dma_start3A_443 = tpu.memref_slice %arg8[%dma_start3A_441, %dma_start3A_442] : memref<1600x32xf32, #tpu.memory_space<vmem>> -> memref<64x32xf32, #tpu.memory_space<vmem>>
        %dma_start3A_444 = tpu.memref_slice %arg6[%add3A_440] : memref<25600xi32, #tpu.memory_space<vmem>> -> memref<64xi32, #tpu.memory_space<vmem>>
        %dma_start3A_445 = arith.constant 0 : i32
        %dma_start3A_446 = arith.constant 0 : i32
        %dma_start3A_447 = tpu.memref_slice %arg4[%dma_start3A_445, %dma_start3A_446] : memref<1048576x32xf32, #tpu.memory_space<hbm>> -> memref<1048576x32xf32, #tpu.memory_space<hbm>>
        tpu.enqueue_indirect_dma source(%dma_start3A_447 : memref<1048576x32xf32, #tpu.memory_space<hbm>>) target(%dma_start3A_443 : memref<64x32xf32, #tpu.memory_space<vmem>>) offsets(%dma_start3A_444 : memref<64xi32, #tpu.memory_space<vmem>>) semaphore(%arg12 : memref<!tpu.dma_semaphore, #tpu.memory_space<semaphore_mem>>)
      } else {
      }
      %dma_wait3A_285 = arith.constant 0 : i32
      %dma_wait3A_286 = arith.constant 0 : i32
      %dma_wait3A_287 = tpu.memref_slice %arg4[%dma_wait3A_285, %dma_wait3A_286] : memref<1048576x32xf32, #tpu.memory_space<hbm>> -> memref<1600x32xf32, #tpu.memory_space<hbm>>
      %dma_wait3A_288 = arith.constant 0 : i32
      %dma_wait3A_289 = arith.constant 0 : i32
      %dma_wait3A_290 = tpu.memref_slice %arg4[%dma_wait3A_288, %dma_wait3A_289] : memref<1048576x32xf32, #tpu.memory_space<hbm>> -> memref<1600x32xf32, #tpu.memory_space<hbm>>
      tpu.wait_dma2 semaphore(%arg13 : memref<!tpu.dma_semaphore, #tpu.memory_space<semaphore_mem>>) src(%dma_wait3A_290 : memref<1600x32xf32, #tpu.memory_space<hbm>>) dst(%arg9 : memref<1600x32xf32, #tpu.memory_space<vmem>>)
      %add3A_291 = arith.constant 1 : i32
      %add3A_292 = arith.addi %mul3A_124, %add3A_291 : i32
      %mul3A_293 = arith.constant 32 : i32
      %mul3A_294 = arith.muli %add3A_292, %mul3A_293 : i32
      %add3A_295 = arith.addi %mul3A_2, %mul3A_294 : i32
      %mul3A_296 = arith.constant 32 : i32
      %mul3A_297 = arith.muli %add3A_292, %mul3A_296 : i32
      %add3A_298 = arith.constant 0 : i32
      %add3A_299 = arith.addi %mul3A_297, %add3A_298 : i32
      %get3A_300 = arith.index_cast %add3A_299 : i32 to index
      %get3A_301 = tpu.vector_load %arg7[%get3A_300] {strides = array<i32>} : memref<512xi32, #tpu.memory_space<vmem>>, vector<16xi32>,
      %get3A_302 = vector.shape_cast %get3A_301 : vector<16xi32> to vector<16xi32>
      %scan3A_303 = arith.constant 0 : i32
      %scan3A_304 = arith.constant 0 : i32
      %scan3A_305 = arith.constant 16 : i32
      %scan3A_306 = arith.addi %scan3A_304, %scan3A_305 : i32
      %scan3A_307 = arith.constant 1 : i32
      %scan3A_308 = scf.for %scan3A_327 = %scan3A_304 to %scan3A_306 step %scan3A_307 iter_args(%scan3A_328 = %scan3A_303) -> (i32)  : i32 {
        %broadcast_in_dim3A = vector.broadcast %scan3A_327 : i32 to vector<16x1xi32>
        %gather3A = vector.shape_cast %broadcast_in_dim3A : vector<16x1xi32> to vector<16xi32>
        %gather3A_329 = tpu.dynamic_gather %get3A_302[%gather3A] in [0] : vector<16xi32>, vector<16xi32> -> vector<16xi32>
        %iota3A = tpu.iota {dimensions = array<i32: 0>} : vector<16xi32>
        %shift_right_logical3A = arith.constant 4 : i32
        %shift_right_logical3A_330 = vector.broadcast %shift_right_logical3A : i32 to vector<16xi32>
        %shift_right_logical3A_331 = arith.shrui %iota3A, %shift_right_logical3A_330 : vector<16xi32>
        %add3A_332 = arith.addi %gather3A_329, %shift_right_logical3A_331 : vector<16xi32>
        %add3A_333 = arith.constant 0 : i32
        %add3A_334 = arith.addi %add3A_333, %scan3A_327 : i32
        %mul3A_335 = arith.constant 50 : i32
        %mul3A_336 = arith.muli %add3A_334, %mul3A_335 : i32
        %broadcast_in_dim3A_337 = arith.constant 0.000000e+00 : f32
        %broadcast_in_dim3A_338 = vector.broadcast %broadcast_in_dim3A_337 : f32 to vector<16xf32>
        %broadcast_in_dim3A_339 = arith.constant 0.000000e+00 : f32
        %broadcast_in_dim3A_340 = vector.broadcast %broadcast_in_dim3A_339 : f32 to vector<16xf32>
        %scan3A_341 = arith.constant 0 : i32
        %scan3A_342 = arith.constant 50 : i32
        %scan3A_343 = arith.addi %scan3A_341, %scan3A_342 : i32
        %scan3A_344 = arith.constant 1 : i32
        %scan3A_345:2 = scf.for %scan3A_369 = %scan3A_341 to %scan3A_343 step %scan3A_344 iter_args(%scan3A_370 = %broadcast_in_dim3A_338, %scan3A_371 = %broadcast_in_dim3A_340) -> (vector<16xf32>, vector<16xf32>)  : i32 {
          %broadcast_in_dim3A_372 = vector.broadcast %scan3A_369 : i32 to vector<16xi32>
          %lt3A_373 = arith.cmpi slt, %broadcast_in_dim3A_372, %add3A_332 : vector<16xi32>
          %add3A_374 = arith.addi %mul3A_336, %scan3A_369 : i32
          %get3A_375 = arith.index_cast %add3A_374 : i32 to index
          %get3A_376 = arith.constant 0 : index
          %get3A_377 = tpu.vector_load %arg9[%get3A_375, %get3A_376] {strides = array<i32>} : memref<1600x32xf32, #tpu.memory_space<vmem>>, vector<1x16xf32>,
          %get3A_378 = vector.shape_cast %get3A_377 : vector<1x16xf32> to vector<16xf32>
          %add3A_379 = arith.addi %mul3A_336, %scan3A_369 : i32
          %get3A_380 = arith.index_cast %add3A_379 : i32 to index
          %get3A_381 = arith.constant 16 : index
          %get3A_382 = tpu.vector_load %arg9[%get3A_380, %get3A_381] {strides = array<i32>} : memref<1600x32xf32, #tpu.memory_space<vmem>>, vector<1x16xf32>,
          %get3A_383 = vector.shape_cast %get3A_382 : vector<1x16xf32> to vector<16xf32>
          %broadcast_in_dim3A_384 = arith.constant 0.000000e+00 : f32
          %broadcast_in_dim3A_385 = vector.broadcast %broadcast_in_dim3A_384 : f32 to vector<16xf32>
          %select_n3A = arith.select %lt3A_373, %get3A_378, %broadcast_in_dim3A_385 : vector<16xi1>, vector<16xf32>
          %add3A_386 = arith.addf %scan3A_370, %select_n3A : vector<16xf32>
          %select_n3A_387 = arith.select %lt3A_373, %get3A_383, %broadcast_in_dim3A_385 : vector<16xi1>, vector<16xf32>
          %add3A_388 = arith.addf %scan3A_371, %select_n3A_387 : vector<16xf32>
          scf.yield %add3A_386, %add3A_388 : vector<16xf32>, vector<16xf32>
        }
        %scan3A_346 = arith.constant 50 : i32
        %max3A = arith.constant 1 : i32
        %max3A_347 = vector.broadcast %max3A : i32 to vector<16xi32>
        %max3A_348 = arith.maxsi %add3A_332, %max3A_347 : vector<16xi32>
        %convert_element_type3A_349 = arith.sitofp %max3A_348 : vector<16xi32> to vector<16xf32>
        %div3A = arith.divf %scan3A_345#0, %convert_element_type3A_349 : vector<16xf32>
        %add3A_350 = arith.constant 0 : i32
        %add3A_351 = arith.addi %add3A_350, %scan3A_327 : i32
        %mul3A_352 = arith.constant 32 : i32
        %mul3A_353 = arith.muli %add3A_351, %mul3A_352 : i32
        %swap3A = arith.index_cast %mul3A_353 : i32 to index
        %swap3A_354 = tpu.vector_load %arg11[%swap3A] {strides = array<i32>} : memref<1024xf32, #tpu.memory_space<vmem>>, vector<16xf32>,
        %swap3A_355 = vector.shape_cast %swap3A_354 : vector<16xf32> to vector<16xf32>
        %swap3A_356 = vector.shape_cast %div3A : vector<16xf32> to vector<16xf32>
        tpu.vector_store %arg11[%swap3A], %swap3A_356 {strides = array<i32>} : memref<1024xf32, #tpu.memory_space<vmem>>, vector<16xf32>,
        %div3A_357 = arith.divf %scan3A_345#1, %convert_element_type3A_349 : vector<16xf32>
        %add3A_358 = arith.constant 0 : i32
        %add3A_359 = arith.addi %add3A_358, %scan3A_327 : i32
        %mul3A_360 = arith.constant 32 : i32
        %mul3A_361 = arith.muli %add3A_359, %mul3A_360 : i32
        %add3A_362 = arith.constant 16 : i32
        %add3A_363 = arith.addi %mul3A_361, %add3A_362 : i32
        %swap3A_364 = arith.index_cast %add3A_363 : i32 to index
        %swap3A_365 = tpu.vector_load %arg11[%swap3A_364] {strides = array<i32>} : memref<1024xf32, #tpu.memory_space<vmem>>, vector<16xf32>,
        %swap3A_366 = vector.shape_cast %swap3A_365 : vector<16xf32> to vector<16xf32>
        %swap3A_367 = vector.shape_cast %div3A_357 : vector<16xf32> to vector<16xf32>
        tpu.vector_store %arg11[%swap3A_364], %swap3A_367 {strides = array<i32>} : memref<1024xf32, #tpu.memory_space<vmem>>, vector<16xf32>,
        %scan3A_368 = arith.constant 0 : i32
        scf.yield %scan3A_368 : i32
      }
      %scan3A_309 = arith.constant 16 : i32
      %mul3A_310 = arith.constant 32 : i32
      %mul3A_311 = arith.muli %add3A_292, %mul3A_310 : i32
      %add3A_312 = arith.constant 16 : i32
      %add3A_313 = arith.addi %mul3A_311, %add3A_312 : i32
      %get3A_314 = arith.index_cast %add3A_313 : i32 to index
      %get3A_315 = tpu.vector_load %arg7[%get3A_314] {strides = array<i32>} : memref<512xi32, #tpu.memory_space<vmem>>, vector<16xi32>,
      %get3A_316 = vector.shape_cast %get3A_315 : vector<16xi32> to vector<16xi32>
      %scan3A_317 = arith.constant 0 : i32
      %scan3A_318 = arith.constant 0 : i32
      %scan3A_319 = arith.constant 16 : i32
      %scan3A_320 = arith.addi %scan3A_318, %scan3A_319 : i32
      %scan3A_321 = arith.constant 1 : i32
      %scan3A_322 = scf.for %scan3A_327 = %scan3A_318 to %scan3A_320 step %scan3A_321 iter_args(%scan3A_328 = %scan3A_317) -> (i32)  : i32 {
        %broadcast_in_dim3A = vector.broadcast %scan3A_327 : i32 to vector<16x1xi32>
        %gather3A = vector.shape_cast %broadcast_in_dim3A : vector<16x1xi32> to vector<16xi32>
        %gather3A_329 = tpu.dynamic_gather %get3A_316[%gather3A] in [0] : vector<16xi32>, vector<16xi32> -> vector<16xi32>
        %iota3A = tpu.iota {dimensions = array<i32: 0>} : vector<16xi32>
        %shift_right_logical3A = arith.constant 4 : i32
        %shift_right_logical3A_330 = vector.broadcast %shift_right_logical3A : i32 to vector<16xi32>
        %shift_right_logical3A_331 = arith.shrui %iota3A, %shift_right_logical3A_330 : vector<16xi32>
        %add3A_332 = arith.addi %gather3A_329, %shift_right_logical3A_331 : vector<16xi32>
        %add3A_333 = arith.constant 16 : i32
        %add3A_334 = arith.addi %add3A_333, %scan3A_327 : i32
        %mul3A_335 = arith.constant 50 : i32
        %mul3A_336 = arith.muli %add3A_334, %mul3A_335 : i32
        %broadcast_in_dim3A_337 = arith.constant 0.000000e+00 : f32
        %broadcast_in_dim3A_338 = vector.broadcast %broadcast_in_dim3A_337 : f32 to vector<16xf32>
        %broadcast_in_dim3A_339 = arith.constant 0.000000e+00 : f32
        %broadcast_in_dim3A_340 = vector.broadcast %broadcast_in_dim3A_339 : f32 to vector<16xf32>
        %scan3A_341 = arith.constant 0 : i32
        %scan3A_342 = arith.constant 50 : i32
        %scan3A_343 = arith.addi %scan3A_341, %scan3A_342 : i32
        %scan3A_344 = arith.constant 1 : i32
        %scan3A_345:2 = scf.for %scan3A_369 = %scan3A_341 to %scan3A_343 step %scan3A_344 iter_args(%scan3A_370 = %broadcast_in_dim3A_338, %scan3A_371 = %broadcast_in_dim3A_340) -> (vector<16xf32>, vector<16xf32>)  : i32 {
          %broadcast_in_dim3A_372 = vector.broadcast %scan3A_369 : i32 to vector<16xi32>
          %lt3A_373 = arith.cmpi slt, %broadcast_in_dim3A_372, %add3A_332 : vector<16xi32>
          %add3A_374 = arith.addi %mul3A_336, %scan3A_369 : i32
          %get3A_375 = arith.index_cast %add3A_374 : i32 to index
          %get3A_376 = arith.constant 0 : index
          %get3A_377 = tpu.vector_load %arg9[%get3A_375, %get3A_376] {strides = array<i32>} : memref<1600x32xf32, #tpu.memory_space<vmem>>, vector<1x16xf32>,
          %get3A_378 = vector.shape_cast %get3A_377 : vector<1x16xf32> to vector<16xf32>
          %add3A_379 = arith.addi %mul3A_336, %scan3A_369 : i32
          %get3A_380 = arith.index_cast %add3A_379 : i32 to index
          %get3A_381 = arith.constant 16 : index
          %get3A_382 = tpu.vector_load %arg9[%get3A_380, %get3A_381] {strides = array<i32>} : memref<1600x32xf32, #tpu.memory_space<vmem>>, vector<1x16xf32>,
          %get3A_383 = vector.shape_cast %get3A_382 : vector<1x16xf32> to vector<16xf32>
          %broadcast_in_dim3A_384 = arith.constant 0.000000e+00 : f32
          %broadcast_in_dim3A_385 = vector.broadcast %broadcast_in_dim3A_384 : f32 to vector<16xf32>
          %select_n3A = arith.select %lt3A_373, %get3A_378, %broadcast_in_dim3A_385 : vector<16xi1>, vector<16xf32>
          %add3A_386 = arith.addf %scan3A_370, %select_n3A : vector<16xf32>
          %select_n3A_387 = arith.select %lt3A_373, %get3A_383, %broadcast_in_dim3A_385 : vector<16xi1>, vector<16xf32>
          %add3A_388 = arith.addf %scan3A_371, %select_n3A_387 : vector<16xf32>
          scf.yield %add3A_386, %add3A_388 : vector<16xf32>, vector<16xf32>
        }
        %scan3A_346 = arith.constant 50 : i32
        %max3A = arith.constant 1 : i32
        %max3A_347 = vector.broadcast %max3A : i32 to vector<16xi32>
        %max3A_348 = arith.maxsi %add3A_332, %max3A_347 : vector<16xi32>
        %convert_element_type3A_349 = arith.sitofp %max3A_348 : vector<16xi32> to vector<16xf32>
        %div3A = arith.divf %scan3A_345#0, %convert_element_type3A_349 : vector<16xf32>
        %add3A_350 = arith.constant 16 : i32
        %add3A_351 = arith.addi %add3A_350, %scan3A_327 : i32
        %mul3A_352 = arith.constant 32 : i32
        %mul3A_353 = arith.muli %add3A_351, %mul3A_352 : i32
        %swap3A = arith.index_cast %mul3A_353 : i32 to index
        %swap3A_354 = tpu.vector_load %arg11[%swap3A] {strides = array<i32>} : memref<1024xf32, #tpu.memory_space<vmem>>, vector<16xf32>,
        %swap3A_355 = vector.shape_cast %swap3A_354 : vector<16xf32> to vector<16xf32>
        %swap3A_356 = vector.shape_cast %div3A : vector<16xf32> to vector<16xf32>
        tpu.vector_store %arg11[%swap3A], %swap3A_356 {strides = array<i32>} : memref<1024xf32, #tpu.memory_space<vmem>>, vector<16xf32>,
        %div3A_357 = arith.divf %scan3A_345#1, %convert_element_type3A_349 : vector<16xf32>
        %add3A_358 = arith.constant 16 : i32
        %add3A_359 = arith.addi %add3A_358, %scan3A_327 : i32
        %mul3A_360 = arith.constant 32 : i32
        %mul3A_361 = arith.muli %add3A_359, %mul3A_360 : i32
        %add3A_362 = arith.constant 16 : i32
        %add3A_363 = arith.addi %mul3A_361, %add3A_362 : i32
        %swap3A_364 = arith.index_cast %add3A_363 : i32 to index
        %swap3A_365 = tpu.vector_load %arg11[%swap3A_364] {strides = array<i32>} : memref<1024xf32, #tpu.memory_space<vmem>>, vector<16xf32>,
        %swap3A_366 = vector.shape_cast %swap3A_365 : vector<16xf32> to vector<16xf32>
        %swap3A_367 = vector.shape_cast %div3A_357 : vector<16xf32> to vector<16xf32>
        tpu.vector_store %arg11[%swap3A_364], %swap3A_367 {strides = array<i32>} : memref<1024xf32, #tpu.memory_space<vmem>>, vector<16xf32>,
        %scan3A_368 = arith.constant 0 : i32
        scf.yield %scan3A_368 : i32
      }
      %scan3A_323 = arith.constant 16 : i32
      %mul3A_324 = arith.constant 32 : i32
      %mul3A_325 = arith.muli %add3A_295, %mul3A_324 : i32
      "tpu.region"() ({
        %run_scoped3A = tpu.sem_alloc : memref<!tpu.dma_semaphore, #tpu.memory_space<semaphore_mem>>
        %dma_start3A_327 = tpu.memref_slice %arg5[%mul3A_325] : memref<524288xf32, #tpu.memory_space<hbm>> -> memref<1024xf32, #tpu.memory_space<hbm>>
        %dma_start3A_328 = tpu.memref_slice %arg5[%mul3A_325] : memref<524288xf32, #tpu.memory_space<hbm>> -> memref<1024xf32, #tpu.memory_space<hbm>>
        tpu.enqueue_dma source(%arg11 : memref<1024xf32, #tpu.memory_space<vmem>>) target(%dma_start3A_328 : memref<1024xf32, #tpu.memory_space<hbm>>) target_semaphore(%run_scoped3A : memref<!tpu.dma_semaphore, #tpu.memory_space<semaphore_mem>>)
        %dma_wait3A_329 = tpu.memref_slice %arg5[%mul3A_325] : memref<524288xf32, #tpu.memory_space<hbm>> -> memref<1024xf32, #tpu.memory_space<hbm>>
        %dma_wait3A_330 = tpu.memref_slice %arg5[%mul3A_325] : memref<524288xf32, #tpu.memory_space<hbm>> -> memref<1024xf32, #tpu.memory_space<hbm>>
        tpu.wait_dma2 semaphore(%run_scoped3A : memref<!tpu.dma_semaphore, #tpu.memory_space<semaphore_mem>>) src(%arg11 : memref<1024xf32, #tpu.memory_space<vmem>>) dst(%dma_wait3A_330 : memref<1024xf32, #tpu.memory_space<hbm>>)
        tpu.yield
      }) : () -> ()
      %scan3A_326 = arith.constant 0 : i32
      scf.yield %scan3A_326 : i32
    }
    %scan3A_120 = arith.constant 8 : i32
    return
  }
}

module attributes {stable_mosaic.version = 14 : i64} {
  func.func @_tc_transpose_body(%arg0: i32, %arg1: memref<32x65536xf32, #tpu.memory_space<vmem>>, %arg2: memref<2097152xf32, #tpu.memory_space<vmem>>) attributes {dimension_semantics = [#tpu.dimension_semantics<arbitrary>], iteration_bounds = array<i64: 16>, scalar_prefetch = 0 : i64, scratch_operands = 0 : i64, tpu.core_type = #tpu.core_type<tc>, window_params = [{transform_indices = @transform_0, window_bounds = array<i64: 32, 65536>}, {transform_indices = @transform_1, window_bounds = array<i64: 2097152>}]} {
    %get3A = arith.constant 0 : index
    %get3A_0 = arith.constant 0 : index
    %get3A_1 = vector.load %arg1[%get3A, %get3A_0] : memref<32x65536xf32, #tpu.memory_space<vmem>>, vector<32x65536xf32>
    %slice3A = vector.extract_strided_slice %get3A_1 {offsets = [0, 0], sizes = [32, 128], strides = [1, 1]} : vector<32x65536xf32> to vector<32x128xf32>
    %slice3A_2 = vector.extract_strided_slice %get3A_1 {offsets = [0, 128], sizes = [32, 128], strides = [1, 1]} : vector<32x65536xf32> to vector<32x128xf32>
    %slice3A_3 = vector.extract_strided_slice %get3A_1 {offsets = [0, 256], sizes = [32, 128], strides = [1, 1]} : vector<32x65536xf32> to vector<32x128xf32>
    %slice3A_4 = vector.extract_strided_slice %get3A_1 {offsets = [0, 384], sizes = [32, 128], strides = [1, 1]} : vector<32x65536xf32> to vector<32x128xf32>
    %concatenate3A = tpu.concatenate %slice3A, %slice3A_2, %slice3A_3, %slice3A_4 in 0 : vector<32x128xf32>, vector<32x128xf32>, vector<32x128xf32>, vector<32x128xf32> -> vector<128x128xf32>
    %transpose3A = tpu.transpose %concatenate3A, [1, 0] : vector<128x128xf32> -> vector<128x128xf32>
    %slice3A_5 = vector.extract_strided_slice %get3A_1 {offsets = [0, 512], sizes = [32, 128], strides = [1, 1]} : vector<32x65536xf32> to vector<32x128xf32>
    %slice3A_6 = vector.extract_strided_slice %get3A_1 {offsets = [0, 640], sizes = [32, 128], strides = [1, 1]} : vector<32x65536xf32> to vector<32x128xf32>
    %slice3A_7 = vector.extract_strided_slice %get3A_1 {offsets = [0, 768], sizes = [32, 128], strides = [1, 1]} : vector<32x65536xf32> to vector<32x128xf32>
    %slice3A_8 = vector.extract_strided_slice %get3A_1 {offsets = [0, 896], sizes = [32, 128], strides = [1, 1]} : vector<32x65536xf32> to vector<32x128xf32>
    %concatenate3A_9 = tpu.concatenate %slice3A_5, %slice3A_6, %slice3A_7, %slice3A_8 in 0 : vector<32x128xf32>, vector<32x128xf32>, vector<32x128xf32>, vector<32x128xf32> -> vector<128x128xf32>
    %transpose3A_10 = tpu.transpose %concatenate3A_9, [1, 0] : vector<128x128xf32> -> vector<128x128xf32>
    %slice3A_11 = vector.extract_strided_slice %get3A_1 {offsets = [0, 1024], sizes = [32, 128], strides = [1, 1]} : vector<32x65536xf32> to vector<32x128xf32>
    %slice3A_12 = vector.extract_strided_slice %get3A_1 {offsets = [0, 1152], sizes = [32, 128], strides = [1, 1]} : vector<32x65536xf32> to vector<32x128xf32>
    %slice3A_13 = vector.extract_strided_slice %get3A_1 {offsets = [0, 1280], sizes = [32, 128], strides = [1, 1]} : vector<32x65536xf32> to vector<32x128xf32>
    %slice3A_14 = vector.extract_strided_slice %get3A_1 {offsets = [0, 1408], sizes = [32, 128], strides = [1, 1]} : vector<32x65536xf32> to vector<32x128xf32>
    %concatenate3A_15 = tpu.concatenate %slice3A_11, %slice3A_12, %slice3A_13, %slice3A_14 in 0 : vector<32x128xf32>, vector<32x128xf32>, vector<32x128xf32>, vector<32x128xf32> -> vector<128x128xf32>
    %transpose3A_16 = tpu.transpose %concatenate3A_15, [1, 0] : vector<128x128xf32> -> vector<128x128xf32>
    %slice3A_17 = vector.extract_strided_slice %get3A_1 {offsets = [0, 1536], sizes = [32, 128], strides = [1, 1]} : vector<32x65536xf32> to vector<32x128xf32>
    %slice3A_18 = vector.extract_strided_slice %get3A_1 {offsets = [0, 1664], sizes = [32, 128], strides = [1, 1]} : vector<32x65536xf32> to vector<32x128xf32>
    %slice3A_19 = vector.extract_strided_slice %get3A_1 {offsets = [0, 1792], sizes = [32, 128], strides = [1, 1]} : vector<32x65536xf32> to vector<32x128xf32>
    %slice3A_20 = vector.extract_strided_slice %get3A_1 {offsets = [0, 1920], sizes = [32, 128], strides = [1, 1]} : vector<32x65536xf32> to vector<32x128xf32>
    %concatenate3A_21 = tpu.concatenate %slice3A_17, %slice3A_18, %slice3A_19, %slice3A_20 in 0 : vector<32x128xf32>, vector<32x128xf32>, vector<32x128xf32>, vector<32x128xf32> -> vector<128x128xf32>
    %transpose3A_22 = tpu.transpose %concatenate3A_21, [1, 0] : vector<128x128xf32> -> vector<128x128xf32>
    %slice3A_23 = vector.extract_strided_slice %get3A_1 {offsets = [0, 2048], sizes = [32, 128], strides = [1, 1]} : vector<32x65536xf32> to vector<32x128xf32>
    %slice3A_24 = vector.extract_strided_slice %get3A_1 {offsets = [0, 2176], sizes = [32, 128], strides = [1, 1]} : vector<32x65536xf32> to vector<32x128xf32>
    %slice3A_25 = vector.extract_strided_slice %get3A_1 {offsets = [0, 2304], sizes = [32, 128], strides = [1, 1]} : vector<32x65536xf32> to vector<32x128xf32>
    %slice3A_26 = vector.extract_strided_slice %get3A_1 {offsets = [0, 2432], sizes = [32, 128], strides = [1, 1]} : vector<32x65536xf32> to vector<32x128xf32>
    %concatenate3A_27 = tpu.concatenate %slice3A_23, %slice3A_24, %slice3A_25, %slice3A_26 in 0 : vector<32x128xf32>, vector<32x128xf32>, vector<32x128xf32>, vector<32x128xf32> -> vector<128x128xf32>
    %transpose3A_28 = tpu.transpose %concatenate3A_27, [1, 0] : vector<128x128xf32> -> vector<128x128xf32>
    %slice3A_29 = vector.extract_strided_slice %get3A_1 {offsets = [0, 2560], sizes = [32, 128], strides = [1, 1]} : vector<32x65536xf32> to vector<32x128xf32>
    %slice3A_30 = vector.extract_strided_slice %get3A_1 {offsets = [0, 2688], sizes = [32, 128], strides = [1, 1]} : vector<32x65536xf32> to vector<32x128xf32>
    %slice3A_31 = vector.extract_strided_slice %get3A_1 {offsets = [0, 2816], sizes = [32, 128], strides = [1, 1]} : vector<32x65536xf32> to vector<32x128xf32>
    %slice3A_32 = vector.extract_strided_slice %get3A_1 {offsets = [0, 2944], sizes = [32, 128], strides = [1, 1]} : vector<32x65536xf32> to vector<32x128xf32>
    %concatenate3A_33 = tpu.concatenate %slice3A_29, %slice3A_30, %slice3A_31, %slice3A_32 in 0 : vector<32x128xf32>, vector<32x128xf32>, vector<32x128xf32>, vector<32x128xf32> -> vector<128x128xf32>
    %transpose3A_34 = tpu.transpose %concatenate3A_33, [1, 0] : vector<128x128xf32> -> vector<128x128xf32>
    %slice3A_35 = vector.extract_strided_slice %get3A_1 {offsets = [0, 3072], sizes = [32, 128], strides = [1, 1]} : vector<32x65536xf32> to vector<32x128xf32>
    %slice3A_36 = vector.extract_strided_slice %get3A_1 {offsets = [0, 3200], sizes = [32, 128], strides = [1, 1]} : vector<32x65536xf32> to vector<32x128xf32>
    %slice3A_37 = vector.extract_strided_slice %get3A_1 {offsets = [0, 3328], sizes = [32, 128], strides = [1, 1]} : vector<32x65536xf32> to vector<32x128xf32>
    %slice3A_38 = vector.extract_strided_slice %get3A_1 {offsets = [0, 3456], sizes = [32, 128], strides = [1, 1]} : vector<32x65536xf32> to vector<32x128xf32>
    %concatenate3A_39 = tpu.concatenate %slice3A_35, %slice3A_36, %slice3A_37, %slice3A_38 in 0 : vector<32x128xf32>, vector<32x128xf32>, vector<32x128xf32>, vector<32x128xf32> -> vector<128x128xf32>
    %transpose3A_40 = tpu.transpose %concatenate3A_39, [1, 0] : vector<128x128xf32> -> vector<128x128xf32>
    %slice3A_41 = vector.extract_strided_slice %get3A_1 {offsets = [0, 3584], sizes = [32, 128], strides = [1, 1]} : vector<32x65536xf32> to vector<32x128xf32>
    %slice3A_42 = vector.extract_strided_slice %get3A_1 {offsets = [0, 3712], sizes = [32, 128], strides = [1, 1]} : vector<32x65536xf32> to vector<32x128xf32>
    %slice3A_43 = vector.extract_strided_slice %get3A_1 {offsets = [0, 3840], sizes = [32, 128], strides = [1, 1]} : vector<32x65536xf32> to vector<32x128xf32>
    %slice3A_44 = vector.extract_strided_slice %get3A_1 {offsets = [0, 3968], sizes = [32, 128], strides = [1, 1]} : vector<32x65536xf32> to vector<32x128xf32>
    %concatenate3A_45 = tpu.concatenate %slice3A_41, %slice3A_42, %slice3A_43, %slice3A_44 in 0 : vector<32x128xf32>, vector<32x128xf32>, vector<32x128xf32>, vector<32x128xf32> -> vector<128x128xf32>
    %transpose3A_46 = tpu.transpose %concatenate3A_45, [1, 0] : vector<128x128xf32> -> vector<128x128xf32>
    %slice3A_47 = vector.extract_strided_slice %get3A_1 {offsets = [0, 4096], sizes = [32, 128], strides = [1, 1]} : vector<32x65536xf32> to vector<32x128xf32>
    %slice3A_48 = vector.extract_strided_slice %get3A_1 {offsets = [0, 4224], sizes = [32, 128], strides = [1, 1]} : vector<32x65536xf32> to vector<32x128xf32>
    %slice3A_49 = vector.extract_strided_slice %get3A_1 {offsets = [0, 4352], sizes = [32, 128], strides = [1, 1]} : vector<32x65536xf32> to vector<32x128xf32>
    %slice3A_50 = vector.extract_strided_slice %get3A_1 {offsets = [0, 4480], sizes = [32, 128], strides = [1, 1]} : vector<32x65536xf32> to vector<32x128xf32>
    %concatenate3A_51 = tpu.concatenate %slice3A_47, %slice3A_48, %slice3A_49, %slice3A_50 in 0 : vector<32x128xf32>, vector<32x128xf32>, vector<32x128xf32>, vector<32x128xf32> -> vector<128x128xf32>
    %transpose3A_52 = tpu.transpose %concatenate3A_51, [1, 0] : vector<128x128xf32> -> vector<128x128xf32>
    %slice3A_53 = vector.extract_strided_slice %get3A_1 {offsets = [0, 4608], sizes = [32, 128], strides = [1, 1]} : vector<32x65536xf32> to vector<32x128xf32>
    %slice3A_54 = vector.extract_strided_slice %get3A_1 {offsets = [0, 4736], sizes = [32, 128], strides = [1, 1]} : vector<32x65536xf32> to vector<32x128xf32>
    %slice3A_55 = vector.extract_strided_slice %get3A_1 {offsets = [0, 4864], sizes = [32, 128], strides = [1, 1]} : vector<32x65536xf32> to vector<32x128xf32>
    %slice3A_56 = vector.extract_strided_slice %get3A_1 {offsets = [0, 4992], sizes = [32, 128], strides = [1, 1]} : vector<32x65536xf32> to vector<32x128xf32>
    %concatenate3A_57 = tpu.concatenate %slice3A_53, %slice3A_54, %slice3A_55, %slice3A_56 in 0 : vector<32x128xf32>, vector<32x128xf32>, vector<32x128xf32>, vector<32x128xf32> -> vector<128x128xf32>
    %transpose3A_58 = tpu.transpose %concatenate3A_57, [1, 0] : vector<128x128xf32> -> vector<128x128xf32>
    %slice3A_59 = vector.extract_strided_slice %get3A_1 {offsets = [0, 5120], sizes = [32, 128], strides = [1, 1]} : vector<32x65536xf32> to vector<32x128xf32>
    %slice3A_60 = vector.extract_strided_slice %get3A_1 {offsets = [0, 5248], sizes = [32, 128], strides = [1, 1]} : vector<32x65536xf32> to vector<32x128xf32>
    %slice3A_61 = vector.extract_strided_slice %get3A_1 {offsets = [0, 5376], sizes = [32, 128], strides = [1, 1]} : vector<32x65536xf32> to vector<32x128xf32>
    %slice3A_62 = vector.extract_strided_slice %get3A_1 {offsets = [0, 5504], sizes = [32, 128], strides = [1, 1]} : vector<32x65536xf32> to vector<32x128xf32>
    %concatenate3A_63 = tpu.concatenate %slice3A_59, %slice3A_60, %slice3A_61, %slice3A_62 in 0 : vector<32x128xf32>, vector<32x128xf32>, vector<32x128xf32>, vector<32x128xf32> -> vector<128x128xf32>
    %transpose3A_64 = tpu.transpose %concatenate3A_63, [1, 0] : vector<128x128xf32> -> vector<128x128xf32>
    %slice3A_65 = vector.extract_strided_slice %get3A_1 {offsets = [0, 5632], sizes = [32, 128], strides = [1, 1]} : vector<32x65536xf32> to vector<32x128xf32>
    %slice3A_66 = vector.extract_strided_slice %get3A_1 {offsets = [0, 5760], sizes = [32, 128], strides = [1, 1]} : vector<32x65536xf32> to vector<32x128xf32>
    %slice3A_67 = vector.extract_strided_slice %get3A_1 {offsets = [0, 5888], sizes = [32, 128], strides = [1, 1]} : vector<32x65536xf32> to vector<32x128xf32>
    %slice3A_68 = vector.extract_strided_slice %get3A_1 {offsets = [0, 6016], sizes = [32, 128], strides = [1, 1]} : vector<32x65536xf32> to vector<32x128xf32>
    %concatenate3A_69 = tpu.concatenate %slice3A_65, %slice3A_66, %slice3A_67, %slice3A_68 in 0 : vector<32x128xf32>, vector<32x128xf32>, vector<32x128xf32>, vector<32x128xf32> -> vector<128x128xf32>
    %transpose3A_70 = tpu.transpose %concatenate3A_69, [1, 0] : vector<128x128xf32> -> vector<128x128xf32>
    %slice3A_71 = vector.extract_strided_slice %get3A_1 {offsets = [0, 6144], sizes = [32, 128], strides = [1, 1]} : vector<32x65536xf32> to vector<32x128xf32>
    %slice3A_72 = vector.extract_strided_slice %get3A_1 {offsets = [0, 6272], sizes = [32, 128], strides = [1, 1]} : vector<32x65536xf32> to vector<32x128xf32>
    %slice3A_73 = vector.extract_strided_slice %get3A_1 {offsets = [0, 6400], sizes = [32, 128], strides = [1, 1]} : vector<32x65536xf32> to vector<32x128xf32>
    %slice3A_74 = vector.extract_strided_slice %get3A_1 {offsets = [0, 6528], sizes = [32, 128], strides = [1, 1]} : vector<32x65536xf32> to vector<32x128xf32>
    %concatenate3A_75 = tpu.concatenate %slice3A_71, %slice3A_72, %slice3A_73, %slice3A_74 in 0 : vector<32x128xf32>, vector<32x128xf32>, vector<32x128xf32>, vector<32x128xf32> -> vector<128x128xf32>
    %transpose3A_76 = tpu.transpose %concatenate3A_75, [1, 0] : vector<128x128xf32> -> vector<128x128xf32>
    %slice3A_77 = vector.extract_strided_slice %get3A_1 {offsets = [0, 6656], sizes = [32, 128], strides = [1, 1]} : vector<32x65536xf32> to vector<32x128xf32>
    %slice3A_78 = vector.extract_strided_slice %get3A_1 {offsets = [0, 6784], sizes = [32, 128], strides = [1, 1]} : vector<32x65536xf32> to vector<32x128xf32>
    %slice3A_79 = vector.extract_strided_slice %get3A_1 {offsets = [0, 6912], sizes = [32, 128], strides = [1, 1]} : vector<32x65536xf32> to vector<32x128xf32>
    %slice3A_80 = vector.extract_strided_slice %get3A_1 {offsets = [0, 7040], sizes = [32, 128], strides = [1, 1]} : vector<32x65536xf32> to vector<32x128xf32>
    %concatenate3A_81 = tpu.concatenate %slice3A_77, %slice3A_78, %slice3A_79, %slice3A_80 in 0 : vector<32x128xf32>, vector<32x128xf32>, vector<32x128xf32>, vector<32x128xf32> -> vector<128x128xf32>
    %transpose3A_82 = tpu.transpose %concatenate3A_81, [1, 0] : vector<128x128xf32> -> vector<128x128xf32>
    %slice3A_83 = vector.extract_strided_slice %get3A_1 {offsets = [0, 7168], sizes = [32, 128], strides = [1, 1]} : vector<32x65536xf32> to vector<32x128xf32>
    %slice3A_84 = vector.extract_strided_slice %get3A_1 {offsets = [0, 7296], sizes = [32, 128], strides = [1, 1]} : vector<32x65536xf32> to vector<32x128xf32>
    %slice3A_85 = vector.extract_strided_slice %get3A_1 {offsets = [0, 7424], sizes = [32, 128], strides = [1, 1]} : vector<32x65536xf32> to vector<32x128xf32>
    %slice3A_86 = vector.extract_strided_slice %get3A_1 {offsets = [0, 7552], sizes = [32, 128], strides = [1, 1]} : vector<32x65536xf32> to vector<32x128xf32>
    %concatenate3A_87 = tpu.concatenate %slice3A_83, %slice3A_84, %slice3A_85, %slice3A_86 in 0 : vector<32x128xf32>, vector<32x128xf32>, vector<32x128xf32>, vector<32x128xf32> -> vector<128x128xf32>
    %transpose3A_88 = tpu.transpose %concatenate3A_87, [1, 0] : vector<128x128xf32> -> vector<128x128xf32>
    %slice3A_89 = vector.extract_strided_slice %get3A_1 {offsets = [0, 7680], sizes = [32, 128], strides = [1, 1]} : vector<32x65536xf32> to vector<32x128xf32>
    %slice3A_90 = vector.extract_strided_slice %get3A_1 {offsets = [0, 7808], sizes = [32, 128], strides = [1, 1]} : vector<32x65536xf32> to vector<32x128xf32>
    %slice3A_91 = vector.extract_strided_slice %get3A_1 {offsets = [0, 7936], sizes = [32, 128], strides = [1, 1]} : vector<32x65536xf32> to vector<32x128xf32>
    %slice3A_92 = vector.extract_strided_slice %get3A_1 {offsets = [0, 8064], sizes = [32, 128], strides = [1, 1]} : vector<32x65536xf32> to vector<32x128xf32>
    %concatenate3A_93 = tpu.concatenate %slice3A_89, %slice3A_90, %slice3A_91, %slice3A_92 in 0 : vector<32x128xf32>, vector<32x128xf32>, vector<32x128xf32>, vector<32x128xf32> -> vector<128x128xf32>
    %transpose3A_94 = tpu.transpose %concatenate3A_93, [1, 0] : vector<128x128xf32> -> vector<128x128xf32>
    %slice3A_95 = vector.extract_strided_slice %get3A_1 {offsets = [0, 8192], sizes = [32, 128], strides = [1, 1]} : vector<32x65536xf32> to vector<32x128xf32>
    %slice3A_96 = vector.extract_strided_slice %get3A_1 {offsets = [0, 8320], sizes = [32, 128], strides = [1, 1]} : vector<32x65536xf32> to vector<32x128xf32>
    %slice3A_97 = vector.extract_strided_slice %get3A_1 {offsets = [0, 8448], sizes = [32, 128], strides = [1, 1]} : vector<32x65536xf32> to vector<32x128xf32>
    %slice3A_98 = vector.extract_strided_slice %get3A_1 {offsets = [0, 8576], sizes = [32, 128], strides = [1, 1]} : vector<32x65536xf32> to vector<32x128xf32>
    %concatenate3A_99 = tpu.concatenate %slice3A_95, %slice3A_96, %slice3A_97, %slice3A_98 in 0 : vector<32x128xf32>, vector<32x128xf32>, vector<32x128xf32>, vector<32x128xf32> -> vector<128x128xf32>
    %transpose3A_100 = tpu.transpose %concatenate3A_99, [1, 0] : vector<128x128xf32> -> vector<128x128xf32>
    %slice3A_101 = vector.extract_strided_slice %get3A_1 {offsets = [0, 8704], sizes = [32, 128], strides = [1, 1]} : vector<32x65536xf32> to vector<32x128xf32>
    %slice3A_102 = vector.extract_strided_slice %get3A_1 {offsets = [0, 8832], sizes = [32, 128], strides = [1, 1]} : vector<32x65536xf32> to vector<32x128xf32>
    %slice3A_103 = vector.extract_strided_slice %get3A_1 {offsets = [0, 8960], sizes = [32, 128], strides = [1, 1]} : vector<32x65536xf32> to vector<32x128xf32>
    %slice3A_104 = vector.extract_strided_slice %get3A_1 {offsets = [0, 9088], sizes = [32, 128], strides = [1, 1]} : vector<32x65536xf32> to vector<32x128xf32>
    %concatenate3A_105 = tpu.concatenate %slice3A_101, %slice3A_102, %slice3A_103, %slice3A_104 in 0 : vector<32x128xf32>, vector<32x128xf32>, vector<32x128xf32>, vector<32x128xf32> -> vector<128x128xf32>
    %transpose3A_106 = tpu.transpose %concatenate3A_105, [1, 0] : vector<128x128xf32> -> vector<128x128xf32>
    %slice3A_107 = vector.extract_strided_slice %get3A_1 {offsets = [0, 9216], sizes = [32, 128], strides = [1, 1]} : vector<32x65536xf32> to vector<32x128xf32>
    %slice3A_108 = vector.extract_strided_slice %get3A_1 {offsets = [0, 9344], sizes = [32, 128], strides = [1, 1]} : vector<32x65536xf32> to vector<32x128xf32>
    %slice3A_109 = vector.extract_strided_slice %get3A_1 {offsets = [0, 9472], sizes = [32, 128], strides = [1, 1]} : vector<32x65536xf32> to vector<32x128xf32>
    %slice3A_110 = vector.extract_strided_slice %get3A_1 {offsets = [0, 9600], sizes = [32, 128], strides = [1, 1]} : vector<32x65536xf32> to vector<32x128xf32>
    %concatenate3A_111 = tpu.concatenate %slice3A_107, %slice3A_108, %slice3A_109, %slice3A_110 in 0 : vector<32x128xf32>, vector<32x128xf32>, vector<32x128xf32>, vector<32x128xf32> -> vector<128x128xf32>
    %transpose3A_112 = tpu.transpose %concatenate3A_111, [1, 0] : vector<128x128xf32> -> vector<128x128xf32>
    %slice3A_113 = vector.extract_strided_slice %get3A_1 {offsets = [0, 9728], sizes = [32, 128], strides = [1, 1]} : vector<32x65536xf32> to vector<32x128xf32>
    %slice3A_114 = vector.extract_strided_slice %get3A_1 {offsets = [0, 9856], sizes = [32, 128], strides = [1, 1]} : vector<32x65536xf32> to vector<32x128xf32>
    %slice3A_115 = vector.extract_strided_slice %get3A_1 {offsets = [0, 9984], sizes = [32, 128], strides = [1, 1]} : vector<32x65536xf32> to vector<32x128xf32>
    %slice3A_116 = vector.extract_strided_slice %get3A_1 {offsets = [0, 10112], sizes = [32, 128], strides = [1, 1]} : vector<32x65536xf32> to vector<32x128xf32>
    %concatenate3A_117 = tpu.concatenate %slice3A_113, %slice3A_114, %slice3A_115, %slice3A_116 in 0 : vector<32x128xf32>, vector<32x128xf32>, vector<32x128xf32>, vector<32x128xf32> -> vector<128x128xf32>
    %transpose3A_118 = tpu.transpose %concatenate3A_117, [1, 0] : vector<128x128xf32> -> vector<128x128xf32>
    %slice3A_119 = vector.extract_strided_slice %get3A_1 {offsets = [0, 10240], sizes = [32, 128], strides = [1, 1]} : vector<32x65536xf32> to vector<32x128xf32>
    %slice3A_120 = vector.extract_strided_slice %get3A_1 {offsets = [0, 10368], sizes = [32, 128], strides = [1, 1]} : vector<32x65536xf32> to vector<32x128xf32>
    %slice3A_121 = vector.extract_strided_slice %get3A_1 {offsets = [0, 10496], sizes = [32, 128], strides = [1, 1]} : vector<32x65536xf32> to vector<32x128xf32>
    %slice3A_122 = vector.extract_strided_slice %get3A_1 {offsets = [0, 10624], sizes = [32, 128], strides = [1, 1]} : vector<32x65536xf32> to vector<32x128xf32>
    %concatenate3A_123 = tpu.concatenate %slice3A_119, %slice3A_120, %slice3A_121, %slice3A_122 in 0 : vector<32x128xf32>, vector<32x128xf32>, vector<32x128xf32>, vector<32x128xf32> -> vector<128x128xf32>
    %transpose3A_124 = tpu.transpose %concatenate3A_123, [1, 0] : vector<128x128xf32> -> vector<128x128xf32>
    %slice3A_125 = vector.extract_strided_slice %get3A_1 {offsets = [0, 10752], sizes = [32, 128], strides = [1, 1]} : vector<32x65536xf32> to vector<32x128xf32>
    %slice3A_126 = vector.extract_strided_slice %get3A_1 {offsets = [0, 10880], sizes = [32, 128], strides = [1, 1]} : vector<32x65536xf32> to vector<32x128xf32>
    %slice3A_127 = vector.extract_strided_slice %get3A_1 {offsets = [0, 11008], sizes = [32, 128], strides = [1, 1]} : vector<32x65536xf32> to vector<32x128xf32>
    %slice3A_128 = vector.extract_strided_slice %get3A_1 {offsets = [0, 11136], sizes = [32, 128], strides = [1, 1]} : vector<32x65536xf32> to vector<32x128xf32>
    %concatenate3A_129 = tpu.concatenate %slice3A_125, %slice3A_126, %slice3A_127, %slice3A_128 in 0 : vector<32x128xf32>, vector<32x128xf32>, vector<32x128xf32>, vector<32x128xf32> -> vector<128x128xf32>
    %transpose3A_130 = tpu.transpose %concatenate3A_129, [1, 0] : vector<128x128xf32> -> vector<128x128xf32>
    %slice3A_131 = vector.extract_strided_slice %get3A_1 {offsets = [0, 11264], sizes = [32, 128], strides = [1, 1]} : vector<32x65536xf32> to vector<32x128xf32>
    %slice3A_132 = vector.extract_strided_slice %get3A_1 {offsets = [0, 11392], sizes = [32, 128], strides = [1, 1]} : vector<32x65536xf32> to vector<32x128xf32>
    %slice3A_133 = vector.extract_strided_slice %get3A_1 {offsets = [0, 11520], sizes = [32, 128], strides = [1, 1]} : vector<32x65536xf32> to vector<32x128xf32>
    %slice3A_134 = vector.extract_strided_slice %get3A_1 {offsets = [0, 11648], sizes = [32, 128], strides = [1, 1]} : vector<32x65536xf32> to vector<32x128xf32>
    %concatenate3A_135 = tpu.concatenate %slice3A_131, %slice3A_132, %slice3A_133, %slice3A_134 in 0 : vector<32x128xf32>, vector<32x128xf32>, vector<32x128xf32>, vector<32x128xf32> -> vector<128x128xf32>
    %transpose3A_136 = tpu.transpose %concatenate3A_135, [1, 0] : vector<128x128xf32> -> vector<128x128xf32>
    %slice3A_137 = vector.extract_strided_slice %get3A_1 {offsets = [0, 11776], sizes = [32, 128], strides = [1, 1]} : vector<32x65536xf32> to vector<32x128xf32>
    %slice3A_138 = vector.extract_strided_slice %get3A_1 {offsets = [0, 11904], sizes = [32, 128], strides = [1, 1]} : vector<32x65536xf32> to vector<32x128xf32>
    %slice3A_139 = vector.extract_strided_slice %get3A_1 {offsets = [0, 12032], sizes = [32, 128], strides = [1, 1]} : vector<32x65536xf32> to vector<32x128xf32>
    %slice3A_140 = vector.extract_strided_slice %get3A_1 {offsets = [0, 12160], sizes = [32, 128], strides = [1, 1]} : vector<32x65536xf32> to vector<32x128xf32>
    %concatenate3A_141 = tpu.concatenate %slice3A_137, %slice3A_138, %slice3A_139, %slice3A_140 in 0 : vector<32x128xf32>, vector<32x128xf32>, vector<32x128xf32>, vector<32x128xf32> -> vector<128x128xf32>
    %transpose3A_142 = tpu.transpose %concatenate3A_141, [1, 0] : vector<128x128xf32> -> vector<128x128xf32>
    %slice3A_143 = vector.extract_strided_slice %get3A_1 {offsets = [0, 12288], sizes = [32, 128], strides = [1, 1]} : vector<32x65536xf32> to vector<32x128xf32>
    %slice3A_144 = vector.extract_strided_slice %get3A_1 {offsets = [0, 12416], sizes = [32, 128], strides = [1, 1]} : vector<32x65536xf32> to vector<32x128xf32>
    %slice3A_145 = vector.extract_strided_slice %get3A_1 {offsets = [0, 12544], sizes = [32, 128], strides = [1, 1]} : vector<32x65536xf32> to vector<32x128xf32>
    %slice3A_146 = vector.extract_strided_slice %get3A_1 {offsets = [0, 12672], sizes = [32, 128], strides = [1, 1]} : vector<32x65536xf32> to vector<32x128xf32>
    %concatenate3A_147 = tpu.concatenate %slice3A_143, %slice3A_144, %slice3A_145, %slice3A_146 in 0 : vector<32x128xf32>, vector<32x128xf32>, vector<32x128xf32>, vector<32x128xf32> -> vector<128x128xf32>
    %transpose3A_148 = tpu.transpose %concatenate3A_147, [1, 0] : vector<128x128xf32> -> vector<128x128xf32>
    %slice3A_149 = vector.extract_strided_slice %get3A_1 {offsets = [0, 12800], sizes = [32, 128], strides = [1, 1]} : vector<32x65536xf32> to vector<32x128xf32>
    %slice3A_150 = vector.extract_strided_slice %get3A_1 {offsets = [0, 12928], sizes = [32, 128], strides = [1, 1]} : vector<32x65536xf32> to vector<32x128xf32>
    %slice3A_151 = vector.extract_strided_slice %get3A_1 {offsets = [0, 13056], sizes = [32, 128], strides = [1, 1]} : vector<32x65536xf32> to vector<32x128xf32>
    %slice3A_152 = vector.extract_strided_slice %get3A_1 {offsets = [0, 13184], sizes = [32, 128], strides = [1, 1]} : vector<32x65536xf32> to vector<32x128xf32>
    %concatenate3A_153 = tpu.concatenate %slice3A_149, %slice3A_150, %slice3A_151, %slice3A_152 in 0 : vector<32x128xf32>, vector<32x128xf32>, vector<32x128xf32>, vector<32x128xf32> -> vector<128x128xf32>
    %transpose3A_154 = tpu.transpose %concatenate3A_153, [1, 0] : vector<128x128xf32> -> vector<128x128xf32>
    %slice3A_155 = vector.extract_strided_slice %get3A_1 {offsets = [0, 13312], sizes = [32, 128], strides = [1, 1]} : vector<32x65536xf32> to vector<32x128xf32>
    %slice3A_156 = vector.extract_strided_slice %get3A_1 {offsets = [0, 13440], sizes = [32, 128], strides = [1, 1]} : vector<32x65536xf32> to vector<32x128xf32>
    %slice3A_157 = vector.extract_strided_slice %get3A_1 {offsets = [0, 13568], sizes = [32, 128], strides = [1, 1]} : vector<32x65536xf32> to vector<32x128xf32>
    %slice3A_158 = vector.extract_strided_slice %get3A_1 {offsets = [0, 13696], sizes = [32, 128], strides = [1, 1]} : vector<32x65536xf32> to vector<32x128xf32>
    %concatenate3A_159 = tpu.concatenate %slice3A_155, %slice3A_156, %slice3A_157, %slice3A_158 in 0 : vector<32x128xf32>, vector<32x128xf32>, vector<32x128xf32>, vector<32x128xf32> -> vector<128x128xf32>
    %transpose3A_160 = tpu.transpose %concatenate3A_159, [1, 0] : vector<128x128xf32> -> vector<128x128xf32>
    %slice3A_161 = vector.extract_strided_slice %get3A_1 {offsets = [0, 13824], sizes = [32, 128], strides = [1, 1]} : vector<32x65536xf32> to vector<32x128xf32>
    %slice3A_162 = vector.extract_strided_slice %get3A_1 {offsets = [0, 13952], sizes = [32, 128], strides = [1, 1]} : vector<32x65536xf32> to vector<32x128xf32>
    %slice3A_163 = vector.extract_strided_slice %get3A_1 {offsets = [0, 14080], sizes = [32, 128], strides = [1, 1]} : vector<32x65536xf32> to vector<32x128xf32>
    %slice3A_164 = vector.extract_strided_slice %get3A_1 {offsets = [0, 14208], sizes = [32, 128], strides = [1, 1]} : vector<32x65536xf32> to vector<32x128xf32>
    %concatenate3A_165 = tpu.concatenate %slice3A_161, %slice3A_162, %slice3A_163, %slice3A_164 in 0 : vector<32x128xf32>, vector<32x128xf32>, vector<32x128xf32>, vector<32x128xf32> -> vector<128x128xf32>
    %transpose3A_166 = tpu.transpose %concatenate3A_165, [1, 0] : vector<128x128xf32> -> vector<128x128xf32>
    %slice3A_167 = vector.extract_strided_slice %get3A_1 {offsets = [0, 14336], sizes = [32, 128], strides = [1, 1]} : vector<32x65536xf32> to vector<32x128xf32>
    %slice3A_168 = vector.extract_strided_slice %get3A_1 {offsets = [0, 14464], sizes = [32, 128], strides = [1, 1]} : vector<32x65536xf32> to vector<32x128xf32>
    %slice3A_169 = vector.extract_strided_slice %get3A_1 {offsets = [0, 14592], sizes = [32, 128], strides = [1, 1]} : vector<32x65536xf32> to vector<32x128xf32>
    %slice3A_170 = vector.extract_strided_slice %get3A_1 {offsets = [0, 14720], sizes = [32, 128], strides = [1, 1]} : vector<32x65536xf32> to vector<32x128xf32>
    %concatenate3A_171 = tpu.concatenate %slice3A_167, %slice3A_168, %slice3A_169, %slice3A_170 in 0 : vector<32x128xf32>, vector<32x128xf32>, vector<32x128xf32>, vector<32x128xf32> -> vector<128x128xf32>
    %transpose3A_172 = tpu.transpose %concatenate3A_171, [1, 0] : vector<128x128xf32> -> vector<128x128xf32>
    %slice3A_173 = vector.extract_strided_slice %get3A_1 {offsets = [0, 14848], sizes = [32, 128], strides = [1, 1]} : vector<32x65536xf32> to vector<32x128xf32>
    %slice3A_174 = vector.extract_strided_slice %get3A_1 {offsets = [0, 14976], sizes = [32, 128], strides = [1, 1]} : vector<32x65536xf32> to vector<32x128xf32>
    %slice3A_175 = vector.extract_strided_slice %get3A_1 {offsets = [0, 15104], sizes = [32, 128], strides = [1, 1]} : vector<32x65536xf32> to vector<32x128xf32>
    %slice3A_176 = vector.extract_strided_slice %get3A_1 {offsets = [0, 15232], sizes = [32, 128], strides = [1, 1]} : vector<32x65536xf32> to vector<32x128xf32>
    %concatenate3A_177 = tpu.concatenate %slice3A_173, %slice3A_174, %slice3A_175, %slice3A_176 in 0 : vector<32x128xf32>, vector<32x128xf32>, vector<32x128xf32>, vector<32x128xf32> -> vector<128x128xf32>
    %transpose3A_178 = tpu.transpose %concatenate3A_177, [1, 0] : vector<128x128xf32> -> vector<128x128xf32>
    %slice3A_179 = vector.extract_strided_slice %get3A_1 {offsets = [0, 15360], sizes = [32, 128], strides = [1, 1]} : vector<32x65536xf32> to vector<32x128xf32>
    %slice3A_180 = vector.extract_strided_slice %get3A_1 {offsets = [0, 15488], sizes = [32, 128], strides = [1, 1]} : vector<32x65536xf32> to vector<32x128xf32>
    %slice3A_181 = vector.extract_strided_slice %get3A_1 {offsets = [0, 15616], sizes = [32, 128], strides = [1, 1]} : vector<32x65536xf32> to vector<32x128xf32>
    %slice3A_182 = vector.extract_strided_slice %get3A_1 {offsets = [0, 15744], sizes = [32, 128], strides = [1, 1]} : vector<32x65536xf32> to vector<32x128xf32>
    %concatenate3A_183 = tpu.concatenate %slice3A_179, %slice3A_180, %slice3A_181, %slice3A_182 in 0 : vector<32x128xf32>, vector<32x128xf32>, vector<32x128xf32>, vector<32x128xf32> -> vector<128x128xf32>
    %transpose3A_184 = tpu.transpose %concatenate3A_183, [1, 0] : vector<128x128xf32> -> vector<128x128xf32>
    %slice3A_185 = vector.extract_strided_slice %get3A_1 {offsets = [0, 15872], sizes = [32, 128], strides = [1, 1]} : vector<32x65536xf32> to vector<32x128xf32>
    %slice3A_186 = vector.extract_strided_slice %get3A_1 {offsets = [0, 16000], sizes = [32, 128], strides = [1, 1]} : vector<32x65536xf32> to vector<32x128xf32>
    %slice3A_187 = vector.extract_strided_slice %get3A_1 {offsets = [0, 16128], sizes = [32, 128], strides = [1, 1]} : vector<32x65536xf32> to vector<32x128xf32>
    %slice3A_188 = vector.extract_strided_slice %get3A_1 {offsets = [0, 16256], sizes = [32, 128], strides = [1, 1]} : vector<32x65536xf32> to vector<32x128xf32>
    %concatenate3A_189 = tpu.concatenate %slice3A_185, %slice3A_186, %slice3A_187, %slice3A_188 in 0 : vector<32x128xf32>, vector<32x128xf32>, vector<32x128xf32>, vector<32x128xf32> -> vector<128x128xf32>
    %transpose3A_190 = tpu.transpose %concatenate3A_189, [1, 0] : vector<128x128xf32> -> vector<128x128xf32>
    %slice3A_191 = vector.extract_strided_slice %get3A_1 {offsets = [0, 16384], sizes = [32, 128], strides = [1, 1]} : vector<32x65536xf32> to vector<32x128xf32>
    %slice3A_192 = vector.extract_strided_slice %get3A_1 {offsets = [0, 16512], sizes = [32, 128], strides = [1, 1]} : vector<32x65536xf32> to vector<32x128xf32>
    %slice3A_193 = vector.extract_strided_slice %get3A_1 {offsets = [0, 16640], sizes = [32, 128], strides = [1, 1]} : vector<32x65536xf32> to vector<32x128xf32>
    %slice3A_194 = vector.extract_strided_slice %get3A_1 {offsets = [0, 16768], sizes = [32, 128], strides = [1, 1]} : vector<32x65536xf32> to vector<32x128xf32>
    %concatenate3A_195 = tpu.concatenate %slice3A_191, %slice3A_192, %slice3A_193, %slice3A_194 in 0 : vector<32x128xf32>, vector<32x128xf32>, vector<32x128xf32>, vector<32x128xf32> -> vector<128x128xf32>
    %transpose3A_196 = tpu.transpose %concatenate3A_195, [1, 0] : vector<128x128xf32> -> vector<128x128xf32>
    %slice3A_197 = vector.extract_strided_slice %get3A_1 {offsets = [0, 16896], sizes = [32, 128], strides = [1, 1]} : vector<32x65536xf32> to vector<32x128xf32>
    %slice3A_198 = vector.extract_strided_slice %get3A_1 {offsets = [0, 17024], sizes = [32, 128], strides = [1, 1]} : vector<32x65536xf32> to vector<32x128xf32>
    %slice3A_199 = vector.extract_strided_slice %get3A_1 {offsets = [0, 17152], sizes = [32, 128], strides = [1, 1]} : vector<32x65536xf32> to vector<32x128xf32>
    %slice3A_200 = vector.extract_strided_slice %get3A_1 {offsets = [0, 17280], sizes = [32, 128], strides = [1, 1]} : vector<32x65536xf32> to vector<32x128xf32>
    %concatenate3A_201 = tpu.concatenate %slice3A_197, %slice3A_198, %slice3A_199, %slice3A_200 in 0 : vector<32x128xf32>, vector<32x128xf32>, vector<32x128xf32>, vector<32x128xf32> -> vector<128x128xf32>
    %transpose3A_202 = tpu.transpose %concatenate3A_201, [1, 0] : vector<128x128xf32> -> vector<128x128xf32>
    %slice3A_203 = vector.extract_strided_slice %get3A_1 {offsets = [0, 17408], sizes = [32, 128], strides = [1, 1]} : vector<32x65536xf32> to vector<32x128xf32>
    %slice3A_204 = vector.extract_strided_slice %get3A_1 {offsets = [0, 17536], sizes = [32, 128], strides = [1, 1]} : vector<32x65536xf32> to vector<32x128xf32>
    %slice3A_205 = vector.extract_strided_slice %get3A_1 {offsets = [0, 17664], sizes = [32, 128], strides = [1, 1]} : vector<32x65536xf32> to vector<32x128xf32>
    %slice3A_206 = vector.extract_strided_slice %get3A_1 {offsets = [0, 17792], sizes = [32, 128], strides = [1, 1]} : vector<32x65536xf32> to vector<32x128xf32>
    %concatenate3A_207 = tpu.concatenate %slice3A_203, %slice3A_204, %slice3A_205, %slice3A_206 in 0 : vector<32x128xf32>, vector<32x128xf32>, vector<32x128xf32>, vector<32x128xf32> -> vector<128x128xf32>
    %transpose3A_208 = tpu.transpose %concatenate3A_207, [1, 0] : vector<128x128xf32> -> vector<128x128xf32>
    %slice3A_209 = vector.extract_strided_slice %get3A_1 {offsets = [0, 17920], sizes = [32, 128], strides = [1, 1]} : vector<32x65536xf32> to vector<32x128xf32>
    %slice3A_210 = vector.extract_strided_slice %get3A_1 {offsets = [0, 18048], sizes = [32, 128], strides = [1, 1]} : vector<32x65536xf32> to vector<32x128xf32>
    %slice3A_211 = vector.extract_strided_slice %get3A_1 {offsets = [0, 18176], sizes = [32, 128], strides = [1, 1]} : vector<32x65536xf32> to vector<32x128xf32>
    %slice3A_212 = vector.extract_strided_slice %get3A_1 {offsets = [0, 18304], sizes = [32, 128], strides = [1, 1]} : vector<32x65536xf32> to vector<32x128xf32>
    %concatenate3A_213 = tpu.concatenate %slice3A_209, %slice3A_210, %slice3A_211, %slice3A_212 in 0 : vector<32x128xf32>, vector<32x128xf32>, vector<32x128xf32>, vector<32x128xf32> -> vector<128x128xf32>
    %transpose3A_214 = tpu.transpose %concatenate3A_213, [1, 0] : vector<128x128xf32> -> vector<128x128xf32>
    %slice3A_215 = vector.extract_strided_slice %get3A_1 {offsets = [0, 18432], sizes = [32, 128], strides = [1, 1]} : vector<32x65536xf32> to vector<32x128xf32>
    %slice3A_216 = vector.extract_strided_slice %get3A_1 {offsets = [0, 18560], sizes = [32, 128], strides = [1, 1]} : vector<32x65536xf32> to vector<32x128xf32>
    %slice3A_217 = vector.extract_strided_slice %get3A_1 {offsets = [0, 18688], sizes = [32, 128], strides = [1, 1]} : vector<32x65536xf32> to vector<32x128xf32>
    %slice3A_218 = vector.extract_strided_slice %get3A_1 {offsets = [0, 18816], sizes = [32, 128], strides = [1, 1]} : vector<32x65536xf32> to vector<32x128xf32>
    %concatenate3A_219 = tpu.concatenate %slice3A_215, %slice3A_216, %slice3A_217, %slice3A_218 in 0 : vector<32x128xf32>, vector<32x128xf32>, vector<32x128xf32>, vector<32x128xf32> -> vector<128x128xf32>
    %transpose3A_220 = tpu.transpose %concatenate3A_219, [1, 0] : vector<128x128xf32> -> vector<128x128xf32>
    %slice3A_221 = vector.extract_strided_slice %get3A_1 {offsets = [0, 18944], sizes = [32, 128], strides = [1, 1]} : vector<32x65536xf32> to vector<32x128xf32>
    %slice3A_222 = vector.extract_strided_slice %get3A_1 {offsets = [0, 19072], sizes = [32, 128], strides = [1, 1]} : vector<32x65536xf32> to vector<32x128xf32>
    %slice3A_223 = vector.extract_strided_slice %get3A_1 {offsets = [0, 19200], sizes = [32, 128], strides = [1, 1]} : vector<32x65536xf32> to vector<32x128xf32>
    %slice3A_224 = vector.extract_strided_slice %get3A_1 {offsets = [0, 19328], sizes = [32, 128], strides = [1, 1]} : vector<32x65536xf32> to vector<32x128xf32>
    %concatenate3A_225 = tpu.concatenate %slice3A_221, %slice3A_222, %slice3A_223, %slice3A_224 in 0 : vector<32x128xf32>, vector<32x128xf32>, vector<32x128xf32>, vector<32x128xf32> -> vector<128x128xf32>
    %transpose3A_226 = tpu.transpose %concatenate3A_225, [1, 0] : vector<128x128xf32> -> vector<128x128xf32>
    %slice3A_227 = vector.extract_strided_slice %get3A_1 {offsets = [0, 19456], sizes = [32, 128], strides = [1, 1]} : vector<32x65536xf32> to vector<32x128xf32>
    %slice3A_228 = vector.extract_strided_slice %get3A_1 {offsets = [0, 19584], sizes = [32, 128], strides = [1, 1]} : vector<32x65536xf32> to vector<32x128xf32>
    %slice3A_229 = vector.extract_strided_slice %get3A_1 {offsets = [0, 19712], sizes = [32, 128], strides = [1, 1]} : vector<32x65536xf32> to vector<32x128xf32>
    %slice3A_230 = vector.extract_strided_slice %get3A_1 {offsets = [0, 19840], sizes = [32, 128], strides = [1, 1]} : vector<32x65536xf32> to vector<32x128xf32>
    %concatenate3A_231 = tpu.concatenate %slice3A_227, %slice3A_228, %slice3A_229, %slice3A_230 in 0 : vector<32x128xf32>, vector<32x128xf32>, vector<32x128xf32>, vector<32x128xf32> -> vector<128x128xf32>
    %transpose3A_232 = tpu.transpose %concatenate3A_231, [1, 0] : vector<128x128xf32> -> vector<128x128xf32>
    %slice3A_233 = vector.extract_strided_slice %get3A_1 {offsets = [0, 19968], sizes = [32, 128], strides = [1, 1]} : vector<32x65536xf32> to vector<32x128xf32>
    %slice3A_234 = vector.extract_strided_slice %get3A_1 {offsets = [0, 20096], sizes = [32, 128], strides = [1, 1]} : vector<32x65536xf32> to vector<32x128xf32>
    %slice3A_235 = vector.extract_strided_slice %get3A_1 {offsets = [0, 20224], sizes = [32, 128], strides = [1, 1]} : vector<32x65536xf32> to vector<32x128xf32>
    %slice3A_236 = vector.extract_strided_slice %get3A_1 {offsets = [0, 20352], sizes = [32, 128], strides = [1, 1]} : vector<32x65536xf32> to vector<32x128xf32>
    %concatenate3A_237 = tpu.concatenate %slice3A_233, %slice3A_234, %slice3A_235, %slice3A_236 in 0 : vector<32x128xf32>, vector<32x128xf32>, vector<32x128xf32>, vector<32x128xf32> -> vector<128x128xf32>
    %transpose3A_238 = tpu.transpose %concatenate3A_237, [1, 0] : vector<128x128xf32> -> vector<128x128xf32>
    %slice3A_239 = vector.extract_strided_slice %get3A_1 {offsets = [0, 20480], sizes = [32, 128], strides = [1, 1]} : vector<32x65536xf32> to vector<32x128xf32>
    %slice3A_240 = vector.extract_strided_slice %get3A_1 {offsets = [0, 20608], sizes = [32, 128], strides = [1, 1]} : vector<32x65536xf32> to vector<32x128xf32>
    %slice3A_241 = vector.extract_strided_slice %get3A_1 {offsets = [0, 20736], sizes = [32, 128], strides = [1, 1]} : vector<32x65536xf32> to vector<32x128xf32>
    %slice3A_242 = vector.extract_strided_slice %get3A_1 {offsets = [0, 20864], sizes = [32, 128], strides = [1, 1]} : vector<32x65536xf32> to vector<32x128xf32>
    %concatenate3A_243 = tpu.concatenate %slice3A_239, %slice3A_240, %slice3A_241, %slice3A_242 in 0 : vector<32x128xf32>, vector<32x128xf32>, vector<32x128xf32>, vector<32x128xf32> -> vector<128x128xf32>
    %transpose3A_244 = tpu.transpose %concatenate3A_243, [1, 0] : vector<128x128xf32> -> vector<128x128xf32>
    %slice3A_245 = vector.extract_strided_slice %get3A_1 {offsets = [0, 20992], sizes = [32, 128], strides = [1, 1]} : vector<32x65536xf32> to vector<32x128xf32>
    %slice3A_246 = vector.extract_strided_slice %get3A_1 {offsets = [0, 21120], sizes = [32, 128], strides = [1, 1]} : vector<32x65536xf32> to vector<32x128xf32>
    %slice3A_247 = vector.extract_strided_slice %get3A_1 {offsets = [0, 21248], sizes = [32, 128], strides = [1, 1]} : vector<32x65536xf32> to vector<32x128xf32>
    %slice3A_248 = vector.extract_strided_slice %get3A_1 {offsets = [0, 21376], sizes = [32, 128], strides = [1, 1]} : vector<32x65536xf32> to vector<32x128xf32>
    %concatenate3A_249 = tpu.concatenate %slice3A_245, %slice3A_246, %slice3A_247, %slice3A_248 in 0 : vector<32x128xf32>, vector<32x128xf32>, vector<32x128xf32>, vector<32x128xf32> -> vector<128x128xf32>
    %transpose3A_250 = tpu.transpose %concatenate3A_249, [1, 0] : vector<128x128xf32> -> vector<128x128xf32>
    %slice3A_251 = vector.extract_strided_slice %get3A_1 {offsets = [0, 21504], sizes = [32, 128], strides = [1, 1]} : vector<32x65536xf32> to vector<32x128xf32>
    %slice3A_252 = vector.extract_strided_slice %get3A_1 {offsets = [0, 21632], sizes = [32, 128], strides = [1, 1]} : vector<32x65536xf32> to vector<32x128xf32>
    %slice3A_253 = vector.extract_strided_slice %get3A_1 {offsets = [0, 21760], sizes = [32, 128], strides = [1, 1]} : vector<32x65536xf32> to vector<32x128xf32>
    %slice3A_254 = vector.extract_strided_slice %get3A_1 {offsets = [0, 21888], sizes = [32, 128], strides = [1, 1]} : vector<32x65536xf32> to vector<32x128xf32>
    %concatenate3A_255 = tpu.concatenate %slice3A_251, %slice3A_252, %slice3A_253, %slice3A_254 in 0 : vector<32x128xf32>, vector<32x128xf32>, vector<32x128xf32>, vector<32x128xf32> -> vector<128x128xf32>
    %transpose3A_256 = tpu.transpose %concatenate3A_255, [1, 0] : vector<128x128xf32> -> vector<128x128xf32>
    %slice3A_257 = vector.extract_strided_slice %get3A_1 {offsets = [0, 22016], sizes = [32, 128], strides = [1, 1]} : vector<32x65536xf32> to vector<32x128xf32>
    %slice3A_258 = vector.extract_strided_slice %get3A_1 {offsets = [0, 22144], sizes = [32, 128], strides = [1, 1]} : vector<32x65536xf32> to vector<32x128xf32>
    %slice3A_259 = vector.extract_strided_slice %get3A_1 {offsets = [0, 22272], sizes = [32, 128], strides = [1, 1]} : vector<32x65536xf32> to vector<32x128xf32>
    %slice3A_260 = vector.extract_strided_slice %get3A_1 {offsets = [0, 22400], sizes = [32, 128], strides = [1, 1]} : vector<32x65536xf32> to vector<32x128xf32>
    %concatenate3A_261 = tpu.concatenate %slice3A_257, %slice3A_258, %slice3A_259, %slice3A_260 in 0 : vector<32x128xf32>, vector<32x128xf32>, vector<32x128xf32>, vector<32x128xf32> -> vector<128x128xf32>
    %transpose3A_262 = tpu.transpose %concatenate3A_261, [1, 0] : vector<128x128xf32> -> vector<128x128xf32>
    %slice3A_263 = vector.extract_strided_slice %get3A_1 {offsets = [0, 22528], sizes = [32, 128], strides = [1, 1]} : vector<32x65536xf32> to vector<32x128xf32>
    %slice3A_264 = vector.extract_strided_slice %get3A_1 {offsets = [0, 22656], sizes = [32, 128], strides = [1, 1]} : vector<32x65536xf32> to vector<32x128xf32>
    %slice3A_265 = vector.extract_strided_slice %get3A_1 {offsets = [0, 22784], sizes = [32, 128], strides = [1, 1]} : vector<32x65536xf32> to vector<32x128xf32>
    %slice3A_266 = vector.extract_strided_slice %get3A_1 {offsets = [0, 22912], sizes = [32, 128], strides = [1, 1]} : vector<32x65536xf32> to vector<32x128xf32>
    %concatenate3A_267 = tpu.concatenate %slice3A_263, %slice3A_264, %slice3A_265, %slice3A_266 in 0 : vector<32x128xf32>, vector<32x128xf32>, vector<32x128xf32>, vector<32x128xf32> -> vector<128x128xf32>
    %transpose3A_268 = tpu.transpose %concatenate3A_267, [1, 0] : vector<128x128xf32> -> vector<128x128xf32>
    %slice3A_269 = vector.extract_strided_slice %get3A_1 {offsets = [0, 23040], sizes = [32, 128], strides = [1, 1]} : vector<32x65536xf32> to vector<32x128xf32>
    %slice3A_270 = vector.extract_strided_slice %get3A_1 {offsets = [0, 23168], sizes = [32, 128], strides = [1, 1]} : vector<32x65536xf32> to vector<32x128xf32>
    %slice3A_271 = vector.extract_strided_slice %get3A_1 {offsets = [0, 23296], sizes = [32, 128], strides = [1, 1]} : vector<32x65536xf32> to vector<32x128xf32>
    %slice3A_272 = vector.extract_strided_slice %get3A_1 {offsets = [0, 23424], sizes = [32, 128], strides = [1, 1]} : vector<32x65536xf32> to vector<32x128xf32>
    %concatenate3A_273 = tpu.concatenate %slice3A_269, %slice3A_270, %slice3A_271, %slice3A_272 in 0 : vector<32x128xf32>, vector<32x128xf32>, vector<32x128xf32>, vector<32x128xf32> -> vector<128x128xf32>
    %transpose3A_274 = tpu.transpose %concatenate3A_273, [1, 0] : vector<128x128xf32> -> vector<128x128xf32>
    %slice3A_275 = vector.extract_strided_slice %get3A_1 {offsets = [0, 23552], sizes = [32, 128], strides = [1, 1]} : vector<32x65536xf32> to vector<32x128xf32>
    %slice3A_276 = vector.extract_strided_slice %get3A_1 {offsets = [0, 23680], sizes = [32, 128], strides = [1, 1]} : vector<32x65536xf32> to vector<32x128xf32>
    %slice3A_277 = vector.extract_strided_slice %get3A_1 {offsets = [0, 23808], sizes = [32, 128], strides = [1, 1]} : vector<32x65536xf32> to vector<32x128xf32>
    %slice3A_278 = vector.extract_strided_slice %get3A_1 {offsets = [0, 23936], sizes = [32, 128], strides = [1, 1]} : vector<32x65536xf32> to vector<32x128xf32>
    %concatenate3A_279 = tpu.concatenate %slice3A_275, %slice3A_276, %slice3A_277, %slice3A_278 in 0 : vector<32x128xf32>, vector<32x128xf32>, vector<32x128xf32>, vector<32x128xf32> -> vector<128x128xf32>
    %transpose3A_280 = tpu.transpose %concatenate3A_279, [1, 0] : vector<128x128xf32> -> vector<128x128xf32>
    %slice3A_281 = vector.extract_strided_slice %get3A_1 {offsets = [0, 24064], sizes = [32, 128], strides = [1, 1]} : vector<32x65536xf32> to vector<32x128xf32>
    %slice3A_282 = vector.extract_strided_slice %get3A_1 {offsets = [0, 24192], sizes = [32, 128], strides = [1, 1]} : vector<32x65536xf32> to vector<32x128xf32>
    %slice3A_283 = vector.extract_strided_slice %get3A_1 {offsets = [0, 24320], sizes = [32, 128], strides = [1, 1]} : vector<32x65536xf32> to vector<32x128xf32>
    %slice3A_284 = vector.extract_strided_slice %get3A_1 {offsets = [0, 24448], sizes = [32, 128], strides = [1, 1]} : vector<32x65536xf32> to vector<32x128xf32>
    %concatenate3A_285 = tpu.concatenate %slice3A_281, %slice3A_282, %slice3A_283, %slice3A_284 in 0 : vector<32x128xf32>, vector<32x128xf32>, vector<32x128xf32>, vector<32x128xf32> -> vector<128x128xf32>
    %transpose3A_286 = tpu.transpose %concatenate3A_285, [1, 0] : vector<128x128xf32> -> vector<128x128xf32>
    %slice3A_287 = vector.extract_strided_slice %get3A_1 {offsets = [0, 24576], sizes = [32, 128], strides = [1, 1]} : vector<32x65536xf32> to vector<32x128xf32>
    %slice3A_288 = vector.extract_strided_slice %get3A_1 {offsets = [0, 24704], sizes = [32, 128], strides = [1, 1]} : vector<32x65536xf32> to vector<32x128xf32>
    %slice3A_289 = vector.extract_strided_slice %get3A_1 {offsets = [0, 24832], sizes = [32, 128], strides = [1, 1]} : vector<32x65536xf32> to vector<32x128xf32>
    %slice3A_290 = vector.extract_strided_slice %get3A_1 {offsets = [0, 24960], sizes = [32, 128], strides = [1, 1]} : vector<32x65536xf32> to vector<32x128xf32>
    %concatenate3A_291 = tpu.concatenate %slice3A_287, %slice3A_288, %slice3A_289, %slice3A_290 in 0 : vector<32x128xf32>, vector<32x128xf32>, vector<32x128xf32>, vector<32x128xf32> -> vector<128x128xf32>
    %transpose3A_292 = tpu.transpose %concatenate3A_291, [1, 0] : vector<128x128xf32> -> vector<128x128xf32>
    %slice3A_293 = vector.extract_strided_slice %get3A_1 {offsets = [0, 25088], sizes = [32, 128], strides = [1, 1]} : vector<32x65536xf32> to vector<32x128xf32>
    %slice3A_294 = vector.extract_strided_slice %get3A_1 {offsets = [0, 25216], sizes = [32, 128], strides = [1, 1]} : vector<32x65536xf32> to vector<32x128xf32>
    %slice3A_295 = vector.extract_strided_slice %get3A_1 {offsets = [0, 25344], sizes = [32, 128], strides = [1, 1]} : vector<32x65536xf32> to vector<32x128xf32>
    %slice3A_296 = vector.extract_strided_slice %get3A_1 {offsets = [0, 25472], sizes = [32, 128], strides = [1, 1]} : vector<32x65536xf32> to vector<32x128xf32>
    %concatenate3A_297 = tpu.concatenate %slice3A_293, %slice3A_294, %slice3A_295, %slice3A_296 in 0 : vector<32x128xf32>, vector<32x128xf32>, vector<32x128xf32>, vector<32x128xf32> -> vector<128x128xf32>
    %transpose3A_298 = tpu.transpose %concatenate3A_297, [1, 0] : vector<128x128xf32> -> vector<128x128xf32>
    %slice3A_299 = vector.extract_strided_slice %get3A_1 {offsets = [0, 25600], sizes = [32, 128], strides = [1, 1]} : vector<32x65536xf32> to vector<32x128xf32>
    %slice3A_300 = vector.extract_strided_slice %get3A_1 {offsets = [0, 25728], sizes = [32, 128], strides = [1, 1]} : vector<32x65536xf32> to vector<32x128xf32>
    %slice3A_301 = vector.extract_strided_slice %get3A_1 {offsets = [0, 25856], sizes = [32, 128], strides = [1, 1]} : vector<32x65536xf32> to vector<32x128xf32>
    %slice3A_302 = vector.extract_strided_slice %get3A_1 {offsets = [0, 25984], sizes = [32, 128], strides = [1, 1]} : vector<32x65536xf32> to vector<32x128xf32>
    %concatenate3A_303 = tpu.concatenate %slice3A_299, %slice3A_300, %slice3A_301, %slice3A_302 in 0 : vector<32x128xf32>, vector<32x128xf32>, vector<32x128xf32>, vector<32x128xf32> -> vector<128x128xf32>
    %transpose3A_304 = tpu.transpose %concatenate3A_303, [1, 0] : vector<128x128xf32> -> vector<128x128xf32>
    %slice3A_305 = vector.extract_strided_slice %get3A_1 {offsets = [0, 26112], sizes = [32, 128], strides = [1, 1]} : vector<32x65536xf32> to vector<32x128xf32>
    %slice3A_306 = vector.extract_strided_slice %get3A_1 {offsets = [0, 26240], sizes = [32, 128], strides = [1, 1]} : vector<32x65536xf32> to vector<32x128xf32>
    %slice3A_307 = vector.extract_strided_slice %get3A_1 {offsets = [0, 26368], sizes = [32, 128], strides = [1, 1]} : vector<32x65536xf32> to vector<32x128xf32>
    %slice3A_308 = vector.extract_strided_slice %get3A_1 {offsets = [0, 26496], sizes = [32, 128], strides = [1, 1]} : vector<32x65536xf32> to vector<32x128xf32>
    %concatenate3A_309 = tpu.concatenate %slice3A_305, %slice3A_306, %slice3A_307, %slice3A_308 in 0 : vector<32x128xf32>, vector<32x128xf32>, vector<32x128xf32>, vector<32x128xf32> -> vector<128x128xf32>
    %transpose3A_310 = tpu.transpose %concatenate3A_309, [1, 0] : vector<128x128xf32> -> vector<128x128xf32>
    %slice3A_311 = vector.extract_strided_slice %get3A_1 {offsets = [0, 26624], sizes = [32, 128], strides = [1, 1]} : vector<32x65536xf32> to vector<32x128xf32>
    %slice3A_312 = vector.extract_strided_slice %get3A_1 {offsets = [0, 26752], sizes = [32, 128], strides = [1, 1]} : vector<32x65536xf32> to vector<32x128xf32>
    %slice3A_313 = vector.extract_strided_slice %get3A_1 {offsets = [0, 26880], sizes = [32, 128], strides = [1, 1]} : vector<32x65536xf32> to vector<32x128xf32>
    %slice3A_314 = vector.extract_strided_slice %get3A_1 {offsets = [0, 27008], sizes = [32, 128], strides = [1, 1]} : vector<32x65536xf32> to vector<32x128xf32>
    %concatenate3A_315 = tpu.concatenate %slice3A_311, %slice3A_312, %slice3A_313, %slice3A_314 in 0 : vector<32x128xf32>, vector<32x128xf32>, vector<32x128xf32>, vector<32x128xf32> -> vector<128x128xf32>
    %transpose3A_316 = tpu.transpose %concatenate3A_315, [1, 0] : vector<128x128xf32> -> vector<128x128xf32>
    %slice3A_317 = vector.extract_strided_slice %get3A_1 {offsets = [0, 27136], sizes = [32, 128], strides = [1, 1]} : vector<32x65536xf32> to vector<32x128xf32>
    %slice3A_318 = vector.extract_strided_slice %get3A_1 {offsets = [0, 27264], sizes = [32, 128], strides = [1, 1]} : vector<32x65536xf32> to vector<32x128xf32>
    %slice3A_319 = vector.extract_strided_slice %get3A_1 {offsets = [0, 27392], sizes = [32, 128], strides = [1, 1]} : vector<32x65536xf32> to vector<32x128xf32>
    %slice3A_320 = vector.extract_strided_slice %get3A_1 {offsets = [0, 27520], sizes = [32, 128], strides = [1, 1]} : vector<32x65536xf32> to vector<32x128xf32>
    %concatenate3A_321 = tpu.concatenate %slice3A_317, %slice3A_318, %slice3A_319, %slice3A_320 in 0 : vector<32x128xf32>, vector<32x128xf32>, vector<32x128xf32>, vector<32x128xf32> -> vector<128x128xf32>
    %transpose3A_322 = tpu.transpose %concatenate3A_321, [1, 0] : vector<128x128xf32> -> vector<128x128xf32>
    %slice3A_323 = vector.extract_strided_slice %get3A_1 {offsets = [0, 27648], sizes = [32, 128], strides = [1, 1]} : vector<32x65536xf32> to vector<32x128xf32>
    %slice3A_324 = vector.extract_strided_slice %get3A_1 {offsets = [0, 27776], sizes = [32, 128], strides = [1, 1]} : vector<32x65536xf32> to vector<32x128xf32>
    %slice3A_325 = vector.extract_strided_slice %get3A_1 {offsets = [0, 27904], sizes = [32, 128], strides = [1, 1]} : vector<32x65536xf32> to vector<32x128xf32>
    %slice3A_326 = vector.extract_strided_slice %get3A_1 {offsets = [0, 28032], sizes = [32, 128], strides = [1, 1]} : vector<32x65536xf32> to vector<32x128xf32>
    %concatenate3A_327 = tpu.concatenate %slice3A_323, %slice3A_324, %slice3A_325, %slice3A_326 in 0 : vector<32x128xf32>, vector<32x128xf32>, vector<32x128xf32>, vector<32x128xf32> -> vector<128x128xf32>
    %transpose3A_328 = tpu.transpose %concatenate3A_327, [1, 0] : vector<128x128xf32> -> vector<128x128xf32>
    %slice3A_329 = vector.extract_strided_slice %get3A_1 {offsets = [0, 28160], sizes = [32, 128], strides = [1, 1]} : vector<32x65536xf32> to vector<32x128xf32>
    %slice3A_330 = vector.extract_strided_slice %get3A_1 {offsets = [0, 28288], sizes = [32, 128], strides = [1, 1]} : vector<32x65536xf32> to vector<32x128xf32>
    %slice3A_331 = vector.extract_strided_slice %get3A_1 {offsets = [0, 28416], sizes = [32, 128], strides = [1, 1]} : vector<32x65536xf32> to vector<32x128xf32>
    %slice3A_332 = vector.extract_strided_slice %get3A_1 {offsets = [0, 28544], sizes = [32, 128], strides = [1, 1]} : vector<32x65536xf32> to vector<32x128xf32>
    %concatenate3A_333 = tpu.concatenate %slice3A_329, %slice3A_330, %slice3A_331, %slice3A_332 in 0 : vector<32x128xf32>, vector<32x128xf32>, vector<32x128xf32>, vector<32x128xf32> -> vector<128x128xf32>
    %transpose3A_334 = tpu.transpose %concatenate3A_333, [1, 0] : vector<128x128xf32> -> vector<128x128xf32>
    %slice3A_335 = vector.extract_strided_slice %get3A_1 {offsets = [0, 28672], sizes = [32, 128], strides = [1, 1]} : vector<32x65536xf32> to vector<32x128xf32>
    %slice3A_336 = vector.extract_strided_slice %get3A_1 {offsets = [0, 28800], sizes = [32, 128], strides = [1, 1]} : vector<32x65536xf32> to vector<32x128xf32>
    %slice3A_337 = vector.extract_strided_slice %get3A_1 {offsets = [0, 28928], sizes = [32, 128], strides = [1, 1]} : vector<32x65536xf32> to vector<32x128xf32>
    %slice3A_338 = vector.extract_strided_slice %get3A_1 {offsets = [0, 29056], sizes = [32, 128], strides = [1, 1]} : vector<32x65536xf32> to vector<32x128xf32>
    %concatenate3A_339 = tpu.concatenate %slice3A_335, %slice3A_336, %slice3A_337, %slice3A_338 in 0 : vector<32x128xf32>, vector<32x128xf32>, vector<32x128xf32>, vector<32x128xf32> -> vector<128x128xf32>
    %transpose3A_340 = tpu.transpose %concatenate3A_339, [1, 0] : vector<128x128xf32> -> vector<128x128xf32>
    %slice3A_341 = vector.extract_strided_slice %get3A_1 {offsets = [0, 29184], sizes = [32, 128], strides = [1, 1]} : vector<32x65536xf32> to vector<32x128xf32>
    %slice3A_342 = vector.extract_strided_slice %get3A_1 {offsets = [0, 29312], sizes = [32, 128], strides = [1, 1]} : vector<32x65536xf32> to vector<32x128xf32>
    %slice3A_343 = vector.extract_strided_slice %get3A_1 {offsets = [0, 29440], sizes = [32, 128], strides = [1, 1]} : vector<32x65536xf32> to vector<32x128xf32>
    %slice3A_344 = vector.extract_strided_slice %get3A_1 {offsets = [0, 29568], sizes = [32, 128], strides = [1, 1]} : vector<32x65536xf32> to vector<32x128xf32>
    %concatenate3A_345 = tpu.concatenate %slice3A_341, %slice3A_342, %slice3A_343, %slice3A_344 in 0 : vector<32x128xf32>, vector<32x128xf32>, vector<32x128xf32>, vector<32x128xf32> -> vector<128x128xf32>
    %transpose3A_346 = tpu.transpose %concatenate3A_345, [1, 0] : vector<128x128xf32> -> vector<128x128xf32>
    %slice3A_347 = vector.extract_strided_slice %get3A_1 {offsets = [0, 29696], sizes = [32, 128], strides = [1, 1]} : vector<32x65536xf32> to vector<32x128xf32>
    %slice3A_348 = vector.extract_strided_slice %get3A_1 {offsets = [0, 29824], sizes = [32, 128], strides = [1, 1]} : vector<32x65536xf32> to vector<32x128xf32>
    %slice3A_349 = vector.extract_strided_slice %get3A_1 {offsets = [0, 29952], sizes = [32, 128], strides = [1, 1]} : vector<32x65536xf32> to vector<32x128xf32>
    %slice3A_350 = vector.extract_strided_slice %get3A_1 {offsets = [0, 30080], sizes = [32, 128], strides = [1, 1]} : vector<32x65536xf32> to vector<32x128xf32>
    %concatenate3A_351 = tpu.concatenate %slice3A_347, %slice3A_348, %slice3A_349, %slice3A_350 in 0 : vector<32x128xf32>, vector<32x128xf32>, vector<32x128xf32>, vector<32x128xf32> -> vector<128x128xf32>
    %transpose3A_352 = tpu.transpose %concatenate3A_351, [1, 0] : vector<128x128xf32> -> vector<128x128xf32>
    %slice3A_353 = vector.extract_strided_slice %get3A_1 {offsets = [0, 30208], sizes = [32, 128], strides = [1, 1]} : vector<32x65536xf32> to vector<32x128xf32>
    %slice3A_354 = vector.extract_strided_slice %get3A_1 {offsets = [0, 30336], sizes = [32, 128], strides = [1, 1]} : vector<32x65536xf32> to vector<32x128xf32>
    %slice3A_355 = vector.extract_strided_slice %get3A_1 {offsets = [0, 30464], sizes = [32, 128], strides = [1, 1]} : vector<32x65536xf32> to vector<32x128xf32>
    %slice3A_356 = vector.extract_strided_slice %get3A_1 {offsets = [0, 30592], sizes = [32, 128], strides = [1, 1]} : vector<32x65536xf32> to vector<32x128xf32>
    %concatenate3A_357 = tpu.concatenate %slice3A_353, %slice3A_354, %slice3A_355, %slice3A_356 in 0 : vector<32x128xf32>, vector<32x128xf32>, vector<32x128xf32>, vector<32x128xf32> -> vector<128x128xf32>
    %transpose3A_358 = tpu.transpose %concatenate3A_357, [1, 0] : vector<128x128xf32> -> vector<128x128xf32>
    %slice3A_359 = vector.extract_strided_slice %get3A_1 {offsets = [0, 30720], sizes = [32, 128], strides = [1, 1]} : vector<32x65536xf32> to vector<32x128xf32>
    %slice3A_360 = vector.extract_strided_slice %get3A_1 {offsets = [0, 30848], sizes = [32, 128], strides = [1, 1]} : vector<32x65536xf32> to vector<32x128xf32>
    %slice3A_361 = vector.extract_strided_slice %get3A_1 {offsets = [0, 30976], sizes = [32, 128], strides = [1, 1]} : vector<32x65536xf32> to vector<32x128xf32>
    %slice3A_362 = vector.extract_strided_slice %get3A_1 {offsets = [0, 31104], sizes = [32, 128], strides = [1, 1]} : vector<32x65536xf32> to vector<32x128xf32>
    %concatenate3A_363 = tpu.concatenate %slice3A_359, %slice3A_360, %slice3A_361, %slice3A_362 in 0 : vector<32x128xf32>, vector<32x128xf32>, vector<32x128xf32>, vector<32x128xf32> -> vector<128x128xf32>
    %transpose3A_364 = tpu.transpose %concatenate3A_363, [1, 0] : vector<128x128xf32> -> vector<128x128xf32>
    %slice3A_365 = vector.extract_strided_slice %get3A_1 {offsets = [0, 31232], sizes = [32, 128], strides = [1, 1]} : vector<32x65536xf32> to vector<32x128xf32>
    %slice3A_366 = vector.extract_strided_slice %get3A_1 {offsets = [0, 31360], sizes = [32, 128], strides = [1, 1]} : vector<32x65536xf32> to vector<32x128xf32>
    %slice3A_367 = vector.extract_strided_slice %get3A_1 {offsets = [0, 31488], sizes = [32, 128], strides = [1, 1]} : vector<32x65536xf32> to vector<32x128xf32>
    %slice3A_368 = vector.extract_strided_slice %get3A_1 {offsets = [0, 31616], sizes = [32, 128], strides = [1, 1]} : vector<32x65536xf32> to vector<32x128xf32>
    %concatenate3A_369 = tpu.concatenate %slice3A_365, %slice3A_366, %slice3A_367, %slice3A_368 in 0 : vector<32x128xf32>, vector<32x128xf32>, vector<32x128xf32>, vector<32x128xf32> -> vector<128x128xf32>
    %transpose3A_370 = tpu.transpose %concatenate3A_369, [1, 0] : vector<128x128xf32> -> vector<128x128xf32>
    %slice3A_371 = vector.extract_strided_slice %get3A_1 {offsets = [0, 31744], sizes = [32, 128], strides = [1, 1]} : vector<32x65536xf32> to vector<32x128xf32>
    %slice3A_372 = vector.extract_strided_slice %get3A_1 {offsets = [0, 31872], sizes = [32, 128], strides = [1, 1]} : vector<32x65536xf32> to vector<32x128xf32>
    %slice3A_373 = vector.extract_strided_slice %get3A_1 {offsets = [0, 32000], sizes = [32, 128], strides = [1, 1]} : vector<32x65536xf32> to vector<32x128xf32>
    %slice3A_374 = vector.extract_strided_slice %get3A_1 {offsets = [0, 32128], sizes = [32, 128], strides = [1, 1]} : vector<32x65536xf32> to vector<32x128xf32>
    %concatenate3A_375 = tpu.concatenate %slice3A_371, %slice3A_372, %slice3A_373, %slice3A_374 in 0 : vector<32x128xf32>, vector<32x128xf32>, vector<32x128xf32>, vector<32x128xf32> -> vector<128x128xf32>
    %transpose3A_376 = tpu.transpose %concatenate3A_375, [1, 0] : vector<128x128xf32> -> vector<128x128xf32>
    %slice3A_377 = vector.extract_strided_slice %get3A_1 {offsets = [0, 32256], sizes = [32, 128], strides = [1, 1]} : vector<32x65536xf32> to vector<32x128xf32>
    %slice3A_378 = vector.extract_strided_slice %get3A_1 {offsets = [0, 32384], sizes = [32, 128], strides = [1, 1]} : vector<32x65536xf32> to vector<32x128xf32>
    %slice3A_379 = vector.extract_strided_slice %get3A_1 {offsets = [0, 32512], sizes = [32, 128], strides = [1, 1]} : vector<32x65536xf32> to vector<32x128xf32>
    %slice3A_380 = vector.extract_strided_slice %get3A_1 {offsets = [0, 32640], sizes = [32, 128], strides = [1, 1]} : vector<32x65536xf32> to vector<32x128xf32>
    %concatenate3A_381 = tpu.concatenate %slice3A_377, %slice3A_378, %slice3A_379, %slice3A_380 in 0 : vector<32x128xf32>, vector<32x128xf32>, vector<32x128xf32>, vector<32x128xf32> -> vector<128x128xf32>
    %transpose3A_382 = tpu.transpose %concatenate3A_381, [1, 0] : vector<128x128xf32> -> vector<128x128xf32>
    %slice3A_383 = vector.extract_strided_slice %get3A_1 {offsets = [0, 32768], sizes = [32, 128], strides = [1, 1]} : vector<32x65536xf32> to vector<32x128xf32>
    %slice3A_384 = vector.extract_strided_slice %get3A_1 {offsets = [0, 32896], sizes = [32, 128], strides = [1, 1]} : vector<32x65536xf32> to vector<32x128xf32>
    %slice3A_385 = vector.extract_strided_slice %get3A_1 {offsets = [0, 33024], sizes = [32, 128], strides = [1, 1]} : vector<32x65536xf32> to vector<32x128xf32>
    %slice3A_386 = vector.extract_strided_slice %get3A_1 {offsets = [0, 33152], sizes = [32, 128], strides = [1, 1]} : vector<32x65536xf32> to vector<32x128xf32>
    %concatenate3A_387 = tpu.concatenate %slice3A_383, %slice3A_384, %slice3A_385, %slice3A_386 in 0 : vector<32x128xf32>, vector<32x128xf32>, vector<32x128xf32>, vector<32x128xf32> -> vector<128x128xf32>
    %transpose3A_388 = tpu.transpose %concatenate3A_387, [1, 0] : vector<128x128xf32> -> vector<128x128xf32>
    %slice3A_389 = vector.extract_strided_slice %get3A_1 {offsets = [0, 33280], sizes = [32, 128], strides = [1, 1]} : vector<32x65536xf32> to vector<32x128xf32>
    %slice3A_390 = vector.extract_strided_slice %get3A_1 {offsets = [0, 33408], sizes = [32, 128], strides = [1, 1]} : vector<32x65536xf32> to vector<32x128xf32>
    %slice3A_391 = vector.extract_strided_slice %get3A_1 {offsets = [0, 33536], sizes = [32, 128], strides = [1, 1]} : vector<32x65536xf32> to vector<32x128xf32>
    %slice3A_392 = vector.extract_strided_slice %get3A_1 {offsets = [0, 33664], sizes = [32, 128], strides = [1, 1]} : vector<32x65536xf32> to vector<32x128xf32>
    %concatenate3A_393 = tpu.concatenate %slice3A_389, %slice3A_390, %slice3A_391, %slice3A_392 in 0 : vector<32x128xf32>, vector<32x128xf32>, vector<32x128xf32>, vector<32x128xf32> -> vector<128x128xf32>
    %transpose3A_394 = tpu.transpose %concatenate3A_393, [1, 0] : vector<128x128xf32> -> vector<128x128xf32>
    %slice3A_395 = vector.extract_strided_slice %get3A_1 {offsets = [0, 33792], sizes = [32, 128], strides = [1, 1]} : vector<32x65536xf32> to vector<32x128xf32>
    %slice3A_396 = vector.extract_strided_slice %get3A_1 {offsets = [0, 33920], sizes = [32, 128], strides = [1, 1]} : vector<32x65536xf32> to vector<32x128xf32>
    %slice3A_397 = vector.extract_strided_slice %get3A_1 {offsets = [0, 34048], sizes = [32, 128], strides = [1, 1]} : vector<32x65536xf32> to vector<32x128xf32>
    %slice3A_398 = vector.extract_strided_slice %get3A_1 {offsets = [0, 34176], sizes = [32, 128], strides = [1, 1]} : vector<32x65536xf32> to vector<32x128xf32>
    %concatenate3A_399 = tpu.concatenate %slice3A_395, %slice3A_396, %slice3A_397, %slice3A_398 in 0 : vector<32x128xf32>, vector<32x128xf32>, vector<32x128xf32>, vector<32x128xf32> -> vector<128x128xf32>
    %transpose3A_400 = tpu.transpose %concatenate3A_399, [1, 0] : vector<128x128xf32> -> vector<128x128xf32>
    %slice3A_401 = vector.extract_strided_slice %get3A_1 {offsets = [0, 34304], sizes = [32, 128], strides = [1, 1]} : vector<32x65536xf32> to vector<32x128xf32>
    %slice3A_402 = vector.extract_strided_slice %get3A_1 {offsets = [0, 34432], sizes = [32, 128], strides = [1, 1]} : vector<32x65536xf32> to vector<32x128xf32>
    %slice3A_403 = vector.extract_strided_slice %get3A_1 {offsets = [0, 34560], sizes = [32, 128], strides = [1, 1]} : vector<32x65536xf32> to vector<32x128xf32>
    %slice3A_404 = vector.extract_strided_slice %get3A_1 {offsets = [0, 34688], sizes = [32, 128], strides = [1, 1]} : vector<32x65536xf32> to vector<32x128xf32>
    %concatenate3A_405 = tpu.concatenate %slice3A_401, %slice3A_402, %slice3A_403, %slice3A_404 in 0 : vector<32x128xf32>, vector<32x128xf32>, vector<32x128xf32>, vector<32x128xf32> -> vector<128x128xf32>
    %transpose3A_406 = tpu.transpose %concatenate3A_405, [1, 0] : vector<128x128xf32> -> vector<128x128xf32>
    %slice3A_407 = vector.extract_strided_slice %get3A_1 {offsets = [0, 34816], sizes = [32, 128], strides = [1, 1]} : vector<32x65536xf32> to vector<32x128xf32>
    %slice3A_408 = vector.extract_strided_slice %get3A_1 {offsets = [0, 34944], sizes = [32, 128], strides = [1, 1]} : vector<32x65536xf32> to vector<32x128xf32>
    %slice3A_409 = vector.extract_strided_slice %get3A_1 {offsets = [0, 35072], sizes = [32, 128], strides = [1, 1]} : vector<32x65536xf32> to vector<32x128xf32>
    %slice3A_410 = vector.extract_strided_slice %get3A_1 {offsets = [0, 35200], sizes = [32, 128], strides = [1, 1]} : vector<32x65536xf32> to vector<32x128xf32>
    %concatenate3A_411 = tpu.concatenate %slice3A_407, %slice3A_408, %slice3A_409, %slice3A_410 in 0 : vector<32x128xf32>, vector<32x128xf32>, vector<32x128xf32>, vector<32x128xf32> -> vector<128x128xf32>
    %transpose3A_412 = tpu.transpose %concatenate3A_411, [1, 0] : vector<128x128xf32> -> vector<128x128xf32>
    %slice3A_413 = vector.extract_strided_slice %get3A_1 {offsets = [0, 35328], sizes = [32, 128], strides = [1, 1]} : vector<32x65536xf32> to vector<32x128xf32>
    %slice3A_414 = vector.extract_strided_slice %get3A_1 {offsets = [0, 35456], sizes = [32, 128], strides = [1, 1]} : vector<32x65536xf32> to vector<32x128xf32>
    %slice3A_415 = vector.extract_strided_slice %get3A_1 {offsets = [0, 35584], sizes = [32, 128], strides = [1, 1]} : vector<32x65536xf32> to vector<32x128xf32>
    %slice3A_416 = vector.extract_strided_slice %get3A_1 {offsets = [0, 35712], sizes = [32, 128], strides = [1, 1]} : vector<32x65536xf32> to vector<32x128xf32>
    %concatenate3A_417 = tpu.concatenate %slice3A_413, %slice3A_414, %slice3A_415, %slice3A_416 in 0 : vector<32x128xf32>, vector<32x128xf32>, vector<32x128xf32>, vector<32x128xf32> -> vector<128x128xf32>
    %transpose3A_418 = tpu.transpose %concatenate3A_417, [1, 0] : vector<128x128xf32> -> vector<128x128xf32>
    %slice3A_419 = vector.extract_strided_slice %get3A_1 {offsets = [0, 35840], sizes = [32, 128], strides = [1, 1]} : vector<32x65536xf32> to vector<32x128xf32>
    %slice3A_420 = vector.extract_strided_slice %get3A_1 {offsets = [0, 35968], sizes = [32, 128], strides = [1, 1]} : vector<32x65536xf32> to vector<32x128xf32>
    %slice3A_421 = vector.extract_strided_slice %get3A_1 {offsets = [0, 36096], sizes = [32, 128], strides = [1, 1]} : vector<32x65536xf32> to vector<32x128xf32>
    %slice3A_422 = vector.extract_strided_slice %get3A_1 {offsets = [0, 36224], sizes = [32, 128], strides = [1, 1]} : vector<32x65536xf32> to vector<32x128xf32>
    %concatenate3A_423 = tpu.concatenate %slice3A_419, %slice3A_420, %slice3A_421, %slice3A_422 in 0 : vector<32x128xf32>, vector<32x128xf32>, vector<32x128xf32>, vector<32x128xf32> -> vector<128x128xf32>
    %transpose3A_424 = tpu.transpose %concatenate3A_423, [1, 0] : vector<128x128xf32> -> vector<128x128xf32>
    %slice3A_425 = vector.extract_strided_slice %get3A_1 {offsets = [0, 36352], sizes = [32, 128], strides = [1, 1]} : vector<32x65536xf32> to vector<32x128xf32>
    %slice3A_426 = vector.extract_strided_slice %get3A_1 {offsets = [0, 36480], sizes = [32, 128], strides = [1, 1]} : vector<32x65536xf32> to vector<32x128xf32>
    %slice3A_427 = vector.extract_strided_slice %get3A_1 {offsets = [0, 36608], sizes = [32, 128], strides = [1, 1]} : vector<32x65536xf32> to vector<32x128xf32>
    %slice3A_428 = vector.extract_strided_slice %get3A_1 {offsets = [0, 36736], sizes = [32, 128], strides = [1, 1]} : vector<32x65536xf32> to vector<32x128xf32>
    %concatenate3A_429 = tpu.concatenate %slice3A_425, %slice3A_426, %slice3A_427, %slice3A_428 in 0 : vector<32x128xf32>, vector<32x128xf32>, vector<32x128xf32>, vector<32x128xf32> -> vector<128x128xf32>
    %transpose3A_430 = tpu.transpose %concatenate3A_429, [1, 0] : vector<128x128xf32> -> vector<128x128xf32>
    %slice3A_431 = vector.extract_strided_slice %get3A_1 {offsets = [0, 36864], sizes = [32, 128], strides = [1, 1]} : vector<32x65536xf32> to vector<32x128xf32>
    %slice3A_432 = vector.extract_strided_slice %get3A_1 {offsets = [0, 36992], sizes = [32, 128], strides = [1, 1]} : vector<32x65536xf32> to vector<32x128xf32>
    %slice3A_433 = vector.extract_strided_slice %get3A_1 {offsets = [0, 37120], sizes = [32, 128], strides = [1, 1]} : vector<32x65536xf32> to vector<32x128xf32>
    %slice3A_434 = vector.extract_strided_slice %get3A_1 {offsets = [0, 37248], sizes = [32, 128], strides = [1, 1]} : vector<32x65536xf32> to vector<32x128xf32>
    %concatenate3A_435 = tpu.concatenate %slice3A_431, %slice3A_432, %slice3A_433, %slice3A_434 in 0 : vector<32x128xf32>, vector<32x128xf32>, vector<32x128xf32>, vector<32x128xf32> -> vector<128x128xf32>
    %transpose3A_436 = tpu.transpose %concatenate3A_435, [1, 0] : vector<128x128xf32> -> vector<128x128xf32>
    %slice3A_437 = vector.extract_strided_slice %get3A_1 {offsets = [0, 37376], sizes = [32, 128], strides = [1, 1]} : vector<32x65536xf32> to vector<32x128xf32>
    %slice3A_438 = vector.extract_strided_slice %get3A_1 {offsets = [0, 37504], sizes = [32, 128], strides = [1, 1]} : vector<32x65536xf32> to vector<32x128xf32>
    %slice3A_439 = vector.extract_strided_slice %get3A_1 {offsets = [0, 37632], sizes = [32, 128], strides = [1, 1]} : vector<32x65536xf32> to vector<32x128xf32>
    %slice3A_440 = vector.extract_strided_slice %get3A_1 {offsets = [0, 37760], sizes = [32, 128], strides = [1, 1]} : vector<32x65536xf32> to vector<32x128xf32>
    %concatenate3A_441 = tpu.concatenate %slice3A_437, %slice3A_438, %slice3A_439, %slice3A_440 in 0 : vector<32x128xf32>, vector<32x128xf32>, vector<32x128xf32>, vector<32x128xf32> -> vector<128x128xf32>
    %transpose3A_442 = tpu.transpose %concatenate3A_441, [1, 0] : vector<128x128xf32> -> vector<128x128xf32>
    %slice3A_443 = vector.extract_strided_slice %get3A_1 {offsets = [0, 37888], sizes = [32, 128], strides = [1, 1]} : vector<32x65536xf32> to vector<32x128xf32>
    %slice3A_444 = vector.extract_strided_slice %get3A_1 {offsets = [0, 38016], sizes = [32, 128], strides = [1, 1]} : vector<32x65536xf32> to vector<32x128xf32>
    %slice3A_445 = vector.extract_strided_slice %get3A_1 {offsets = [0, 38144], sizes = [32, 128], strides = [1, 1]} : vector<32x65536xf32> to vector<32x128xf32>
    %slice3A_446 = vector.extract_strided_slice %get3A_1 {offsets = [0, 38272], sizes = [32, 128], strides = [1, 1]} : vector<32x65536xf32> to vector<32x128xf32>
    %concatenate3A_447 = tpu.concatenate %slice3A_443, %slice3A_444, %slice3A_445, %slice3A_446 in 0 : vector<32x128xf32>, vector<32x128xf32>, vector<32x128xf32>, vector<32x128xf32> -> vector<128x128xf32>
    %transpose3A_448 = tpu.transpose %concatenate3A_447, [1, 0] : vector<128x128xf32> -> vector<128x128xf32>
    %slice3A_449 = vector.extract_strided_slice %get3A_1 {offsets = [0, 38400], sizes = [32, 128], strides = [1, 1]} : vector<32x65536xf32> to vector<32x128xf32>
    %slice3A_450 = vector.extract_strided_slice %get3A_1 {offsets = [0, 38528], sizes = [32, 128], strides = [1, 1]} : vector<32x65536xf32> to vector<32x128xf32>
    %slice3A_451 = vector.extract_strided_slice %get3A_1 {offsets = [0, 38656], sizes = [32, 128], strides = [1, 1]} : vector<32x65536xf32> to vector<32x128xf32>
    %slice3A_452 = vector.extract_strided_slice %get3A_1 {offsets = [0, 38784], sizes = [32, 128], strides = [1, 1]} : vector<32x65536xf32> to vector<32x128xf32>
    %concatenate3A_453 = tpu.concatenate %slice3A_449, %slice3A_450, %slice3A_451, %slice3A_452 in 0 : vector<32x128xf32>, vector<32x128xf32>, vector<32x128xf32>, vector<32x128xf32> -> vector<128x128xf32>
    %transpose3A_454 = tpu.transpose %concatenate3A_453, [1, 0] : vector<128x128xf32> -> vector<128x128xf32>
    %slice3A_455 = vector.extract_strided_slice %get3A_1 {offsets = [0, 38912], sizes = [32, 128], strides = [1, 1]} : vector<32x65536xf32> to vector<32x128xf32>
    %slice3A_456 = vector.extract_strided_slice %get3A_1 {offsets = [0, 39040], sizes = [32, 128], strides = [1, 1]} : vector<32x65536xf32> to vector<32x128xf32>
    %slice3A_457 = vector.extract_strided_slice %get3A_1 {offsets = [0, 39168], sizes = [32, 128], strides = [1, 1]} : vector<32x65536xf32> to vector<32x128xf32>
    %slice3A_458 = vector.extract_strided_slice %get3A_1 {offsets = [0, 39296], sizes = [32, 128], strides = [1, 1]} : vector<32x65536xf32> to vector<32x128xf32>
    %concatenate3A_459 = tpu.concatenate %slice3A_455, %slice3A_456, %slice3A_457, %slice3A_458 in 0 : vector<32x128xf32>, vector<32x128xf32>, vector<32x128xf32>, vector<32x128xf32> -> vector<128x128xf32>
    %transpose3A_460 = tpu.transpose %concatenate3A_459, [1, 0] : vector<128x128xf32> -> vector<128x128xf32>
    %slice3A_461 = vector.extract_strided_slice %get3A_1 {offsets = [0, 39424], sizes = [32, 128], strides = [1, 1]} : vector<32x65536xf32> to vector<32x128xf32>
    %slice3A_462 = vector.extract_strided_slice %get3A_1 {offsets = [0, 39552], sizes = [32, 128], strides = [1, 1]} : vector<32x65536xf32> to vector<32x128xf32>
    %slice3A_463 = vector.extract_strided_slice %get3A_1 {offsets = [0, 39680], sizes = [32, 128], strides = [1, 1]} : vector<32x65536xf32> to vector<32x128xf32>
    %slice3A_464 = vector.extract_strided_slice %get3A_1 {offsets = [0, 39808], sizes = [32, 128], strides = [1, 1]} : vector<32x65536xf32> to vector<32x128xf32>
    %concatenate3A_465 = tpu.concatenate %slice3A_461, %slice3A_462, %slice3A_463, %slice3A_464 in 0 : vector<32x128xf32>, vector<32x128xf32>, vector<32x128xf32>, vector<32x128xf32> -> vector<128x128xf32>
    %transpose3A_466 = tpu.transpose %concatenate3A_465, [1, 0] : vector<128x128xf32> -> vector<128x128xf32>
    %slice3A_467 = vector.extract_strided_slice %get3A_1 {offsets = [0, 39936], sizes = [32, 128], strides = [1, 1]} : vector<32x65536xf32> to vector<32x128xf32>
    %slice3A_468 = vector.extract_strided_slice %get3A_1 {offsets = [0, 40064], sizes = [32, 128], strides = [1, 1]} : vector<32x65536xf32> to vector<32x128xf32>
    %slice3A_469 = vector.extract_strided_slice %get3A_1 {offsets = [0, 40192], sizes = [32, 128], strides = [1, 1]} : vector<32x65536xf32> to vector<32x128xf32>
    %slice3A_470 = vector.extract_strided_slice %get3A_1 {offsets = [0, 40320], sizes = [32, 128], strides = [1, 1]} : vector<32x65536xf32> to vector<32x128xf32>
    %concatenate3A_471 = tpu.concatenate %slice3A_467, %slice3A_468, %slice3A_469, %slice3A_470 in 0 : vector<32x128xf32>, vector<32x128xf32>, vector<32x128xf32>, vector<32x128xf32> -> vector<128x128xf32>
    %transpose3A_472 = tpu.transpose %concatenate3A_471, [1, 0] : vector<128x128xf32> -> vector<128x128xf32>
    %slice3A_473 = vector.extract_strided_slice %get3A_1 {offsets = [0, 40448], sizes = [32, 128], strides = [1, 1]} : vector<32x65536xf32> to vector<32x128xf32>
    %slice3A_474 = vector.extract_strided_slice %get3A_1 {offsets = [0, 40576], sizes = [32, 128], strides = [1, 1]} : vector<32x65536xf32> to vector<32x128xf32>
    %slice3A_475 = vector.extract_strided_slice %get3A_1 {offsets = [0, 40704], sizes = [32, 128], strides = [1, 1]} : vector<32x65536xf32> to vector<32x128xf32>
    %slice3A_476 = vector.extract_strided_slice %get3A_1 {offsets = [0, 40832], sizes = [32, 128], strides = [1, 1]} : vector<32x65536xf32> to vector<32x128xf32>
    %concatenate3A_477 = tpu.concatenate %slice3A_473, %slice3A_474, %slice3A_475, %slice3A_476 in 0 : vector<32x128xf32>, vector<32x128xf32>, vector<32x128xf32>, vector<32x128xf32> -> vector<128x128xf32>
    %transpose3A_478 = tpu.transpose %concatenate3A_477, [1, 0] : vector<128x128xf32> -> vector<128x128xf32>
    %slice3A_479 = vector.extract_strided_slice %get3A_1 {offsets = [0, 40960], sizes = [32, 128], strides = [1, 1]} : vector<32x65536xf32> to vector<32x128xf32>
    %slice3A_480 = vector.extract_strided_slice %get3A_1 {offsets = [0, 41088], sizes = [32, 128], strides = [1, 1]} : vector<32x65536xf32> to vector<32x128xf32>
    %slice3A_481 = vector.extract_strided_slice %get3A_1 {offsets = [0, 41216], sizes = [32, 128], strides = [1, 1]} : vector<32x65536xf32> to vector<32x128xf32>
    %slice3A_482 = vector.extract_strided_slice %get3A_1 {offsets = [0, 41344], sizes = [32, 128], strides = [1, 1]} : vector<32x65536xf32> to vector<32x128xf32>
    %concatenate3A_483 = tpu.concatenate %slice3A_479, %slice3A_480, %slice3A_481, %slice3A_482 in 0 : vector<32x128xf32>, vector<32x128xf32>, vector<32x128xf32>, vector<32x128xf32> -> vector<128x128xf32>
    %transpose3A_484 = tpu.transpose %concatenate3A_483, [1, 0] : vector<128x128xf32> -> vector<128x128xf32>
    %slice3A_485 = vector.extract_strided_slice %get3A_1 {offsets = [0, 41472], sizes = [32, 128], strides = [1, 1]} : vector<32x65536xf32> to vector<32x128xf32>
    %slice3A_486 = vector.extract_strided_slice %get3A_1 {offsets = [0, 41600], sizes = [32, 128], strides = [1, 1]} : vector<32x65536xf32> to vector<32x128xf32>
    %slice3A_487 = vector.extract_strided_slice %get3A_1 {offsets = [0, 41728], sizes = [32, 128], strides = [1, 1]} : vector<32x65536xf32> to vector<32x128xf32>
    %slice3A_488 = vector.extract_strided_slice %get3A_1 {offsets = [0, 41856], sizes = [32, 128], strides = [1, 1]} : vector<32x65536xf32> to vector<32x128xf32>
    %concatenate3A_489 = tpu.concatenate %slice3A_485, %slice3A_486, %slice3A_487, %slice3A_488 in 0 : vector<32x128xf32>, vector<32x128xf32>, vector<32x128xf32>, vector<32x128xf32> -> vector<128x128xf32>
    %transpose3A_490 = tpu.transpose %concatenate3A_489, [1, 0] : vector<128x128xf32> -> vector<128x128xf32>
    %slice3A_491 = vector.extract_strided_slice %get3A_1 {offsets = [0, 41984], sizes = [32, 128], strides = [1, 1]} : vector<32x65536xf32> to vector<32x128xf32>
    %slice3A_492 = vector.extract_strided_slice %get3A_1 {offsets = [0, 42112], sizes = [32, 128], strides = [1, 1]} : vector<32x65536xf32> to vector<32x128xf32>
    %slice3A_493 = vector.extract_strided_slice %get3A_1 {offsets = [0, 42240], sizes = [32, 128], strides = [1, 1]} : vector<32x65536xf32> to vector<32x128xf32>
    %slice3A_494 = vector.extract_strided_slice %get3A_1 {offsets = [0, 42368], sizes = [32, 128], strides = [1, 1]} : vector<32x65536xf32> to vector<32x128xf32>
    %concatenate3A_495 = tpu.concatenate %slice3A_491, %slice3A_492, %slice3A_493, %slice3A_494 in 0 : vector<32x128xf32>, vector<32x128xf32>, vector<32x128xf32>, vector<32x128xf32> -> vector<128x128xf32>
    %transpose3A_496 = tpu.transpose %concatenate3A_495, [1, 0] : vector<128x128xf32> -> vector<128x128xf32>
    %slice3A_497 = vector.extract_strided_slice %get3A_1 {offsets = [0, 42496], sizes = [32, 128], strides = [1, 1]} : vector<32x65536xf32> to vector<32x128xf32>
    %slice3A_498 = vector.extract_strided_slice %get3A_1 {offsets = [0, 42624], sizes = [32, 128], strides = [1, 1]} : vector<32x65536xf32> to vector<32x128xf32>
    %slice3A_499 = vector.extract_strided_slice %get3A_1 {offsets = [0, 42752], sizes = [32, 128], strides = [1, 1]} : vector<32x65536xf32> to vector<32x128xf32>
    %slice3A_500 = vector.extract_strided_slice %get3A_1 {offsets = [0, 42880], sizes = [32, 128], strides = [1, 1]} : vector<32x65536xf32> to vector<32x128xf32>
    %concatenate3A_501 = tpu.concatenate %slice3A_497, %slice3A_498, %slice3A_499, %slice3A_500 in 0 : vector<32x128xf32>, vector<32x128xf32>, vector<32x128xf32>, vector<32x128xf32> -> vector<128x128xf32>
    %transpose3A_502 = tpu.transpose %concatenate3A_501, [1, 0] : vector<128x128xf32> -> vector<128x128xf32>
    %slice3A_503 = vector.extract_strided_slice %get3A_1 {offsets = [0, 43008], sizes = [32, 128], strides = [1, 1]} : vector<32x65536xf32> to vector<32x128xf32>
    %slice3A_504 = vector.extract_strided_slice %get3A_1 {offsets = [0, 43136], sizes = [32, 128], strides = [1, 1]} : vector<32x65536xf32> to vector<32x128xf32>
    %slice3A_505 = vector.extract_strided_slice %get3A_1 {offsets = [0, 43264], sizes = [32, 128], strides = [1, 1]} : vector<32x65536xf32> to vector<32x128xf32>
    %slice3A_506 = vector.extract_strided_slice %get3A_1 {offsets = [0, 43392], sizes = [32, 128], strides = [1, 1]} : vector<32x65536xf32> to vector<32x128xf32>
    %concatenate3A_507 = tpu.concatenate %slice3A_503, %slice3A_504, %slice3A_505, %slice3A_506 in 0 : vector<32x128xf32>, vector<32x128xf32>, vector<32x128xf32>, vector<32x128xf32> -> vector<128x128xf32>
    %transpose3A_508 = tpu.transpose %concatenate3A_507, [1, 0] : vector<128x128xf32> -> vector<128x128xf32>
    %slice3A_509 = vector.extract_strided_slice %get3A_1 {offsets = [0, 43520], sizes = [32, 128], strides = [1, 1]} : vector<32x65536xf32> to vector<32x128xf32>
    %slice3A_510 = vector.extract_strided_slice %get3A_1 {offsets = [0, 43648], sizes = [32, 128], strides = [1, 1]} : vector<32x65536xf32> to vector<32x128xf32>
    %slice3A_511 = vector.extract_strided_slice %get3A_1 {offsets = [0, 43776], sizes = [32, 128], strides = [1, 1]} : vector<32x65536xf32> to vector<32x128xf32>
    %slice3A_512 = vector.extract_strided_slice %get3A_1 {offsets = [0, 43904], sizes = [32, 128], strides = [1, 1]} : vector<32x65536xf32> to vector<32x128xf32>
    %concatenate3A_513 = tpu.concatenate %slice3A_509, %slice3A_510, %slice3A_511, %slice3A_512 in 0 : vector<32x128xf32>, vector<32x128xf32>, vector<32x128xf32>, vector<32x128xf32> -> vector<128x128xf32>
    %transpose3A_514 = tpu.transpose %concatenate3A_513, [1, 0] : vector<128x128xf32> -> vector<128x128xf32>
    %slice3A_515 = vector.extract_strided_slice %get3A_1 {offsets = [0, 44032], sizes = [32, 128], strides = [1, 1]} : vector<32x65536xf32> to vector<32x128xf32>
    %slice3A_516 = vector.extract_strided_slice %get3A_1 {offsets = [0, 44160], sizes = [32, 128], strides = [1, 1]} : vector<32x65536xf32> to vector<32x128xf32>
    %slice3A_517 = vector.extract_strided_slice %get3A_1 {offsets = [0, 44288], sizes = [32, 128], strides = [1, 1]} : vector<32x65536xf32> to vector<32x128xf32>
    %slice3A_518 = vector.extract_strided_slice %get3A_1 {offsets = [0, 44416], sizes = [32, 128], strides = [1, 1]} : vector<32x65536xf32> to vector<32x128xf32>
    %concatenate3A_519 = tpu.concatenate %slice3A_515, %slice3A_516, %slice3A_517, %slice3A_518 in 0 : vector<32x128xf32>, vector<32x128xf32>, vector<32x128xf32>, vector<32x128xf32> -> vector<128x128xf32>
    %transpose3A_520 = tpu.transpose %concatenate3A_519, [1, 0] : vector<128x128xf32> -> vector<128x128xf32>
    %slice3A_521 = vector.extract_strided_slice %get3A_1 {offsets = [0, 44544], sizes = [32, 128], strides = [1, 1]} : vector<32x65536xf32> to vector<32x128xf32>
    %slice3A_522 = vector.extract_strided_slice %get3A_1 {offsets = [0, 44672], sizes = [32, 128], strides = [1, 1]} : vector<32x65536xf32> to vector<32x128xf32>
    %slice3A_523 = vector.extract_strided_slice %get3A_1 {offsets = [0, 44800], sizes = [32, 128], strides = [1, 1]} : vector<32x65536xf32> to vector<32x128xf32>
    %slice3A_524 = vector.extract_strided_slice %get3A_1 {offsets = [0, 44928], sizes = [32, 128], strides = [1, 1]} : vector<32x65536xf32> to vector<32x128xf32>
    %concatenate3A_525 = tpu.concatenate %slice3A_521, %slice3A_522, %slice3A_523, %slice3A_524 in 0 : vector<32x128xf32>, vector<32x128xf32>, vector<32x128xf32>, vector<32x128xf32> -> vector<128x128xf32>
    %transpose3A_526 = tpu.transpose %concatenate3A_525, [1, 0] : vector<128x128xf32> -> vector<128x128xf32>
    %slice3A_527 = vector.extract_strided_slice %get3A_1 {offsets = [0, 45056], sizes = [32, 128], strides = [1, 1]} : vector<32x65536xf32> to vector<32x128xf32>
    %slice3A_528 = vector.extract_strided_slice %get3A_1 {offsets = [0, 45184], sizes = [32, 128], strides = [1, 1]} : vector<32x65536xf32> to vector<32x128xf32>
    %slice3A_529 = vector.extract_strided_slice %get3A_1 {offsets = [0, 45312], sizes = [32, 128], strides = [1, 1]} : vector<32x65536xf32> to vector<32x128xf32>
    %slice3A_530 = vector.extract_strided_slice %get3A_1 {offsets = [0, 45440], sizes = [32, 128], strides = [1, 1]} : vector<32x65536xf32> to vector<32x128xf32>
    %concatenate3A_531 = tpu.concatenate %slice3A_527, %slice3A_528, %slice3A_529, %slice3A_530 in 0 : vector<32x128xf32>, vector<32x128xf32>, vector<32x128xf32>, vector<32x128xf32> -> vector<128x128xf32>
    %transpose3A_532 = tpu.transpose %concatenate3A_531, [1, 0] : vector<128x128xf32> -> vector<128x128xf32>
    %slice3A_533 = vector.extract_strided_slice %get3A_1 {offsets = [0, 45568], sizes = [32, 128], strides = [1, 1]} : vector<32x65536xf32> to vector<32x128xf32>
    %slice3A_534 = vector.extract_strided_slice %get3A_1 {offsets = [0, 45696], sizes = [32, 128], strides = [1, 1]} : vector<32x65536xf32> to vector<32x128xf32>
    %slice3A_535 = vector.extract_strided_slice %get3A_1 {offsets = [0, 45824], sizes = [32, 128], strides = [1, 1]} : vector<32x65536xf32> to vector<32x128xf32>
    %slice3A_536 = vector.extract_strided_slice %get3A_1 {offsets = [0, 45952], sizes = [32, 128], strides = [1, 1]} : vector<32x65536xf32> to vector<32x128xf32>
    %concatenate3A_537 = tpu.concatenate %slice3A_533, %slice3A_534, %slice3A_535, %slice3A_536 in 0 : vector<32x128xf32>, vector<32x128xf32>, vector<32x128xf32>, vector<32x128xf32> -> vector<128x128xf32>
    %transpose3A_538 = tpu.transpose %concatenate3A_537, [1, 0] : vector<128x128xf32> -> vector<128x128xf32>
    %slice3A_539 = vector.extract_strided_slice %get3A_1 {offsets = [0, 46080], sizes = [32, 128], strides = [1, 1]} : vector<32x65536xf32> to vector<32x128xf32>
    %slice3A_540 = vector.extract_strided_slice %get3A_1 {offsets = [0, 46208], sizes = [32, 128], strides = [1, 1]} : vector<32x65536xf32> to vector<32x128xf32>
    %slice3A_541 = vector.extract_strided_slice %get3A_1 {offsets = [0, 46336], sizes = [32, 128], strides = [1, 1]} : vector<32x65536xf32> to vector<32x128xf32>
    %slice3A_542 = vector.extract_strided_slice %get3A_1 {offsets = [0, 46464], sizes = [32, 128], strides = [1, 1]} : vector<32x65536xf32> to vector<32x128xf32>
    %concatenate3A_543 = tpu.concatenate %slice3A_539, %slice3A_540, %slice3A_541, %slice3A_542 in 0 : vector<32x128xf32>, vector<32x128xf32>, vector<32x128xf32>, vector<32x128xf32> -> vector<128x128xf32>
    %transpose3A_544 = tpu.transpose %concatenate3A_543, [1, 0] : vector<128x128xf32> -> vector<128x128xf32>
    %slice3A_545 = vector.extract_strided_slice %get3A_1 {offsets = [0, 46592], sizes = [32, 128], strides = [1, 1]} : vector<32x65536xf32> to vector<32x128xf32>
    %slice3A_546 = vector.extract_strided_slice %get3A_1 {offsets = [0, 46720], sizes = [32, 128], strides = [1, 1]} : vector<32x65536xf32> to vector<32x128xf32>
    %slice3A_547 = vector.extract_strided_slice %get3A_1 {offsets = [0, 46848], sizes = [32, 128], strides = [1, 1]} : vector<32x65536xf32> to vector<32x128xf32>
    %slice3A_548 = vector.extract_strided_slice %get3A_1 {offsets = [0, 46976], sizes = [32, 128], strides = [1, 1]} : vector<32x65536xf32> to vector<32x128xf32>
    %concatenate3A_549 = tpu.concatenate %slice3A_545, %slice3A_546, %slice3A_547, %slice3A_548 in 0 : vector<32x128xf32>, vector<32x128xf32>, vector<32x128xf32>, vector<32x128xf32> -> vector<128x128xf32>
    %transpose3A_550 = tpu.transpose %concatenate3A_549, [1, 0] : vector<128x128xf32> -> vector<128x128xf32>
    %slice3A_551 = vector.extract_strided_slice %get3A_1 {offsets = [0, 47104], sizes = [32, 128], strides = [1, 1]} : vector<32x65536xf32> to vector<32x128xf32>
    %slice3A_552 = vector.extract_strided_slice %get3A_1 {offsets = [0, 47232], sizes = [32, 128], strides = [1, 1]} : vector<32x65536xf32> to vector<32x128xf32>
    %slice3A_553 = vector.extract_strided_slice %get3A_1 {offsets = [0, 47360], sizes = [32, 128], strides = [1, 1]} : vector<32x65536xf32> to vector<32x128xf32>
    %slice3A_554 = vector.extract_strided_slice %get3A_1 {offsets = [0, 47488], sizes = [32, 128], strides = [1, 1]} : vector<32x65536xf32> to vector<32x128xf32>
    %concatenate3A_555 = tpu.concatenate %slice3A_551, %slice3A_552, %slice3A_553, %slice3A_554 in 0 : vector<32x128xf32>, vector<32x128xf32>, vector<32x128xf32>, vector<32x128xf32> -> vector<128x128xf32>
    %transpose3A_556 = tpu.transpose %concatenate3A_555, [1, 0] : vector<128x128xf32> -> vector<128x128xf32>
    %slice3A_557 = vector.extract_strided_slice %get3A_1 {offsets = [0, 47616], sizes = [32, 128], strides = [1, 1]} : vector<32x65536xf32> to vector<32x128xf32>
    %slice3A_558 = vector.extract_strided_slice %get3A_1 {offsets = [0, 47744], sizes = [32, 128], strides = [1, 1]} : vector<32x65536xf32> to vector<32x128xf32>
    %slice3A_559 = vector.extract_strided_slice %get3A_1 {offsets = [0, 47872], sizes = [32, 128], strides = [1, 1]} : vector<32x65536xf32> to vector<32x128xf32>
    %slice3A_560 = vector.extract_strided_slice %get3A_1 {offsets = [0, 48000], sizes = [32, 128], strides = [1, 1]} : vector<32x65536xf32> to vector<32x128xf32>
    %concatenate3A_561 = tpu.concatenate %slice3A_557, %slice3A_558, %slice3A_559, %slice3A_560 in 0 : vector<32x128xf32>, vector<32x128xf32>, vector<32x128xf32>, vector<32x128xf32> -> vector<128x128xf32>
    %transpose3A_562 = tpu.transpose %concatenate3A_561, [1, 0] : vector<128x128xf32> -> vector<128x128xf32>
    %slice3A_563 = vector.extract_strided_slice %get3A_1 {offsets = [0, 48128], sizes = [32, 128], strides = [1, 1]} : vector<32x65536xf32> to vector<32x128xf32>
    %slice3A_564 = vector.extract_strided_slice %get3A_1 {offsets = [0, 48256], sizes = [32, 128], strides = [1, 1]} : vector<32x65536xf32> to vector<32x128xf32>
    %slice3A_565 = vector.extract_strided_slice %get3A_1 {offsets = [0, 48384], sizes = [32, 128], strides = [1, 1]} : vector<32x65536xf32> to vector<32x128xf32>
    %slice3A_566 = vector.extract_strided_slice %get3A_1 {offsets = [0, 48512], sizes = [32, 128], strides = [1, 1]} : vector<32x65536xf32> to vector<32x128xf32>
    %concatenate3A_567 = tpu.concatenate %slice3A_563, %slice3A_564, %slice3A_565, %slice3A_566 in 0 : vector<32x128xf32>, vector<32x128xf32>, vector<32x128xf32>, vector<32x128xf32> -> vector<128x128xf32>
    %transpose3A_568 = tpu.transpose %concatenate3A_567, [1, 0] : vector<128x128xf32> -> vector<128x128xf32>
    %slice3A_569 = vector.extract_strided_slice %get3A_1 {offsets = [0, 48640], sizes = [32, 128], strides = [1, 1]} : vector<32x65536xf32> to vector<32x128xf32>
    %slice3A_570 = vector.extract_strided_slice %get3A_1 {offsets = [0, 48768], sizes = [32, 128], strides = [1, 1]} : vector<32x65536xf32> to vector<32x128xf32>
    %slice3A_571 = vector.extract_strided_slice %get3A_1 {offsets = [0, 48896], sizes = [32, 128], strides = [1, 1]} : vector<32x65536xf32> to vector<32x128xf32>
    %slice3A_572 = vector.extract_strided_slice %get3A_1 {offsets = [0, 49024], sizes = [32, 128], strides = [1, 1]} : vector<32x65536xf32> to vector<32x128xf32>
    %concatenate3A_573 = tpu.concatenate %slice3A_569, %slice3A_570, %slice3A_571, %slice3A_572 in 0 : vector<32x128xf32>, vector<32x128xf32>, vector<32x128xf32>, vector<32x128xf32> -> vector<128x128xf32>
    %transpose3A_574 = tpu.transpose %concatenate3A_573, [1, 0] : vector<128x128xf32> -> vector<128x128xf32>
    %slice3A_575 = vector.extract_strided_slice %get3A_1 {offsets = [0, 49152], sizes = [32, 128], strides = [1, 1]} : vector<32x65536xf32> to vector<32x128xf32>
    %slice3A_576 = vector.extract_strided_slice %get3A_1 {offsets = [0, 49280], sizes = [32, 128], strides = [1, 1]} : vector<32x65536xf32> to vector<32x128xf32>
    %slice3A_577 = vector.extract_strided_slice %get3A_1 {offsets = [0, 49408], sizes = [32, 128], strides = [1, 1]} : vector<32x65536xf32> to vector<32x128xf32>
    %slice3A_578 = vector.extract_strided_slice %get3A_1 {offsets = [0, 49536], sizes = [32, 128], strides = [1, 1]} : vector<32x65536xf32> to vector<32x128xf32>
    %concatenate3A_579 = tpu.concatenate %slice3A_575, %slice3A_576, %slice3A_577, %slice3A_578 in 0 : vector<32x128xf32>, vector<32x128xf32>, vector<32x128xf32>, vector<32x128xf32> -> vector<128x128xf32>
    %transpose3A_580 = tpu.transpose %concatenate3A_579, [1, 0] : vector<128x128xf32> -> vector<128x128xf32>
    %slice3A_581 = vector.extract_strided_slice %get3A_1 {offsets = [0, 49664], sizes = [32, 128], strides = [1, 1]} : vector<32x65536xf32> to vector<32x128xf32>
    %slice3A_582 = vector.extract_strided_slice %get3A_1 {offsets = [0, 49792], sizes = [32, 128], strides = [1, 1]} : vector<32x65536xf32> to vector<32x128xf32>
    %slice3A_583 = vector.extract_strided_slice %get3A_1 {offsets = [0, 49920], sizes = [32, 128], strides = [1, 1]} : vector<32x65536xf32> to vector<32x128xf32>
    %slice3A_584 = vector.extract_strided_slice %get3A_1 {offsets = [0, 50048], sizes = [32, 128], strides = [1, 1]} : vector<32x65536xf32> to vector<32x128xf32>
    %concatenate3A_585 = tpu.concatenate %slice3A_581, %slice3A_582, %slice3A_583, %slice3A_584 in 0 : vector<32x128xf32>, vector<32x128xf32>, vector<32x128xf32>, vector<32x128xf32> -> vector<128x128xf32>
    %transpose3A_586 = tpu.transpose %concatenate3A_585, [1, 0] : vector<128x128xf32> -> vector<128x128xf32>
    %slice3A_587 = vector.extract_strided_slice %get3A_1 {offsets = [0, 50176], sizes = [32, 128], strides = [1, 1]} : vector<32x65536xf32> to vector<32x128xf32>
    %slice3A_588 = vector.extract_strided_slice %get3A_1 {offsets = [0, 50304], sizes = [32, 128], strides = [1, 1]} : vector<32x65536xf32> to vector<32x128xf32>
    %slice3A_589 = vector.extract_strided_slice %get3A_1 {offsets = [0, 50432], sizes = [32, 128], strides = [1, 1]} : vector<32x65536xf32> to vector<32x128xf32>
    %slice3A_590 = vector.extract_strided_slice %get3A_1 {offsets = [0, 50560], sizes = [32, 128], strides = [1, 1]} : vector<32x65536xf32> to vector<32x128xf32>
    %concatenate3A_591 = tpu.concatenate %slice3A_587, %slice3A_588, %slice3A_589, %slice3A_590 in 0 : vector<32x128xf32>, vector<32x128xf32>, vector<32x128xf32>, vector<32x128xf32> -> vector<128x128xf32>
    %transpose3A_592 = tpu.transpose %concatenate3A_591, [1, 0] : vector<128x128xf32> -> vector<128x128xf32>
    %slice3A_593 = vector.extract_strided_slice %get3A_1 {offsets = [0, 50688], sizes = [32, 128], strides = [1, 1]} : vector<32x65536xf32> to vector<32x128xf32>
    %slice3A_594 = vector.extract_strided_slice %get3A_1 {offsets = [0, 50816], sizes = [32, 128], strides = [1, 1]} : vector<32x65536xf32> to vector<32x128xf32>
    %slice3A_595 = vector.extract_strided_slice %get3A_1 {offsets = [0, 50944], sizes = [32, 128], strides = [1, 1]} : vector<32x65536xf32> to vector<32x128xf32>
    %slice3A_596 = vector.extract_strided_slice %get3A_1 {offsets = [0, 51072], sizes = [32, 128], strides = [1, 1]} : vector<32x65536xf32> to vector<32x128xf32>
    %concatenate3A_597 = tpu.concatenate %slice3A_593, %slice3A_594, %slice3A_595, %slice3A_596 in 0 : vector<32x128xf32>, vector<32x128xf32>, vector<32x128xf32>, vector<32x128xf32> -> vector<128x128xf32>
    %transpose3A_598 = tpu.transpose %concatenate3A_597, [1, 0] : vector<128x128xf32> -> vector<128x128xf32>
    %slice3A_599 = vector.extract_strided_slice %get3A_1 {offsets = [0, 51200], sizes = [32, 128], strides = [1, 1]} : vector<32x65536xf32> to vector<32x128xf32>
    %slice3A_600 = vector.extract_strided_slice %get3A_1 {offsets = [0, 51328], sizes = [32, 128], strides = [1, 1]} : vector<32x65536xf32> to vector<32x128xf32>
    %slice3A_601 = vector.extract_strided_slice %get3A_1 {offsets = [0, 51456], sizes = [32, 128], strides = [1, 1]} : vector<32x65536xf32> to vector<32x128xf32>
    %slice3A_602 = vector.extract_strided_slice %get3A_1 {offsets = [0, 51584], sizes = [32, 128], strides = [1, 1]} : vector<32x65536xf32> to vector<32x128xf32>
    %concatenate3A_603 = tpu.concatenate %slice3A_599, %slice3A_600, %slice3A_601, %slice3A_602 in 0 : vector<32x128xf32>, vector<32x128xf32>, vector<32x128xf32>, vector<32x128xf32> -> vector<128x128xf32>
    %transpose3A_604 = tpu.transpose %concatenate3A_603, [1, 0] : vector<128x128xf32> -> vector<128x128xf32>
    %slice3A_605 = vector.extract_strided_slice %get3A_1 {offsets = [0, 51712], sizes = [32, 128], strides = [1, 1]} : vector<32x65536xf32> to vector<32x128xf32>
    %slice3A_606 = vector.extract_strided_slice %get3A_1 {offsets = [0, 51840], sizes = [32, 128], strides = [1, 1]} : vector<32x65536xf32> to vector<32x128xf32>
    %slice3A_607 = vector.extract_strided_slice %get3A_1 {offsets = [0, 51968], sizes = [32, 128], strides = [1, 1]} : vector<32x65536xf32> to vector<32x128xf32>
    %slice3A_608 = vector.extract_strided_slice %get3A_1 {offsets = [0, 52096], sizes = [32, 128], strides = [1, 1]} : vector<32x65536xf32> to vector<32x128xf32>
    %concatenate3A_609 = tpu.concatenate %slice3A_605, %slice3A_606, %slice3A_607, %slice3A_608 in 0 : vector<32x128xf32>, vector<32x128xf32>, vector<32x128xf32>, vector<32x128xf32> -> vector<128x128xf32>
    %transpose3A_610 = tpu.transpose %concatenate3A_609, [1, 0] : vector<128x128xf32> -> vector<128x128xf32>
    %slice3A_611 = vector.extract_strided_slice %get3A_1 {offsets = [0, 52224], sizes = [32, 128], strides = [1, 1]} : vector<32x65536xf32> to vector<32x128xf32>
    %slice3A_612 = vector.extract_strided_slice %get3A_1 {offsets = [0, 52352], sizes = [32, 128], strides = [1, 1]} : vector<32x65536xf32> to vector<32x128xf32>
    %slice3A_613 = vector.extract_strided_slice %get3A_1 {offsets = [0, 52480], sizes = [32, 128], strides = [1, 1]} : vector<32x65536xf32> to vector<32x128xf32>
    %slice3A_614 = vector.extract_strided_slice %get3A_1 {offsets = [0, 52608], sizes = [32, 128], strides = [1, 1]} : vector<32x65536xf32> to vector<32x128xf32>
    %concatenate3A_615 = tpu.concatenate %slice3A_611, %slice3A_612, %slice3A_613, %slice3A_614 in 0 : vector<32x128xf32>, vector<32x128xf32>, vector<32x128xf32>, vector<32x128xf32> -> vector<128x128xf32>
    %transpose3A_616 = tpu.transpose %concatenate3A_615, [1, 0] : vector<128x128xf32> -> vector<128x128xf32>
    %slice3A_617 = vector.extract_strided_slice %get3A_1 {offsets = [0, 52736], sizes = [32, 128], strides = [1, 1]} : vector<32x65536xf32> to vector<32x128xf32>
    %slice3A_618 = vector.extract_strided_slice %get3A_1 {offsets = [0, 52864], sizes = [32, 128], strides = [1, 1]} : vector<32x65536xf32> to vector<32x128xf32>
    %slice3A_619 = vector.extract_strided_slice %get3A_1 {offsets = [0, 52992], sizes = [32, 128], strides = [1, 1]} : vector<32x65536xf32> to vector<32x128xf32>
    %slice3A_620 = vector.extract_strided_slice %get3A_1 {offsets = [0, 53120], sizes = [32, 128], strides = [1, 1]} : vector<32x65536xf32> to vector<32x128xf32>
    %concatenate3A_621 = tpu.concatenate %slice3A_617, %slice3A_618, %slice3A_619, %slice3A_620 in 0 : vector<32x128xf32>, vector<32x128xf32>, vector<32x128xf32>, vector<32x128xf32> -> vector<128x128xf32>
    %transpose3A_622 = tpu.transpose %concatenate3A_621, [1, 0] : vector<128x128xf32> -> vector<128x128xf32>
    %slice3A_623 = vector.extract_strided_slice %get3A_1 {offsets = [0, 53248], sizes = [32, 128], strides = [1, 1]} : vector<32x65536xf32> to vector<32x128xf32>
    %slice3A_624 = vector.extract_strided_slice %get3A_1 {offsets = [0, 53376], sizes = [32, 128], strides = [1, 1]} : vector<32x65536xf32> to vector<32x128xf32>
    %slice3A_625 = vector.extract_strided_slice %get3A_1 {offsets = [0, 53504], sizes = [32, 128], strides = [1, 1]} : vector<32x65536xf32> to vector<32x128xf32>
    %slice3A_626 = vector.extract_strided_slice %get3A_1 {offsets = [0, 53632], sizes = [32, 128], strides = [1, 1]} : vector<32x65536xf32> to vector<32x128xf32>
    %concatenate3A_627 = tpu.concatenate %slice3A_623, %slice3A_624, %slice3A_625, %slice3A_626 in 0 : vector<32x128xf32>, vector<32x128xf32>, vector<32x128xf32>, vector<32x128xf32> -> vector<128x128xf32>
    %transpose3A_628 = tpu.transpose %concatenate3A_627, [1, 0] : vector<128x128xf32> -> vector<128x128xf32>
    %slice3A_629 = vector.extract_strided_slice %get3A_1 {offsets = [0, 53760], sizes = [32, 128], strides = [1, 1]} : vector<32x65536xf32> to vector<32x128xf32>
    %slice3A_630 = vector.extract_strided_slice %get3A_1 {offsets = [0, 53888], sizes = [32, 128], strides = [1, 1]} : vector<32x65536xf32> to vector<32x128xf32>
    %slice3A_631 = vector.extract_strided_slice %get3A_1 {offsets = [0, 54016], sizes = [32, 128], strides = [1, 1]} : vector<32x65536xf32> to vector<32x128xf32>
    %slice3A_632 = vector.extract_strided_slice %get3A_1 {offsets = [0, 54144], sizes = [32, 128], strides = [1, 1]} : vector<32x65536xf32> to vector<32x128xf32>
    %concatenate3A_633 = tpu.concatenate %slice3A_629, %slice3A_630, %slice3A_631, %slice3A_632 in 0 : vector<32x128xf32>, vector<32x128xf32>, vector<32x128xf32>, vector<32x128xf32> -> vector<128x128xf32>
    %transpose3A_634 = tpu.transpose %concatenate3A_633, [1, 0] : vector<128x128xf32> -> vector<128x128xf32>
    %slice3A_635 = vector.extract_strided_slice %get3A_1 {offsets = [0, 54272], sizes = [32, 128], strides = [1, 1]} : vector<32x65536xf32> to vector<32x128xf32>
    %slice3A_636 = vector.extract_strided_slice %get3A_1 {offsets = [0, 54400], sizes = [32, 128], strides = [1, 1]} : vector<32x65536xf32> to vector<32x128xf32>
    %slice3A_637 = vector.extract_strided_slice %get3A_1 {offsets = [0, 54528], sizes = [32, 128], strides = [1, 1]} : vector<32x65536xf32> to vector<32x128xf32>
    %slice3A_638 = vector.extract_strided_slice %get3A_1 {offsets = [0, 54656], sizes = [32, 128], strides = [1, 1]} : vector<32x65536xf32> to vector<32x128xf32>
    %concatenate3A_639 = tpu.concatenate %slice3A_635, %slice3A_636, %slice3A_637, %slice3A_638 in 0 : vector<32x128xf32>, vector<32x128xf32>, vector<32x128xf32>, vector<32x128xf32> -> vector<128x128xf32>
    %transpose3A_640 = tpu.transpose %concatenate3A_639, [1, 0] : vector<128x128xf32> -> vector<128x128xf32>
    %slice3A_641 = vector.extract_strided_slice %get3A_1 {offsets = [0, 54784], sizes = [32, 128], strides = [1, 1]} : vector<32x65536xf32> to vector<32x128xf32>
    %slice3A_642 = vector.extract_strided_slice %get3A_1 {offsets = [0, 54912], sizes = [32, 128], strides = [1, 1]} : vector<32x65536xf32> to vector<32x128xf32>
    %slice3A_643 = vector.extract_strided_slice %get3A_1 {offsets = [0, 55040], sizes = [32, 128], strides = [1, 1]} : vector<32x65536xf32> to vector<32x128xf32>
    %slice3A_644 = vector.extract_strided_slice %get3A_1 {offsets = [0, 55168], sizes = [32, 128], strides = [1, 1]} : vector<32x65536xf32> to vector<32x128xf32>
    %concatenate3A_645 = tpu.concatenate %slice3A_641, %slice3A_642, %slice3A_643, %slice3A_644 in 0 : vector<32x128xf32>, vector<32x128xf32>, vector<32x128xf32>, vector<32x128xf32> -> vector<128x128xf32>
    %transpose3A_646 = tpu.transpose %concatenate3A_645, [1, 0] : vector<128x128xf32> -> vector<128x128xf32>
    %slice3A_647 = vector.extract_strided_slice %get3A_1 {offsets = [0, 55296], sizes = [32, 128], strides = [1, 1]} : vector<32x65536xf32> to vector<32x128xf32>
    %slice3A_648 = vector.extract_strided_slice %get3A_1 {offsets = [0, 55424], sizes = [32, 128], strides = [1, 1]} : vector<32x65536xf32> to vector<32x128xf32>
    %slice3A_649 = vector.extract_strided_slice %get3A_1 {offsets = [0, 55552], sizes = [32, 128], strides = [1, 1]} : vector<32x65536xf32> to vector<32x128xf32>
    %slice3A_650 = vector.extract_strided_slice %get3A_1 {offsets = [0, 55680], sizes = [32, 128], strides = [1, 1]} : vector<32x65536xf32> to vector<32x128xf32>
    %concatenate3A_651 = tpu.concatenate %slice3A_647, %slice3A_648, %slice3A_649, %slice3A_650 in 0 : vector<32x128xf32>, vector<32x128xf32>, vector<32x128xf32>, vector<32x128xf32> -> vector<128x128xf32>
    %transpose3A_652 = tpu.transpose %concatenate3A_651, [1, 0] : vector<128x128xf32> -> vector<128x128xf32>
    %slice3A_653 = vector.extract_strided_slice %get3A_1 {offsets = [0, 55808], sizes = [32, 128], strides = [1, 1]} : vector<32x65536xf32> to vector<32x128xf32>
    %slice3A_654 = vector.extract_strided_slice %get3A_1 {offsets = [0, 55936], sizes = [32, 128], strides = [1, 1]} : vector<32x65536xf32> to vector<32x128xf32>
    %slice3A_655 = vector.extract_strided_slice %get3A_1 {offsets = [0, 56064], sizes = [32, 128], strides = [1, 1]} : vector<32x65536xf32> to vector<32x128xf32>
    %slice3A_656 = vector.extract_strided_slice %get3A_1 {offsets = [0, 56192], sizes = [32, 128], strides = [1, 1]} : vector<32x65536xf32> to vector<32x128xf32>
    %concatenate3A_657 = tpu.concatenate %slice3A_653, %slice3A_654, %slice3A_655, %slice3A_656 in 0 : vector<32x128xf32>, vector<32x128xf32>, vector<32x128xf32>, vector<32x128xf32> -> vector<128x128xf32>
    %transpose3A_658 = tpu.transpose %concatenate3A_657, [1, 0] : vector<128x128xf32> -> vector<128x128xf32>
    %slice3A_659 = vector.extract_strided_slice %get3A_1 {offsets = [0, 56320], sizes = [32, 128], strides = [1, 1]} : vector<32x65536xf32> to vector<32x128xf32>
    %slice3A_660 = vector.extract_strided_slice %get3A_1 {offsets = [0, 56448], sizes = [32, 128], strides = [1, 1]} : vector<32x65536xf32> to vector<32x128xf32>
    %slice3A_661 = vector.extract_strided_slice %get3A_1 {offsets = [0, 56576], sizes = [32, 128], strides = [1, 1]} : vector<32x65536xf32> to vector<32x128xf32>
    %slice3A_662 = vector.extract_strided_slice %get3A_1 {offsets = [0, 56704], sizes = [32, 128], strides = [1, 1]} : vector<32x65536xf32> to vector<32x128xf32>
    %concatenate3A_663 = tpu.concatenate %slice3A_659, %slice3A_660, %slice3A_661, %slice3A_662 in 0 : vector<32x128xf32>, vector<32x128xf32>, vector<32x128xf32>, vector<32x128xf32> -> vector<128x128xf32>
    %transpose3A_664 = tpu.transpose %concatenate3A_663, [1, 0] : vector<128x128xf32> -> vector<128x128xf32>
    %slice3A_665 = vector.extract_strided_slice %get3A_1 {offsets = [0, 56832], sizes = [32, 128], strides = [1, 1]} : vector<32x65536xf32> to vector<32x128xf32>
    %slice3A_666 = vector.extract_strided_slice %get3A_1 {offsets = [0, 56960], sizes = [32, 128], strides = [1, 1]} : vector<32x65536xf32> to vector<32x128xf32>
    %slice3A_667 = vector.extract_strided_slice %get3A_1 {offsets = [0, 57088], sizes = [32, 128], strides = [1, 1]} : vector<32x65536xf32> to vector<32x128xf32>
    %slice3A_668 = vector.extract_strided_slice %get3A_1 {offsets = [0, 57216], sizes = [32, 128], strides = [1, 1]} : vector<32x65536xf32> to vector<32x128xf32>
    %concatenate3A_669 = tpu.concatenate %slice3A_665, %slice3A_666, %slice3A_667, %slice3A_668 in 0 : vector<32x128xf32>, vector<32x128xf32>, vector<32x128xf32>, vector<32x128xf32> -> vector<128x128xf32>
    %transpose3A_670 = tpu.transpose %concatenate3A_669, [1, 0] : vector<128x128xf32> -> vector<128x128xf32>
    %slice3A_671 = vector.extract_strided_slice %get3A_1 {offsets = [0, 57344], sizes = [32, 128], strides = [1, 1]} : vector<32x65536xf32> to vector<32x128xf32>
    %slice3A_672 = vector.extract_strided_slice %get3A_1 {offsets = [0, 57472], sizes = [32, 128], strides = [1, 1]} : vector<32x65536xf32> to vector<32x128xf32>
    %slice3A_673 = vector.extract_strided_slice %get3A_1 {offsets = [0, 57600], sizes = [32, 128], strides = [1, 1]} : vector<32x65536xf32> to vector<32x128xf32>
    %slice3A_674 = vector.extract_strided_slice %get3A_1 {offsets = [0, 57728], sizes = [32, 128], strides = [1, 1]} : vector<32x65536xf32> to vector<32x128xf32>
    %concatenate3A_675 = tpu.concatenate %slice3A_671, %slice3A_672, %slice3A_673, %slice3A_674 in 0 : vector<32x128xf32>, vector<32x128xf32>, vector<32x128xf32>, vector<32x128xf32> -> vector<128x128xf32>
    %transpose3A_676 = tpu.transpose %concatenate3A_675, [1, 0] : vector<128x128xf32> -> vector<128x128xf32>
    %slice3A_677 = vector.extract_strided_slice %get3A_1 {offsets = [0, 57856], sizes = [32, 128], strides = [1, 1]} : vector<32x65536xf32> to vector<32x128xf32>
    %slice3A_678 = vector.extract_strided_slice %get3A_1 {offsets = [0, 57984], sizes = [32, 128], strides = [1, 1]} : vector<32x65536xf32> to vector<32x128xf32>
    %slice3A_679 = vector.extract_strided_slice %get3A_1 {offsets = [0, 58112], sizes = [32, 128], strides = [1, 1]} : vector<32x65536xf32> to vector<32x128xf32>
    %slice3A_680 = vector.extract_strided_slice %get3A_1 {offsets = [0, 58240], sizes = [32, 128], strides = [1, 1]} : vector<32x65536xf32> to vector<32x128xf32>
    %concatenate3A_681 = tpu.concatenate %slice3A_677, %slice3A_678, %slice3A_679, %slice3A_680 in 0 : vector<32x128xf32>, vector<32x128xf32>, vector<32x128xf32>, vector<32x128xf32> -> vector<128x128xf32>
    %transpose3A_682 = tpu.transpose %concatenate3A_681, [1, 0] : vector<128x128xf32> -> vector<128x128xf32>
    %slice3A_683 = vector.extract_strided_slice %get3A_1 {offsets = [0, 58368], sizes = [32, 128], strides = [1, 1]} : vector<32x65536xf32> to vector<32x128xf32>
    %slice3A_684 = vector.extract_strided_slice %get3A_1 {offsets = [0, 58496], sizes = [32, 128], strides = [1, 1]} : vector<32x65536xf32> to vector<32x128xf32>
    %slice3A_685 = vector.extract_strided_slice %get3A_1 {offsets = [0, 58624], sizes = [32, 128], strides = [1, 1]} : vector<32x65536xf32> to vector<32x128xf32>
    %slice3A_686 = vector.extract_strided_slice %get3A_1 {offsets = [0, 58752], sizes = [32, 128], strides = [1, 1]} : vector<32x65536xf32> to vector<32x128xf32>
    %concatenate3A_687 = tpu.concatenate %slice3A_683, %slice3A_684, %slice3A_685, %slice3A_686 in 0 : vector<32x128xf32>, vector<32x128xf32>, vector<32x128xf32>, vector<32x128xf32> -> vector<128x128xf32>
    %transpose3A_688 = tpu.transpose %concatenate3A_687, [1, 0] : vector<128x128xf32> -> vector<128x128xf32>
    %slice3A_689 = vector.extract_strided_slice %get3A_1 {offsets = [0, 58880], sizes = [32, 128], strides = [1, 1]} : vector<32x65536xf32> to vector<32x128xf32>
    %slice3A_690 = vector.extract_strided_slice %get3A_1 {offsets = [0, 59008], sizes = [32, 128], strides = [1, 1]} : vector<32x65536xf32> to vector<32x128xf32>
    %slice3A_691 = vector.extract_strided_slice %get3A_1 {offsets = [0, 59136], sizes = [32, 128], strides = [1, 1]} : vector<32x65536xf32> to vector<32x128xf32>
    %slice3A_692 = vector.extract_strided_slice %get3A_1 {offsets = [0, 59264], sizes = [32, 128], strides = [1, 1]} : vector<32x65536xf32> to vector<32x128xf32>
    %concatenate3A_693 = tpu.concatenate %slice3A_689, %slice3A_690, %slice3A_691, %slice3A_692 in 0 : vector<32x128xf32>, vector<32x128xf32>, vector<32x128xf32>, vector<32x128xf32> -> vector<128x128xf32>
    %transpose3A_694 = tpu.transpose %concatenate3A_693, [1, 0] : vector<128x128xf32> -> vector<128x128xf32>
    %slice3A_695 = vector.extract_strided_slice %get3A_1 {offsets = [0, 59392], sizes = [32, 128], strides = [1, 1]} : vector<32x65536xf32> to vector<32x128xf32>
    %slice3A_696 = vector.extract_strided_slice %get3A_1 {offsets = [0, 59520], sizes = [32, 128], strides = [1, 1]} : vector<32x65536xf32> to vector<32x128xf32>
    %slice3A_697 = vector.extract_strided_slice %get3A_1 {offsets = [0, 59648], sizes = [32, 128], strides = [1, 1]} : vector<32x65536xf32> to vector<32x128xf32>
    %slice3A_698 = vector.extract_strided_slice %get3A_1 {offsets = [0, 59776], sizes = [32, 128], strides = [1, 1]} : vector<32x65536xf32> to vector<32x128xf32>
    %concatenate3A_699 = tpu.concatenate %slice3A_695, %slice3A_696, %slice3A_697, %slice3A_698 in 0 : vector<32x128xf32>, vector<32x128xf32>, vector<32x128xf32>, vector<32x128xf32> -> vector<128x128xf32>
    %transpose3A_700 = tpu.transpose %concatenate3A_699, [1, 0] : vector<128x128xf32> -> vector<128x128xf32>
    %slice3A_701 = vector.extract_strided_slice %get3A_1 {offsets = [0, 59904], sizes = [32, 128], strides = [1, 1]} : vector<32x65536xf32> to vector<32x128xf32>
    %slice3A_702 = vector.extract_strided_slice %get3A_1 {offsets = [0, 60032], sizes = [32, 128], strides = [1, 1]} : vector<32x65536xf32> to vector<32x128xf32>
    %slice3A_703 = vector.extract_strided_slice %get3A_1 {offsets = [0, 60160], sizes = [32, 128], strides = [1, 1]} : vector<32x65536xf32> to vector<32x128xf32>
    %slice3A_704 = vector.extract_strided_slice %get3A_1 {offsets = [0, 60288], sizes = [32, 128], strides = [1, 1]} : vector<32x65536xf32> to vector<32x128xf32>
    %concatenate3A_705 = tpu.concatenate %slice3A_701, %slice3A_702, %slice3A_703, %slice3A_704 in 0 : vector<32x128xf32>, vector<32x128xf32>, vector<32x128xf32>, vector<32x128xf32> -> vector<128x128xf32>
    %transpose3A_706 = tpu.transpose %concatenate3A_705, [1, 0] : vector<128x128xf32> -> vector<128x128xf32>
    %slice3A_707 = vector.extract_strided_slice %get3A_1 {offsets = [0, 60416], sizes = [32, 128], strides = [1, 1]} : vector<32x65536xf32> to vector<32x128xf32>
    %slice3A_708 = vector.extract_strided_slice %get3A_1 {offsets = [0, 60544], sizes = [32, 128], strides = [1, 1]} : vector<32x65536xf32> to vector<32x128xf32>
    %slice3A_709 = vector.extract_strided_slice %get3A_1 {offsets = [0, 60672], sizes = [32, 128], strides = [1, 1]} : vector<32x65536xf32> to vector<32x128xf32>
    %slice3A_710 = vector.extract_strided_slice %get3A_1 {offsets = [0, 60800], sizes = [32, 128], strides = [1, 1]} : vector<32x65536xf32> to vector<32x128xf32>
    %concatenate3A_711 = tpu.concatenate %slice3A_707, %slice3A_708, %slice3A_709, %slice3A_710 in 0 : vector<32x128xf32>, vector<32x128xf32>, vector<32x128xf32>, vector<32x128xf32> -> vector<128x128xf32>
    %transpose3A_712 = tpu.transpose %concatenate3A_711, [1, 0] : vector<128x128xf32> -> vector<128x128xf32>
    %slice3A_713 = vector.extract_strided_slice %get3A_1 {offsets = [0, 60928], sizes = [32, 128], strides = [1, 1]} : vector<32x65536xf32> to vector<32x128xf32>
    %slice3A_714 = vector.extract_strided_slice %get3A_1 {offsets = [0, 61056], sizes = [32, 128], strides = [1, 1]} : vector<32x65536xf32> to vector<32x128xf32>
    %slice3A_715 = vector.extract_strided_slice %get3A_1 {offsets = [0, 61184], sizes = [32, 128], strides = [1, 1]} : vector<32x65536xf32> to vector<32x128xf32>
    %slice3A_716 = vector.extract_strided_slice %get3A_1 {offsets = [0, 61312], sizes = [32, 128], strides = [1, 1]} : vector<32x65536xf32> to vector<32x128xf32>
    %concatenate3A_717 = tpu.concatenate %slice3A_713, %slice3A_714, %slice3A_715, %slice3A_716 in 0 : vector<32x128xf32>, vector<32x128xf32>, vector<32x128xf32>, vector<32x128xf32> -> vector<128x128xf32>
    %transpose3A_718 = tpu.transpose %concatenate3A_717, [1, 0] : vector<128x128xf32> -> vector<128x128xf32>
    %slice3A_719 = vector.extract_strided_slice %get3A_1 {offsets = [0, 61440], sizes = [32, 128], strides = [1, 1]} : vector<32x65536xf32> to vector<32x128xf32>
    %slice3A_720 = vector.extract_strided_slice %get3A_1 {offsets = [0, 61568], sizes = [32, 128], strides = [1, 1]} : vector<32x65536xf32> to vector<32x128xf32>
    %slice3A_721 = vector.extract_strided_slice %get3A_1 {offsets = [0, 61696], sizes = [32, 128], strides = [1, 1]} : vector<32x65536xf32> to vector<32x128xf32>
    %slice3A_722 = vector.extract_strided_slice %get3A_1 {offsets = [0, 61824], sizes = [32, 128], strides = [1, 1]} : vector<32x65536xf32> to vector<32x128xf32>
    %concatenate3A_723 = tpu.concatenate %slice3A_719, %slice3A_720, %slice3A_721, %slice3A_722 in 0 : vector<32x128xf32>, vector<32x128xf32>, vector<32x128xf32>, vector<32x128xf32> -> vector<128x128xf32>
    %transpose3A_724 = tpu.transpose %concatenate3A_723, [1, 0] : vector<128x128xf32> -> vector<128x128xf32>
    %slice3A_725 = vector.extract_strided_slice %get3A_1 {offsets = [0, 61952], sizes = [32, 128], strides = [1, 1]} : vector<32x65536xf32> to vector<32x128xf32>
    %slice3A_726 = vector.extract_strided_slice %get3A_1 {offsets = [0, 62080], sizes = [32, 128], strides = [1, 1]} : vector<32x65536xf32> to vector<32x128xf32>
    %slice3A_727 = vector.extract_strided_slice %get3A_1 {offsets = [0, 62208], sizes = [32, 128], strides = [1, 1]} : vector<32x65536xf32> to vector<32x128xf32>
    %slice3A_728 = vector.extract_strided_slice %get3A_1 {offsets = [0, 62336], sizes = [32, 128], strides = [1, 1]} : vector<32x65536xf32> to vector<32x128xf32>
    %concatenate3A_729 = tpu.concatenate %slice3A_725, %slice3A_726, %slice3A_727, %slice3A_728 in 0 : vector<32x128xf32>, vector<32x128xf32>, vector<32x128xf32>, vector<32x128xf32> -> vector<128x128xf32>
    %transpose3A_730 = tpu.transpose %concatenate3A_729, [1, 0] : vector<128x128xf32> -> vector<128x128xf32>
    %slice3A_731 = vector.extract_strided_slice %get3A_1 {offsets = [0, 62464], sizes = [32, 128], strides = [1, 1]} : vector<32x65536xf32> to vector<32x128xf32>
    %slice3A_732 = vector.extract_strided_slice %get3A_1 {offsets = [0, 62592], sizes = [32, 128], strides = [1, 1]} : vector<32x65536xf32> to vector<32x128xf32>
    %slice3A_733 = vector.extract_strided_slice %get3A_1 {offsets = [0, 62720], sizes = [32, 128], strides = [1, 1]} : vector<32x65536xf32> to vector<32x128xf32>
    %slice3A_734 = vector.extract_strided_slice %get3A_1 {offsets = [0, 62848], sizes = [32, 128], strides = [1, 1]} : vector<32x65536xf32> to vector<32x128xf32>
    %concatenate3A_735 = tpu.concatenate %slice3A_731, %slice3A_732, %slice3A_733, %slice3A_734 in 0 : vector<32x128xf32>, vector<32x128xf32>, vector<32x128xf32>, vector<32x128xf32> -> vector<128x128xf32>
    %transpose3A_736 = tpu.transpose %concatenate3A_735, [1, 0] : vector<128x128xf32> -> vector<128x128xf32>
    %slice3A_737 = vector.extract_strided_slice %get3A_1 {offsets = [0, 62976], sizes = [32, 128], strides = [1, 1]} : vector<32x65536xf32> to vector<32x128xf32>
    %slice3A_738 = vector.extract_strided_slice %get3A_1 {offsets = [0, 63104], sizes = [32, 128], strides = [1, 1]} : vector<32x65536xf32> to vector<32x128xf32>
    %slice3A_739 = vector.extract_strided_slice %get3A_1 {offsets = [0, 63232], sizes = [32, 128], strides = [1, 1]} : vector<32x65536xf32> to vector<32x128xf32>
    %slice3A_740 = vector.extract_strided_slice %get3A_1 {offsets = [0, 63360], sizes = [32, 128], strides = [1, 1]} : vector<32x65536xf32> to vector<32x128xf32>
    %concatenate3A_741 = tpu.concatenate %slice3A_737, %slice3A_738, %slice3A_739, %slice3A_740 in 0 : vector<32x128xf32>, vector<32x128xf32>, vector<32x128xf32>, vector<32x128xf32> -> vector<128x128xf32>
    %transpose3A_742 = tpu.transpose %concatenate3A_741, [1, 0] : vector<128x128xf32> -> vector<128x128xf32>
    %slice3A_743 = vector.extract_strided_slice %get3A_1 {offsets = [0, 63488], sizes = [32, 128], strides = [1, 1]} : vector<32x65536xf32> to vector<32x128xf32>
    %slice3A_744 = vector.extract_strided_slice %get3A_1 {offsets = [0, 63616], sizes = [32, 128], strides = [1, 1]} : vector<32x65536xf32> to vector<32x128xf32>
    %slice3A_745 = vector.extract_strided_slice %get3A_1 {offsets = [0, 63744], sizes = [32, 128], strides = [1, 1]} : vector<32x65536xf32> to vector<32x128xf32>
    %slice3A_746 = vector.extract_strided_slice %get3A_1 {offsets = [0, 63872], sizes = [32, 128], strides = [1, 1]} : vector<32x65536xf32> to vector<32x128xf32>
    %concatenate3A_747 = tpu.concatenate %slice3A_743, %slice3A_744, %slice3A_745, %slice3A_746 in 0 : vector<32x128xf32>, vector<32x128xf32>, vector<32x128xf32>, vector<32x128xf32> -> vector<128x128xf32>
    %transpose3A_748 = tpu.transpose %concatenate3A_747, [1, 0] : vector<128x128xf32> -> vector<128x128xf32>
    %slice3A_749 = vector.extract_strided_slice %get3A_1 {offsets = [0, 64000], sizes = [32, 128], strides = [1, 1]} : vector<32x65536xf32> to vector<32x128xf32>
    %slice3A_750 = vector.extract_strided_slice %get3A_1 {offsets = [0, 64128], sizes = [32, 128], strides = [1, 1]} : vector<32x65536xf32> to vector<32x128xf32>
    %slice3A_751 = vector.extract_strided_slice %get3A_1 {offsets = [0, 64256], sizes = [32, 128], strides = [1, 1]} : vector<32x65536xf32> to vector<32x128xf32>
    %slice3A_752 = vector.extract_strided_slice %get3A_1 {offsets = [0, 64384], sizes = [32, 128], strides = [1, 1]} : vector<32x65536xf32> to vector<32x128xf32>
    %concatenate3A_753 = tpu.concatenate %slice3A_749, %slice3A_750, %slice3A_751, %slice3A_752 in 0 : vector<32x128xf32>, vector<32x128xf32>, vector<32x128xf32>, vector<32x128xf32> -> vector<128x128xf32>
    %transpose3A_754 = tpu.transpose %concatenate3A_753, [1, 0] : vector<128x128xf32> -> vector<128x128xf32>
    %slice3A_755 = vector.extract_strided_slice %get3A_1 {offsets = [0, 64512], sizes = [32, 128], strides = [1, 1]} : vector<32x65536xf32> to vector<32x128xf32>
    %slice3A_756 = vector.extract_strided_slice %get3A_1 {offsets = [0, 64640], sizes = [32, 128], strides = [1, 1]} : vector<32x65536xf32> to vector<32x128xf32>
    %slice3A_757 = vector.extract_strided_slice %get3A_1 {offsets = [0, 64768], sizes = [32, 128], strides = [1, 1]} : vector<32x65536xf32> to vector<32x128xf32>
    %slice3A_758 = vector.extract_strided_slice %get3A_1 {offsets = [0, 64896], sizes = [32, 128], strides = [1, 1]} : vector<32x65536xf32> to vector<32x128xf32>
    %concatenate3A_759 = tpu.concatenate %slice3A_755, %slice3A_756, %slice3A_757, %slice3A_758 in 0 : vector<32x128xf32>, vector<32x128xf32>, vector<32x128xf32>, vector<32x128xf32> -> vector<128x128xf32>
    %transpose3A_760 = tpu.transpose %concatenate3A_759, [1, 0] : vector<128x128xf32> -> vector<128x128xf32>
    %slice3A_761 = vector.extract_strided_slice %get3A_1 {offsets = [0, 65024], sizes = [32, 128], strides = [1, 1]} : vector<32x65536xf32> to vector<32x128xf32>
    %slice3A_762 = vector.extract_strided_slice %get3A_1 {offsets = [0, 65152], sizes = [32, 128], strides = [1, 1]} : vector<32x65536xf32> to vector<32x128xf32>
    %slice3A_763 = vector.extract_strided_slice %get3A_1 {offsets = [0, 65280], sizes = [32, 128], strides = [1, 1]} : vector<32x65536xf32> to vector<32x128xf32>
    %slice3A_764 = vector.extract_strided_slice %get3A_1 {offsets = [0, 65408], sizes = [32, 128], strides = [1, 1]} : vector<32x65536xf32> to vector<32x128xf32>
    %concatenate3A_765 = tpu.concatenate %slice3A_761, %slice3A_762, %slice3A_763, %slice3A_764 in 0 : vector<32x128xf32>, vector<32x128xf32>, vector<32x128xf32>, vector<32x128xf32> -> vector<128x128xf32>
    %transpose3A_766 = tpu.transpose %concatenate3A_765, [1, 0] : vector<128x128xf32> -> vector<128x128xf32>
    %concatenate3A_767 = tpu.concatenate %transpose3A, %transpose3A_10, %transpose3A_16, %transpose3A_22, %transpose3A_28, %transpose3A_34, %transpose3A_40, %transpose3A_46, %transpose3A_52, %transpose3A_58, %transpose3A_64, %transpose3A_70, %transpose3A_76, %transpose3A_82, %transpose3A_88, %transpose3A_94, %transpose3A_100, %transpose3A_106, %transpose3A_112, %transpose3A_118, %transpose3A_124, %transpose3A_130, %transpose3A_136, %transpose3A_142, %transpose3A_148, %transpose3A_154, %transpose3A_160, %transpose3A_166, %transpose3A_172, %transpose3A_178, %transpose3A_184, %transpose3A_190, %transpose3A_196, %transpose3A_202, %transpose3A_208, %transpose3A_214, %transpose3A_220, %transpose3A_226, %transpose3A_232, %transpose3A_238, %transpose3A_244, %transpose3A_250, %transpose3A_256, %transpose3A_262, %transpose3A_268, %transpose3A_274, %transpose3A_280, %transpose3A_286, %transpose3A_292, %transpose3A_298, %transpose3A_304, %transpose3A_310, %transpose3A_316, %transpose3A_322, %transpose3A_328, %transpose3A_334, %transpose3A_340, %transpose3A_346, %transpose3A_352, %transpose3A_358, %transpose3A_364, %transpose3A_370, %transpose3A_376, %transpose3A_382, %transpose3A_388, %transpose3A_394, %transpose3A_400, %transpose3A_406, %transpose3A_412, %transpose3A_418, %transpose3A_424, %transpose3A_430, %transpose3A_436, %transpose3A_442, %transpose3A_448, %transpose3A_454, %transpose3A_460, %transpose3A_466, %transpose3A_472, %transpose3A_478, %transpose3A_484, %transpose3A_490, %transpose3A_496, %transpose3A_502, %transpose3A_508, %transpose3A_514, %transpose3A_520, %transpose3A_526, %transpose3A_532, %transpose3A_538, %transpose3A_544, %transpose3A_550, %transpose3A_556, %transpose3A_562, %transpose3A_568, %transpose3A_574, %transpose3A_580, %transpose3A_586, %transpose3A_592, %transpose3A_598, %transpose3A_604, %transpose3A_610, %transpose3A_616, %transpose3A_622, %transpose3A_628, %transpose3A_634, %transpose3A_640, %transpose3A_646, %transpose3A_652, %transpose3A_658, %transpose3A_664, %transpose3A_670, %transpose3A_676, %transpose3A_682, %transpose3A_688, %transpose3A_694, %transpose3A_700, %transpose3A_706, %transpose3A_712, %transpose3A_718, %transpose3A_724, %transpose3A_730, %transpose3A_736, %transpose3A_742, %transpose3A_748, %transpose3A_754, %transpose3A_760, %transpose3A_766 in 0 : vector<128x128xf32>, vector<128x128xf32>, vector<128x128xf32>, vector<128x128xf32>, vector<128x128xf32>, vector<128x128xf32>, vector<128x128xf32>, vector<128x128xf32>, vector<128x128xf32>, vector<128x128xf32>, vector<128x128xf32>, vector<128x128xf32>, vector<128x128xf32>, vector<128x128xf32>, vector<128x128xf32>, vector<128x128xf32>, vector<128x128xf32>, vector<128x128xf32>, vector<128x128xf32>, vector<128x128xf32>, vector<128x128xf32>, vector<128x128xf32>, vector<128x128xf32>, vector<128x128xf32>, vector<128x128xf32>, vector<128x128xf32>, vector<128x128xf32>, vector<128x128xf32>, vector<128x128xf32>, vector<128x128xf32>, vector<128x128xf32>, vector<128x128xf32>, vector<128x128xf32>, vector<128x128xf32>, vector<128x128xf32>, vector<128x128xf32>, vector<128x128xf32>, vector<128x128xf32>, vector<128x128xf32>, vector<128x128xf32>, vector<128x128xf32>, vector<128x128xf32>, vector<128x128xf32>, vector<128x128xf32>, vector<128x128xf32>, vector<128x128xf32>, vector<128x128xf32>, vector<128x128xf32>, vector<128x128xf32>, vector<128x128xf32>, vector<128x128xf32>, vector<128x128xf32>, vector<128x128xf32>, vector<128x128xf32>, vector<128x128xf32>, vector<128x128xf32>, vector<128x128xf32>, vector<128x128xf32>, vector<128x128xf32>, vector<128x128xf32>, vector<128x128xf32>, vector<128x128xf32>, vector<128x128xf32>, vector<128x128xf32>, vector<128x128xf32>, vector<128x128xf32>, vector<128x128xf32>, vector<128x128xf32>, vector<128x128xf32>, vector<128x128xf32>, vector<128x128xf32>, vector<128x128xf32>, vector<128x128xf32>, vector<128x128xf32>, vector<128x128xf32>, vector<128x128xf32>, vector<128x128xf32>, vector<128x128xf32>, vector<128x128xf32>, vector<128x128xf32>, vector<128x128xf32>, vector<128x128xf32>, vector<128x128xf32>, vector<128x128xf32>, vector<128x128xf32>, vector<128x128xf32>, vector<128x128xf32>, vector<128x128xf32>, vector<128x128xf32>, vector<128x128xf32>, vector<128x128xf32>, vector<128x128xf32>, vector<128x128xf32>, vector<128x128xf32>, vector<128x128xf32>, vector<128x128xf32>, vector<128x128xf32>, vector<128x128xf32>, vector<128x128xf32>, vector<128x128xf32>, vector<128x128xf32>, vector<128x128xf32>, vector<128x128xf32>, vector<128x128xf32>, vector<128x128xf32>, vector<128x128xf32>, vector<128x128xf32>, vector<128x128xf32>, vector<128x128xf32>, vector<128x128xf32>, vector<128x128xf32>, vector<128x128xf32>, vector<128x128xf32>, vector<128x128xf32>, vector<128x128xf32>, vector<128x128xf32>, vector<128x128xf32>, vector<128x128xf32>, vector<128x128xf32>, vector<128x128xf32>, vector<128x128xf32>, vector<128x128xf32>, vector<128x128xf32>, vector<128x128xf32>, vector<128x128xf32>, vector<128x128xf32>, vector<128x128xf32>, vector<128x128xf32> -> vector<16384x128xf32>
    %reshape3A = vector.shape_cast %concatenate3A_767 : vector<16384x128xf32> to vector<2097152xf32>
    %swap3A = arith.constant 0 : index
    %swap3A_768 = vector.load %arg2[%swap3A] : memref<2097152xf32, #tpu.memory_space<vmem>>, vector<2097152xf32>
    tpu.vector_store %arg2[%swap3A], %reshape3A {strides = array<i32>} : memref<2097152xf32, #tpu.memory_space<vmem>>, vector<2097152xf32>,
    return
  }
  func.func @transform_0(%arg0: i32) -> (i32, i32) {
    %c0_i32 = arith.constant 0 : i32
    %c0_i32_0 = arith.constant 0 : i32
    return %c0_i32, %arg0 : i32, i32
  }
  func.func @transform_1(%arg0: i32) -> i32 {
    %c0_i32 = arith.constant 0 : i32
    return %arg0 : i32
  }
}

</mosaic_0001>

<sc_bundles>
// kernel: kernel.4.cloned.1.call-start
scs
__scs_entry_jumppad:
0x0: {  	(pc) =	sbr.rel $0x88, $3  }
0x1: {  	(tag) =	ssettag $0x0;
	lr =	simm.s32 $0x1  }
0x2: {  	[smem:$0x3F9E] =	sst lr;
	_ =	strace $0xD0000000  }
0x3: {  	_ = 	snop  }
0x4: {  	_ = 	snop  }
0x5: {  	_ = 	snop  }
0x6: {  	_ = 	snop  }
0x7: {  	_ = 	snop  }
__scs_overlays_trampoline_lowered:
0x8: {  	[smem:$0x3FAD] =	sst s0  }
0x9: {  	[smem:$0x3FAE] =	sst s1  }
0xa: {  	[smem:$0x3FAF] =	sst s2  }
0xb: {  	[smem:$0x3FB0] =	sst s3  }
0xc: {  	[smem:$0x3FB1] =	sst s4  }
0xd: {  	[smem:$0x3FB2] =	sst s5  }
0xe: {  	[smem:$0x3FB3] =	sst s6  }
0xf: {  	[smem:$0x3FB4] =	sst s7  }
0x10: {  	[smem:$0x3FB5] =	sst s8  }
0x11: {  	[smem:$0x3FB6] =	sst s9;
	s0 =	simm.s32 @!p0 $0x0  }
0x12: {  	s1 =	sld [smem:$0x3F9C];
	s0 =	simm.s32 @p0 $0x1  }
0x13: {  	[smem:$0x3FB7] =	sst s0;
	s0 =	simm.s32 @!p1 $0x0  }
0x14: {  	s2 =	sld [smem:$0x3F9B];
	s0 =	simm.s32 @p1 $0x1  }
0x15: {  	[smem:$0x3FB8] =	sst s0;
	s0 =	simm.s32 @!p2 $0x0  }
0x16: {  	s3 =	sld [smem:$0x3FDB];
	s0 =	simm.s32 @p2 $0x1  }
0x17: {  	s4 =	simm.s32 $0x1BF5;
	[smem:$0x3FBA] =	sst s0  }
0x18: {  	s0 =	sld [smem:$0x3F9D];
	_ =	swait.ge [sflag:s4], $0x0  }
0x19: {  	s7 =	sld [smem:$0x3F9E]  }
0x1a: {  	s8 =	sadd.s32 $0xFFFFE003, lr  }
0x1b: {  	s9 =	sadd.s32 $0xFFFFFEF7, lr;
	s5 =	simm.s32 $0xFFFFFFFF;
	p2 =	slt.u32 s8, $0xFFFFF086  }
0x1c: {  	p1 =	slt.u32 s9, $0xF7A;
	s5 =	simm.s32 @!p2 $0x0  }
0x1d: {  	s5 =	simm.s32 @p1 $0x1;
	p0 =	seq.s32 s7, s2  }
0x1e: {  	s7 =	smul.u32 @!p0 $0xF7A, s2;
	p2 =	seq.s32 @!p0 s5, $0x0  }
0x1f: {  	s9 =	smul.u32 $0xF7A, s1;
	s8 =	simm.s32 @!p0 $0x1BF5;
	p2 =	por !p2, p0  }
0x20: {  	[sflag:s8] =	ssyncset.s32 @!p0 $0xFFFFF086;
	s6 =	sadd.s32 @!p0 s3, s7;
	s7 =	simm.s32 @!p0 $0x108  }
0x21: {  	s3 =	sadd.s32 s3, s9;
	s6 =	sadd.s32 @!p0 $0x88, s6;
	s7 =	simm.s32 @p2 $0x1082  }
0x22: {  	[simem:s7], [sflag:s8] =	dma.local @!p0 [hbm:s6], $0xF7A  }
0x23: {  	s9 =	sor.u32 $0xD0000000, s2;
	s6 =	simm.s32 $0x108;
	_ =	swait.ge @!p0 [sflag:s8], $0x0  }
0x24: {  	s3 =	sadd.s32 $0x88, s3;
	s6 =	simm.s32 @!p1 $0x1082;
	[sflag:s4] =	ssyncset.s32 $0xFFFFF086  }
0x25: {  	[simem:s6], [sflag:s4] =	dma.local [hbm:s3], $0xF7A  }
0x26: {  	[smem:$0x3F9E] =	sst s1;
	(tag) =	ssettag s2;
	_ =	strace s9  }
0x27: {  	s1 =	sld [smem:$0x3FAE]  }
0x28: {  	s2 =	sld [smem:$0x3FAF]  }
0x29: {  	s4 =	sld [smem:$0x3FB1]  }
0x2a: {  	p0 =	seq.s32 s5, $0x0;
	s5 =	sld [smem:$0x3FB2]  }
0x2b: {  	s6 =	sld [smem:$0x3FB3]  }
0x2c: {  	s7 =	sld [smem:$0x3FB4]  }
0x2d: {  	s3 =	simm.s32 $0x108;
	s8 =	sld [smem:$0x3FB5]  }
0x2e: {  	s3 =	simm.s32 @!p0 $0x1082;
	s9 =	sld [smem:$0x3FB6]  }
0x2f: {  	lr =	sadd.s32 s0, s3;
	s0 =	sld [smem:$0x3FAD]  }
0x30: {  	s3 =	sld [smem:$0x3FB0]  }
0x31: {  	[smem:$0x3FB9] =	sst s10  }
0x32: {  	s10 =	sld [smem:$0x3FB7];
	_ =	sdelay $0x3  }
0x33: {  	p0 =	seq.s32 s10, $0x1;
	s10 =	sld [smem:$0x3FB9];
	_ =	sdelay $0x3  }
0x34: {  	[smem:$0x3FB9] =	sst s10  }
0x35: {  	s10 =	sld [smem:$0x3FB8];
	_ =	sdelay $0x3  }
0x36: {  	p1 =	seq.s32 s10, $0x1;
	s10 =	sld [smem:$0x3FB9];
	_ =	sdelay $0x3  }
0x37: {  	[smem:$0x3FB9] =	sst s10  }
0x38: {  	s10 =	sld [smem:$0x3FBA]  }
0x39: {  	_ = 	snop;
	(pc) =	sbr.ind lr, $3  }
0x3a: {  	_ = 	snop  }
0x3b: {  	_ = 	snop  }
0x3c: {  	p2 =	seq.s32 s10, $0x1;
	s10 =	sld [smem:$0x3FB9]  }
0x3d: {  	_ =	shalt  }
0x3e: {  	_ =	shalt  }
0x3f: {  	_ =	shalt  }
0x40: {  	_ =	shalt  }
0x41: {  	_ =	shalt  }
0x42: {  	_ =	shalt  }
0x43: {  	_ =	shalt  }
0x44: {  	_ =	shalt  }
0x45: {  	_ =	shalt  }
0x46: {  	_ =	shalt  }
0x47: {  	_ =	shalt  }
0x48: {  	_ =	shalt  }
0x49: {  	_ =	shalt  }
0x4a: {  	_ =	shalt  }
0x4b: {  	_ =	shalt  }
0x4c: {  	_ =	shalt  }
0x4d: {  	_ =	shalt  }
0x4e: {  	_ =	shalt  }
0x4f: {  	_ =	shalt  }
0x50: {  	_ =	shalt  }
0x51: {  	_ =	shalt  }
0x52: {  	_ =	shalt  }
0x53: {  	_ =	shalt  }
0x54: {  	_ =	shalt  }
0x55: {  	_ =	shalt  }
0x56: {  	_ =	shalt  }
0x57: {  	_ =	shalt  }
0x58: {  	_ =	shalt  }
0x59: {  	_ =	shalt  }
0x5a: {  	_ =	shalt  }
0x5b: {  	_ =	shalt  }
0x5c: {  	_ =	shalt  }
0x5d: {  	_ =	shalt  }
0x5e: {  	_ =	shalt  }
0x5f: {  	_ =	shalt  }
0x60: {  	_ =	shalt  }
0x61: {  	_ =	shalt  }
0x62: {  	_ =	shalt  }
0x63: {  	_ =	shalt  }
0x64: {  	_ =	shalt  }
0x65: {  	_ =	shalt  }
0x66: {  	_ =	shalt  }
0x67: {  	_ =	shalt  }
0x68: {  	_ =	shalt  }
0x69: {  	_ =	shalt  }
0x6a: {  	_ =	shalt  }
0x6b: {  	_ =	shalt  }
0x6c: {  	_ =	shalt  }
0x6d: {  	_ =	shalt  }
0x6e: {  	_ =	shalt  }
0x6f: {  	_ =	shalt  }
0x70: {  	_ =	shalt  }
0x71: {  	_ =	shalt  }
0x72: {  	_ =	shalt  }
0x73: {  	_ =	shalt  }
0x74: {  	_ =	shalt  }
0x75: {  	_ =	shalt  }
0x76: {  	_ =	shalt  }
0x77: {  	_ =	shalt  }
0x78: {  	_ =	shalt  }
0x79: {  	_ =	shalt  }
0x7a: {  	_ =	shalt  }
0x7b: {  	_ =	shalt  }
0x7c: {  	_ =	shalt  }
0x7d: {  	_ =	shalt  }
0x7e: {  	_ =	shalt  }
0x7f: {  	_ =	shalt  }
0x80: {  	_ =	shalt  }
0x81: {  	_ =	shalt  }
0x82: {  	_ =	shalt  }
0x83: {  	_ =	shalt  }
0x84: {  	_ =	shalt  }
0x85: {  	_ =	shalt  }
0x86: {  	_ =	shalt  }
0x87: {  	_ =	shalt  }
.Lfunc_end0:
.L_simem_size_0:
called_computation_lowered:
.L_overlay_start_0:
0x88: {  	s2 =	sld [smem:$0x3FD9]  }
0x89: {  	s3 =	sld [smem:$0x3FFE];
	_ =	sdelay $0x1  }
0x8a: {  	s1 =	srdreg.scid  }
0x8b: {  	s0 =	sand.u32 $0x1, s1  }
0x8c: {  	s17 =	sshll.u32 s0, $0xA;
	s2 =	sadd.s32 s3, s2  }
0x8d: {  	s2 =	sadd.s32 s2, s17  }
0x8e: {  	[smem:$0x3FC5] =	sst s2  }
0x8f: {  	_ = 	snop  }
0x90: {  	s2 =	sld [smem:$0x3FC8]  }
0x91: {  	s18 =	sld [smem:$0x3FD0];
	(tm) =	ssettm $0x1  }
0x92: {  	s4 =	sld [smem:$0x3FFB];
	_ =	sdelay $0x3  }
0x93: {  	_ =	strace s4  }
0x94: {  	s4 =	sld [smem:$0x3FFC];
	_ =	sdelay $0x3  }
0x95: {  	_ =	strace s4  }
0x96: {  	s4 =	sld [smem:$0x3FFD];
	_ =	sdelay $0x3  }
0x97: {  	_ =	strace s4  }
0x98: {  	_ =	strace $0x8FFFFFFF  }
0x99: {  	s19 =	sld [smem:$0x3FDB];
	_ =	sdelay $0x1  }
0x9a: {  	s5 =	simm.s32 $_scs_section_size  }
0x9b: {  	s6 =	simm.s32 $_size__tile_overlayer_lowered;
	s7 =	simm.s32 $_tile_overlayer_lowered  }
0x9c: {  	s22 =	simm.s32 $0x1BFF;
	s21 =	sshll.u32 s7, $0x1;
	s4 =	sadd.s32 s5, s19  }
0x9d: {  	s8 =	simm.s32 $0x0;
	s20 =	sshll.u32 s6, $0x1;
	s6 =	sadd.s32 s21, s4  }
0x9e: {  	[timem:s8], [sflag:s22] =	dma.local [hbm:s6], s20  }
0x9f: {  	_ =	swait.ge [sflag:s22], s20  }
0xa0: {  	s5 =	ssub.s32 $0x0, s20;
	[sflag:s22] =	ssyncset.done $0x0  }
0xa1: {  	[sflag:s22] =	ssyncadd.s32 s5;
	_ =	sdelay $0x1  }
0xa2: {  	s23 =	simm.s32 $0x1B8B  }
0xa3: {  	_ =	swait.ge [sflag:s23], $0x1  }
0xa4: {  	[sflag:s23] =	ssyncset.done $0x0  }
0xa5: {  	s25 =	simm.s32 $0x1B8E;
	s24 =	sld [smem:$0x3FFE];
	[sflag:s23] =	ssyncadd.s32 $0xFFFFFFFF  }
0xa6: {  	s26 =	simm.s32 $execute0_lowered;
	[smem:$0x3FD2] =	sst s25  }
0xa7: {  	s6 =	sshll.u32 s26, $0x1;
	_ =	strace $0x80000046;
	[dreg:$0x1] =	wrdreg $0xFFFFFFFF  }
0xa8: {  	s28 =	simm.s32 $_size_execute0_lowered;
	s4 =	sadd.s32 s4, s6;
	[dreg:$0x0] =	wrdreg $0x0  }
0xa9: {  	s6 =	sshll.u32 s28, $0x1;
	[dreg:$0x2] =	wrdreg s4  }
0xaa: {  	[dreg:$0x3] =	wrdreg s6  }
0xab: {  	[dreg:$0x4] =	wrdreg $0xC0  }
0xac: {  	_ =	task [dreg:s8], $0x5FFFF  }
0xad: {  	[dreg:$0x1] =	wrdreg $0xFFFFFFFF  }
0xae: {  	[dreg:$0x0] =	wrdreg $0x60  }
0xaf: {  	[dreg:$0x2] =	wrdreg s24  }
0xb0: {  	[dreg:$0x3] =	wrdreg s2  }
0xb1: {  	[dreg:$0x4] =	wrdreg s18  }
0xb2: {  	[dreg:$0x5] =	wrdreg $0x9  }
0xb3: {  	_ =	task.clear_ibuf [dreg:s8], $0x6FFFF;
	_ =	strace $0x90000046  }
0xb4: {  	s29 =	simm.s32 $0x9;
	_ =	strace $0x80000048  }
0xb5: {  	_ =	swait.ge [sflag:s29], $0x1  }
0xb6: {  	[sflag:s29] =	ssyncadd.s32 $0xFFFFFFFF  }
0xb7: {  	_ =	strace $0x90000048  }
0xb8: {  	_ =	sfence  }
0xb9: {  	s30 =	sld [smem:$0x0];
	_ =	sdelay $0x2  }
0xba: {  	s31 =	sshll.u32 s1, $0xD;
	s1 =	sshrl.u32 s1, $0x2  }
0xbb: {  	s3 =	sand.u32 $0x4000, s31;
	s1 =	sadd.s32 s1, s30  }
0xbc: {  	s0 =	sor.u32 s3, s0;
	s1 =	sshll.u32 s1, $0x11  }
0xbd: {  	s0 =	sor.u32 s1, s0  }
0xbe: {  	s0 =	sadd.s32 $0x8F2B, s0  }
0xbf: {  	[sflag:s0] =	ssyncadd.remote.s32 $0x1  }
0xc0: {  	_ =	sfence.sel $0xFFFF  }
0xc1: {  	[dreg:$0x0] =	wrdreg $0xFFFFFFFF;
	(pc) =	sbr.abs _section_cstart, $3  }
0xc2: {  	[dreg:$0x1] =	wrdreg $0xFFFFFFFF  }
0xc3: {  	_ =	task.clear_ibuf [dreg:s8], $0x2FFFF;
	_ =	strace $0x9FFFFFFF  }
0xc4: {  	(tm) =	ssettm $0x7FFFFFFF  }
0xc5: {  	_ =	shalt  }
tec
execute0_lowered:
.L_overlay_start_1:
0x0: {  	(tag) =	ssettag $0x1  }
0x1: {  	s0 =	rddreg [dreg:$0x0]  }
0x2: {  	s1 =	rddreg [dreg:$0x1]  }
0x3: {  	s3 =	srdreg.scid;
	s5 =	stileid.u32  }
0x4: {  	s2 =	rddreg [dreg:$0x2];
	s11 =	simm.s32 $0x80;
	s12 =	simm.s32 $0x40  }
0x5: {  	s18 =	simm.s32 $0x15E00;
	s19 =	simm.s32 $0x16E00;
	s20 =	simm.s32 $0x17E00  }
0x6: {  	s21 =	simm.s32 $0x18E00;
	s22 =	simm.s32 $0x19E00;
	s23 =	simm.s32 $0x1AE00  }
0x7: {  	s24 =	simm.s32 $0x1BE00;
	s28 =	simm.s32 $0x1EE00;
	s29 =	simm.s32 $0x1  }
0x8: {  	s30 =	simm.s32 $0x1F600;
	s4 =	sand.u32 $0x1, s3;
	s5 =	sshll.u32 s5, $0x1  }
0x9: {  	s31 =	simm.s32 $0x2;
	s3 =	simm.s32 $0x0;
	s6 =	sor.u32 s4, s5  }
0xa: {  	[smem:$0x7FF] =	sst s3;
	s7 =	ssub.s32 $0x2, s4;
	s5 =	smul.u32 $0xC80, s6  }
0xb: {  	s4 =	sadd.s32 $0x19400, s0;
	_ =	strace $0x80000047;
	s8 =	sshrl.u32 s7, $0x1  }
0xc: {  	s25 =	ssub.s32 s7, s8;
	s9 =	sadd.s32 s5, s0;
	s5 =	sshll.u32 s6, $0x9  }
0xd: {  	s6 =	sshll.u32 s6, $0x6;
	s0 =	smax.u32 s25, $0x1;
	s25 =	simm.s32 $0x1CE00  }
0xe: {  	s26 =	sadd.s32 $0x400, s9;
	s1 =	sadd.s32 s1, s6;
	[dreg:$0x6] =	wrdreg s0  }
0xf: {  	s9 =	simm.s32 $0x3;
	s6 =	simm.s32 $0x0;
	[dreg:$0x4] =	wrdreg s26  }
0x10: {  	[dreg:$0x5] =	wrdreg s1;
	s26 =	simm.s32 $0x1DE00;
	s1 =	simm.s32 $0x1FA00  }
.LBB2_1:
0x11: {  	[dreg:$0x7] =	wrdreg s6  }
0x12: {  	s0 =	rddreg [dreg:$0x4]  }
0x13: {  	[tilespmem:s3], [sflag:$0x3] =	stream.linear.gather [hbm4b:s0+s3], $0x6400, $0x38;
	[tilespmem:$0x1FE00] =	vst v63  }
0x14: {  	_ =	swait.ge [sflag:s9], $0x6400  }
0x15: {  	[sflag:s9] =	ssyncset.done $0x0  }
0x16: {  	s17 =	simm.s32 $0x6400;
	s16 =	rddreg [dreg:$0x5];
	[sflag:s9] =	ssyncadd.s32 $0xFFFF9C00  }
0x17: {  	[tilespmem:s17], [sflag:$0x3] =	stream.linear.gather [hbm4b:s16+s3], $0x200, $0x38;
	[tilespmem:$0x1FE00] =	vst v63  }
0x18: {  	_ =	swait.ge [sflag:s9], $0x200  }
0x19: {  	[sflag:s9] =	ssyncset.done $0x0  }
0x1a: {  	s6 =	simm.s32 $0x40;
	s0 =	simm.s32 $0x0;
	[sflag:s9] =	ssyncadd.s32 $0xFFFFFE00  }
.LBB2_2:
0x1b: {  	p0 =	sne.s32 s6, $0x18FC0;
	v0 =	vld [tilespmem:s0+$0x0];
	_ =	sdelay $0x4  }
.Ltmp0:
0x1c: {  	v1 =	vshll.u32 v0, $0x2;
	(pc) =	sbr.rel @p0 .LBB2_2-.Ltmp0, $4  }
0x1d: {  	v2 =	vand.u32 $0xFFFFFE00, v0;
	v0 =	vshrl.u32 v0, $0x7;
	v1 =	vand.u32 $0x1FC, v1  }
0x1e: {  	v0 =	vand.u32 $0x3, v0;
	v1 =	vor.u32 v2, v1  }
0x1f: {  	v0 =	vor.u32 v0, v1  }
0x20: {  	[tilespmem:s0+$0x0] =	vst v0;
	s0 =	sshra.s32 s6, $0x2;
	s6 =	sadd.s32 $0x40, s6  }
0x21: {  	v0 =	vld [tilespmem:s0+$0x0];
	_ =	sdelay $0x4  }
0x22: {  	v1 =	vshll.u32 v0, $0x2  }
0x23: {  	v2 =	vand.u32 $0xFFFFFE00, v0;
	v0 =	vshrl.u32 v0, $0x7;
	v1 =	vand.u32 $0x1FC, v1  }
0x24: {  	v0 =	vand.u32 $0x3, v0;
	v1 =	vor.u32 v2, v1  }
0x25: {  	v0 =	vor.u32 v0, v1  }
0x26: {  	s10 =	simm.s32 $0x0;
	s7 =	simm.s32 $0x6600;
	[tilespmem:s0+$0x0] =	vst v0  }
0x27: {  	[tilespmem:s7], [sflag:$0x1] =	stream.indirect.gather [hbm4b:s4+s11], $0x20, s10, s11, $0xb8;
	[tilespmem:$0x1FE00] =	vst v63  }
0x28: {  	s8 =	simm.s32 $0x7600  }
0x29: {  	[tilespmem:s8], [sflag:$0x1] =	stream.indirect.gather [hbm4b:s4+s11], $0x20, s11, s11, $0xb8;
	[tilespmem:$0x1FE00] =	vst v63  }
0x2a: {  	s13 =	simm.s32 $0x100;
	s6 =	simm.s32 $0x8600  }
0x2b: {  	[tilespmem:s6], [sflag:$0x1] =	stream.indirect.gather [hbm4b:s4+s11], $0x20, s13, s11, $0xb8;
	[tilespmem:$0x1FE00] =	vst v63  }
0x2c: {  	s14 =	simm.s32 $0x180;
	s15 =	simm.s32 $0x9600  }
0x2d: {  	[tilespmem:s15], [sflag:$0x1] =	stream.indirect.gather [hbm4b:s4+s11], $0x20, s14, s11, $0xb8;
	[tilespmem:$0x1FE00] =	vst v63  }
0x2e: {  	s16 =	simm.s32 $0x200;
	s17 =	simm.s32 $0xA600  }
0x2f: {  	[tilespmem:s17], [sflag:$0x1] =	stream.indirect.gather [hbm4b:s4+s11], $0x20, s16, s11, $0xb8;
	[tilespmem:$0x1FE00] =	vst v63  }
0x30: {  	s7 =	simm.s32 $0xB600;
	s6 =	simm.s32 $0x280  }
0x31: {  	[tilespmem:s7], [sflag:$0x1] =	stream.indirect.gather [hbm4b:s4+s11], $0x20, s6, s11, $0xb8;
	[tilespmem:$0x1FE00] =	vst v63  }
0x32: {  	s8 =	simm.s32 $0x300;
	s13 =	simm.s32 $0xC600  }
0x33: {  	[tilespmem:s13], [sflag:$0x1] =	stream.indirect.gather [hbm4b:s4+s11], $0x20, s8, s11, $0xb8;
	[tilespmem:$0x1FE00] =	vst v63  }
0x34: {  	s14 =	simm.s32 $0x380;
	s15 =	simm.s32 $0xD600  }
0x35: {  	[tilespmem:s15], [sflag:$0x1] =	stream.indirect.gather [hbm4b:s4+s11], $0x20, s14, s11, $0xb8;
	[tilespmem:$0x1FE00] =	vst v63  }
0x36: {  	s16 =	simm.s32 $0x400;
	s17 =	simm.s32 $0xE600  }
0x37: {  	[tilespmem:s17], [sflag:$0x1] =	stream.indirect.gather [hbm4b:s4+s11], $0x20, s16, s11, $0xb8;
	[tilespmem:$0x1FE00] =	vst v63  }
0x38: {  	s6 =	simm.s32 $0x480;
	s7 =	simm.s32 $0xF600  }
0x39: {  	[tilespmem:s7], [sflag:$0x1] =	stream.indirect.gather [hbm4b:s4+s11], $0x20, s6, s11, $0xb8;
	[tilespmem:$0x1FE00] =	vst v63  }
0x3a: {  	s8 =	simm.s32 $0x500;
	s13 =	simm.s32 $0x10600  }
0x3b: {  	[tilespmem:s13], [sflag:$0x1] =	stream.indirect.gather [hbm4b:s4+s11], $0x20, s8, s11, $0xb8;
	[tilespmem:$0x1FE00] =	vst v63  }
0x3c: {  	s14 =	simm.s32 $0x580;
	s15 =	simm.s32 $0x11600  }
0x3d: {  	[tilespmem:s15], [sflag:$0x1] =	stream.indirect.gather [hbm4b:s4+s11], $0x20, s14, s11, $0xb8;
	[tilespmem:$0x1FE00] =	vst v63  }
0x3e: {  	s16 =	simm.s32 $0x600;
	s17 =	simm.s32 $0x12600  }
0x3f: {  	[tilespmem:s17], [sflag:$0x1] =	stream.indirect.gather [hbm4b:s4+s12], $0x20, s16, s12, $0xb8;
	[tilespmem:$0x1FE00] =	vst v63  }
.LBB2_4:
0x40: {  	s13 =	sshllo.u32 s10, $0x1  }
0x41: {  	s0 =	smul.u32 $0x1900, s13;
	_ =	sdelay $0x1  }
0x42: {  	s6 =	simm.s32 $0x12E00;
	s0 =	sshra.s32 s0, $0x2  }
0x43: {  	[tilespmem:s6], [sflag:$0x2] =	stream.indirect.gather [hbm4b:s4+s11], $0x20, s0, s11, $0xb8;
	[tilespmem:$0x1FE00] =	vst v63  }
0x44: {  	s7 =	simm.s32 $0x13E00;
	s17 =	sadd.s32 $0x80, s0  }
0x45: {  	[tilespmem:s7], [sflag:$0x2] =	stream.indirect.gather [hbm4b:s4+s11], $0x20, s17, s11, $0xb8;
	[tilespmem:$0x1FE00] =	vst v63  }
0x46: {  	s14 =	simm.s32 $0x14E00;
	s8 =	sadd.s32 $0x100, s0  }
0x47: {  	[tilespmem:s14], [sflag:$0x2] =	stream.indirect.gather [hbm4b:s4+s11], $0x20, s8, s11, $0xb8;
	[tilespmem:$0x1FE00] =	vst v63  }
0x48: {  	s15 =	sadd.s32 $0x180, s0  }
0x49: {  	[tilespmem:s18], [sflag:$0x2] =	stream.indirect.gather [hbm4b:s4+s11], $0x20, s15, s11, $0xb8;
	[tilespmem:$0x1FE00] =	vst v63  }
0x4a: {  	s16 =	sadd.s32 $0x200, s0  }
0x4b: {  	[tilespmem:s19], [sflag:$0x2] =	stream.indirect.gather [hbm4b:s4+s11], $0x20, s16, s11, $0xb8;
	[tilespmem:$0x1FE00] =	vst v63  }
0x4c: {  	s17 =	sadd.s32 $0x280, s0  }
0x4d: {  	[tilespmem:s20], [sflag:$0x2] =	stream.indirect.gather [hbm4b:s4+s11], $0x20, s17, s11, $0xb8;
	[tilespmem:$0x1FE00] =	vst v63  }
0x4e: {  	s7 =	sadd.s32 $0x300, s0  }
0x4f: {  	[tilespmem:s21], [sflag:$0x2] =	stream.indirect.gather [hbm4b:s4+s11], $0x20, s7, s11, $0xb8;
	[tilespmem:$0x1FE00] =	vst v63  }
0x50: {  	s8 =	sadd.s32 $0x380, s0  }
0x51: {  	[tilespmem:s22], [sflag:$0x2] =	stream.indirect.gather [hbm4b:s4+s11], $0x20, s8, s11, $0xb8;
	[tilespmem:$0x1FE00] =	vst v63  }
0x52: {  	s14 =	sadd.s32 $0x400, s0  }
0x53: {  	[tilespmem:s23], [sflag:$0x2] =	stream.indirect.gather [hbm4b:s4+s11], $0x20, s14, s11, $0xb8;
	[tilespmem:$0x1FE00] =	vst v63  }
0x54: {  	s15 =	sadd.s32 $0x480, s0  }
0x55: {  	[tilespmem:s24], [sflag:$0x2] =	stream.indirect.gather [hbm4b:s4+s11], $0x20, s15, s11, $0xb8;
	[tilespmem:$0x1FE00] =	vst v63  }
0x56: {  	s16 =	sadd.s32 $0x500, s0  }
0x57: {  	[tilespmem:s25], [sflag:$0x2] =	stream.indirect.gather [hbm4b:s4+s11], $0x20, s16, s11, $0xb8;
	[tilespmem:$0x1FE00] =	vst v63  }
0x58: {  	s17 =	sadd.s32 $0x580, s0  }
0x59: {  	[tilespmem:s26], [sflag:$0x2] =	stream.indirect.gather [hbm4b:s4+s11], $0x20, s17, s11, $0xb8;
	[tilespmem:$0x1FE00] =	vst v63  }
0x5a: {  	s0 =	sadd.s32 $0x600, s0  }
0x5b: {  	[tilespmem:s28], [sflag:$0x2] =	stream.indirect.gather [hbm4b:s4+s12], $0x20, s0, s12, $0xb8;
	[tilespmem:$0x1FE00] =	vst v63  }
0x5c: {  	_ =	swait.ge [sflag:s29], $0xC800  }
0x5d: {  	[sflag:s29] =	ssyncset.done $0x0  }
0x5e: {  	s14 =	sshll.u32 s10, $0x6;
	[sflag:s29] =	ssyncadd.s32 $0xFFFF3800  }
0x5f: {  	s6 =	simm.s32 $0x6610;
	s7 =	simm.s32 $0x0;
	v0 =	vld [tilespmem:s14+$0x6400]  }
.LBB2_5:
0x60: {  	_ =	sdelay $0x1  }
0x61: {  	v3 =	vld [tilespmem:s6+$0x0]  }
0x62: {  	v1 =	vmov s7;
	v4 =	vld [tilespmem:s6+$0xFFFFFFF0]  }
0x63: {  	s0 =	simm.s32 $0x0;
	v2 =	vperm.xlane v0, v1  }
0x64: {  	v1 =	vmov s0  }
0x65: {  	vm0 =	vlt.s32 v1, v2  }
0x66: {  	s8 =	sadd.s32 $0x20, s6;
	s0 =	simm.s32 $0x1;
	v1 =	vimm.f32 $0.0e+00;
	v5 =	vnsel vm0, $0x0, v3;
	v3 =	vimm.f32 $0.0e+00  }
.LBB2_6:
0x67: {  	v6 =	vld [tilespmem:s8+$0x0];
	p0 =	sne.s32 s0, $0x31;
	v7 =	vnsel vm0, $0x0, v4;
	v1 =	vadd.f32 v5, v1;
	s15 =	smov.u32 s0;
	s0 =	sadd.s32 $0x1, s0  }
.Ltmp1:
0x68: {  	v4 =	vld [tilespmem:s8+$0xFFFFFFF0];
	v3 =	vadd.f32 v7, v3;
	(pc) =	sbr.rel @p0 .LBB2_6-.Ltmp1, $4  }
0x69: {  	_ = 	snop  }
0x6a: {  	v5 =	vmov s15  }
0x6b: {  	vm0 =	vlt.s32 v5, v2  }
0x6c: {  	s8 =	sadd.s32 $0x20, s8;
	v5 =	vnsel vm0, $0x0, v6  }
0x6d: {  	vm1 =	vgt.s32 v2, $0x1  }
0x6e: {  	v2 =	vnsel vm1, $0x1, v2  }
0x6f: {  	v2 =	vcvt.s32.f32 v2;
	_ =	sdelay $0x1  }
0x70: {  	(erf) = vrcp.f32 v2;
	_ =	sdelay $0x6  }
0x71: {  	s0 =	sshll.u32 s7, $0x5;
	s7 =	sadd.s32 $0x1, s7;
	v2 =	vnsel vm0, $0x0, v4  }
0x72: {  	p0 =	sne.s32 s7, $0x10;
	v2 =	vadd.f32 v2, v3  }
.Ltmp2:
0x73: {  	v1 =	vadd.f32 v5, v1;
	v3 =	vpop (erf);
	(pc) =	sbr.rel @p0 .LBB2_5-.Ltmp2, $4  }
0x74: {  	v2 =	vmul.f32 v2, v3  }
0x75: {  	s0 =	sand.u32 $0x3FFFFFE0, s0;
	v1 =	vmul.f32 v1, v3  }
0x76: {  	[tilespmem:s0+$0x1F600] =	vst v2  }
0x77: {  	s6 =	sadd.s32 $0x640, s6;
	[tilespmem:s0+$0x1F610] =	vst v1  }
0x78: {  	v0 =	vld [tilespmem:s14+$0x6410];
	s6 =	simm.s32 $0x0;
	s7 =	simm.s32 $0xCA00;
	s8 =	simm.s32 $0x0  }
.LBB2_9:
0x79: {  	_ =	sdelay $0x1  }
0x7a: {  	v3 =	vld [tilespmem:s7+$0x10]  }
0x7b: {  	v1 =	vmov s8;
	v4 =	vld [tilespmem:s7+$0x0]  }
0x7c: {  	v2 =	vperm.xlane v0, v1  }
0x7d: {  	v1 =	vmov s6  }
0x7e: {  	vm0 =	vlt.s32 v1, v2  }
0x7f: {  	s0 =	sor.u32 $0x10, s8;
	s15 =	simm.s32 $0x1;
	s16 =	sadd.s32 $0x20, s7;
	v1 =	vimm.f32 $0.0e+00;
	v5 =	vnsel vm0, $0x0, v3;
	v3 =	vimm.f32 $0.0e+00  }
.LBB2_10:
0x80: {  	v6 =	vld [tilespmem:s16+$0x10];
	p0 =	sne.s32 s15, $0x31;
	v7 =	vnsel vm0, $0x0, v4;
	v1 =	vadd.f32 v5, v1;
	s17 =	smov.u32 s15;
	s15 =	sadd.s32 $0x1, s15  }
.Ltmp3:
0x81: {  	v4 =	vld [tilespmem:s16+$0x0];
	v3 =	vadd.f32 v7, v3;
	(pc) =	sbr.rel @p0 .LBB2_10-.Ltmp3, $4  }
0x82: {  	_ = 	snop  }
0x83: {  	v5 =	vmov s17  }
0x84: {  	vm0 =	vlt.s32 v5, v2  }
0x85: {  	s16 =	sadd.s32 $0x20, s16;
	v5 =	vnsel vm0, $0x0, v6  }
0x86: {  	vm1 =	vgt.s32 v2, $0x1  }
0x87: {  	v2 =	vnsel vm1, $0x1, v2  }
0x88: {  	v2 =	vcvt.s32.f32 v2;
	_ =	sdelay $0x1  }
0x89: {  	(erf) = vrcp.f32 v2;
	_ =	sdelay $0x6  }
0x8a: {  	s8 =	sadd.s32 $0x1, s8;
	v2 =	vnsel vm0, $0x0, v4  }
0x8b: {  	p0 =	sne.s32 s8, $0x10;
	v2 =	vadd.f32 v2, v3  }
.Ltmp4:
0x8c: {  	v1 =	vadd.f32 v5, v1;
	v3 =	vpop (erf);
	(pc) =	sbr.rel @p0 .LBB2_9-.Ltmp4, $4  }
0x8d: {  	s0 =	sshll.u32 s0, $0x5;
	v2 =	vmul.f32 v2, v3  }
0x8e: {  	s0 =	sand.u32 $0x3FFFFFE0, s0;
	v1 =	vmul.f32 v1, v3  }
0x8f: {  	[tilespmem:s0+$0x1F600] =	vst v2  }
0x90: {  	s7 =	sadd.s32 $0x640, s7;
	[tilespmem:s0+$0x1F610] =	vst v1  }
0x91: {  	s0 =	sadd.s32 s5, s14  }
0x92: {  	s0 =	sshll.u32 s0, $0x2  }
0x93: {  	p0 =	seq.s32 s10, $0x7;
	s0 =	sadd.s32 s2, s0  }
0x94: {  	[hbm4b:s0+s3] =	stream.linear.scatter [tilespmem:s30], [sflag:$0x3], $0x400, $0x38;
	[tilespmem:$0x1FE00] =	vst v63  }
0x95: {  	s0 =	smul.u32 @!p0 $0x3200, s10  }
0x96: {  	_ =	swait.ge [sflag:s9], $0x400  }
0x97: {  	s7 =	simm.s32 @!p0 $0x80;
	[sflag:s9] =	ssyncset.done $0x0;
	s0 =	sshra.s32 @!p0 s0, $0x2  }
0x98: {  	s8 =	simm.s32 @!p0 $0x6600;
	[sflag:s9] =	ssyncadd.s32 $0xFFFFFC00;
	s6 =	sadd.s32 @!p0 $0xC80, s0  }
0x99: {  	[tilespmem:s8], [sflag:$0x1] =	stream.indirect.gather @!p0 [hbm4b:s4+s7], $0x20, s6, s7, $0xb8;
	[tilespmem:$0x1FE00] =	vst v63  }
0x9a: {  	s6 =	sadd.s32 @!p0 $0xD00, s0;
	s8 =	simm.s32 @!p0 $0x7600  }
0x9b: {  	[tilespmem:s8], [sflag:$0x1] =	stream.indirect.gather @!p0 [hbm4b:s4+s7], $0x20, s6, s7, $0xb8;
	[tilespmem:$0x1FE00] =	vst v63  }
0x9c: {  	s6 =	sadd.s32 @!p0 $0xD80, s0;
	s8 =	simm.s32 @!p0 $0x8600  }
0x9d: {  	[tilespmem:s8], [sflag:$0x1] =	stream.indirect.gather @!p0 [hbm4b:s4+s7], $0x20, s6, s7, $0xb8;
	[tilespmem:$0x1FE00] =	vst v63  }
0x9e: {  	s6 =	sadd.s32 @!p0 $0xE00, s0;
	s8 =	simm.s32 @!p0 $0x9600  }
0x9f: {  	[tilespmem:s8], [sflag:$0x1] =	stream.indirect.gather @!p0 [hbm4b:s4+s7], $0x20, s6, s7, $0xb8;
	[tilespmem:$0x1FE00] =	vst v63  }
0xa0: {  	s6 =	sadd.s32 @!p0 $0xE80, s0;
	s8 =	simm.s32 @!p0 $0xA600  }
0xa1: {  	[tilespmem:s8], [sflag:$0x1] =	stream.indirect.gather @!p0 [hbm4b:s4+s7], $0x20, s6, s7, $0xb8;
	[tilespmem:$0x1FE00] =	vst v63  }
0xa2: {  	s6 =	sadd.s32 @!p0 $0xF00, s0;
	s8 =	simm.s32 @!p0 $0xB600  }
0xa3: {  	[tilespmem:s8], [sflag:$0x1] =	stream.indirect.gather @!p0 [hbm4b:s4+s7], $0x20, s6, s7, $0xb8;
	[tilespmem:$0x1FE00] =	vst v63  }
0xa4: {  	s6 =	sadd.s32 @!p0 $0xF80, s0;
	s8 =	simm.s32 @!p0 $0xC600  }
0xa5: {  	[tilespmem:s8], [sflag:$0x1] =	stream.indirect.gather @!p0 [hbm4b:s4+s7], $0x20, s6, s7, $0xb8;
	[tilespmem:$0x1FE00] =	vst v63  }
0xa6: {  	s6 =	sadd.s32 @!p0 $0x1000, s0;
	s8 =	simm.s32 @!p0 $0xD600  }
0xa7: {  	[tilespmem:s8], [sflag:$0x1] =	stream.indirect.gather @!p0 [hbm4b:s4+s7], $0x20, s6, s7, $0xb8;
	[tilespmem:$0x1FE00] =	vst v63  }
0xa8: {  	s6 =	sadd.s32 @!p0 $0x1080, s0;
	s8 =	simm.s32 @!p0 $0xE600  }
0xa9: {  	[tilespmem:s8], [sflag:$0x1] =	stream.indirect.gather @!p0 [hbm4b:s4+s7], $0x20, s6, s7, $0xb8;
	[tilespmem:$0x1FE00] =	vst v63  }
0xaa: {  	s6 =	sadd.s32 @!p0 $0x1100, s0;
	s8 =	simm.s32 @!p0 $0xF600  }
0xab: {  	[tilespmem:s8], [sflag:$0x1] =	stream.indirect.gather @!p0 [hbm4b:s4+s7], $0x20, s6, s7, $0xb8;
	[tilespmem:$0x1FE00] =	vst v63  }
0xac: {  	s6 =	sadd.s32 @!p0 $0x1180, s0;
	s8 =	simm.s32 @!p0 $0x10600  }
0xad: {  	[tilespmem:s8], [sflag:$0x1] =	stream.indirect.gather @!p0 [hbm4b:s4+s7], $0x20, s6, s7, $0xb8;
	[tilespmem:$0x1FE00] =	vst v63  }
0xae: {  	s6 =	sadd.s32 @!p0 $0x1200, s0;
	s8 =	simm.s32 @!p0 $0x11600  }
0xaf: {  	[tilespmem:s8], [sflag:$0x1] =	stream.indirect.gather @!p0 [hbm4b:s4+s7], $0x20, s6, s7, $0xb8;
	[tilespmem:$0x1FE00] =	vst v63  }
0xb0: {  	s0 =	sadd.s32 @!p0 $0x1280, s0;
	s6 =	simm.s32 @!p0 $0x40;
	s7 =	simm.s32 @!p0 $0x12600  }
0xb1: {  	[tilespmem:s7], [sflag:$0x1] =	stream.indirect.gather @!p0 [hbm4b:s4+s6], $0x20, s0, s6, $0xb8;
	[tilespmem:$0x1FE00] =	vst v63  }
0xb2: {  	_ =	swait.ge [sflag:s31], $0xC800  }
0xb3: {  	[sflag:s31] =	ssyncset.done $0x0  }
0xb4: {  	s13 =	sshll.u32 s13, $0x5;
	[sflag:s31] =	ssyncadd.s32 $0xFFFF3800  }
0xb5: {  	s8 =	simm.s32 $0x0;
	s6 =	simm.s32 $0x0;
	s7 =	simm.s32 $0x12E10;
	v0 =	vld [tilespmem:s13+$0x6400]  }
.LBB2_13:
0xb6: {  	_ =	sdelay $0x1  }
0xb7: {  	v3 =	vld [tilespmem:s7+$0x0]  }
0xb8: {  	v1 =	vmov s8;
	v4 =	vld [tilespmem:s7+$0xFFFFFFF0]  }
0xb9: {  	v2 =	vperm.xlane v0, v1  }
0xba: {  	v1 =	vmov s6  }
0xbb: {  	vm0 =	vlt.s32 v1, v2  }
0xbc: {  	s0 =	simm.s32 $0x1;
	s14 =	sadd.s32 $0x20, s7;
	v1 =	vimm.f32 $0.0e+00;
	v5 =	vnsel vm0, $0x0, v3;
	v3 =	vimm.f32 $0.0e+00  }
.LBB2_14:
0xbd: {  	v6 =	vld [tilespmem:s14+$0x0];
	p0 =	sne.s32 s0, $0x31;
	v7 =	vnsel vm0, $0x0, v4;
	v1 =	vadd.f32 v5, v1;
	s15 =	smov.u32 s0;
	s0 =	sadd.s32 $0x1, s0  }
.Ltmp5:
0xbe: {  	v4 =	vld [tilespmem:s14+$0xFFFFFFF0];
	v3 =	vadd.f32 v7, v3;
	(pc) =	sbr.rel @p0 .LBB2_14-.Ltmp5, $4  }
0xbf: {  	_ = 	snop  }
0xc0: {  	v5 =	vmov s15  }
0xc1: {  	vm0 =	vlt.s32 v5, v2  }
0xc2: {  	s14 =	sadd.s32 $0x20, s14;
	v5 =	vnsel vm0, $0x0, v6  }
0xc3: {  	vm1 =	vgt.s32 v2, $0x1  }
0xc4: {  	v2 =	vnsel vm1, $0x1, v2  }
0xc5: {  	v2 =	vcvt.s32.f32 v2;
	_ =	sdelay $0x1  }
0xc6: {  	(erf) = vrcp.f32 v2;
	_ =	sdelay $0x6  }
0xc7: {  	s0 =	sshll.u32 s8, $0x5;
	s8 =	sadd.s32 $0x1, s8;
	v2 =	vnsel vm0, $0x0, v4  }
0xc8: {  	p0 =	sne.s32 s8, $0x10;
	v2 =	vadd.f32 v2, v3  }
.Ltmp6:
0xc9: {  	v1 =	vadd.f32 v5, v1;
	v3 =	vpop (erf);
	(pc) =	sbr.rel @p0 .LBB2_13-.Ltmp6, $4  }
0xca: {  	v2 =	vmul.f32 v2, v3  }
0xcb: {  	s0 =	sand.u32 $0x3FFFFFE0, s0;
	v1 =	vmul.f32 v1, v3  }
0xcc: {  	[tilespmem:s0+$0x1FA00] =	vst v2  }
0xcd: {  	s7 =	sadd.s32 $0x640, s7;
	[tilespmem:s0+$0x1FA10] =	vst v1  }
0xce: {  	v0 =	vld [tilespmem:s13+$0x6410];
	s6 =	simm.s32 $0x0;
	s7 =	simm.s32 $0x19200;
	s8 =	simm.s32 $0x0  }
.LBB2_17:
0xcf: {  	_ =	sdelay $0x1  }
0xd0: {  	v3 =	vld [tilespmem:s7+$0x10]  }
0xd1: {  	v1 =	vmov s8;
	v4 =	vld [tilespmem:s7+$0x0]  }
0xd2: {  	v2 =	vperm.xlane v0, v1  }
0xd3: {  	v1 =	vmov s6  }
0xd4: {  	vm0 =	vlt.s32 v1, v2  }
0xd5: {  	s0 =	sor.u32 $0x10, s8;
	s14 =	simm.s32 $0x1;
	s15 =	sadd.s32 $0x20, s7;
	v1 =	vimm.f32 $0.0e+00;
	v5 =	vnsel vm0, $0x0, v3;
	v3 =	vimm.f32 $0.0e+00  }
.LBB2_18:
0xd6: {  	v6 =	vld [tilespmem:s15+$0x10];
	p0 =	sne.s32 s14, $0x31;
	v7 =	vnsel vm0, $0x0, v4;
	v1 =	vadd.f32 v5, v1;
	s16 =	smov.u32 s14;
	s14 =	sadd.s32 $0x1, s14  }
.Ltmp7:
0xd7: {  	v4 =	vld [tilespmem:s15+$0x0];
	v3 =	vadd.f32 v7, v3;
	(pc) =	sbr.rel @p0 .LBB2_18-.Ltmp7, $4  }
0xd8: {  	_ = 	snop  }
0xd9: {  	v5 =	vmov s16  }
0xda: {  	vm0 =	vlt.s32 v5, v2  }
0xdb: {  	s15 =	sadd.s32 $0x20, s15;
	v5 =	vnsel vm0, $0x0, v6  }
0xdc: {  	vm1 =	vgt.s32 v2, $0x1  }
0xdd: {  	v2 =	vnsel vm1, $0x1, v2  }
0xde: {  	v2 =	vcvt.s32.f32 v2;
	_ =	sdelay $0x1  }
0xdf: {  	(erf) = vrcp.f32 v2;
	_ =	sdelay $0x6  }
0xe0: {  	s8 =	sadd.s32 $0x1, s8;
	v2 =	vnsel vm0, $0x0, v4  }
0xe1: {  	p0 =	sne.s32 s8, $0x10;
	v2 =	vadd.f32 v2, v3  }
.Ltmp8:
0xe2: {  	v1 =	vadd.f32 v5, v1;
	v3 =	vpop (erf);
	(pc) =	sbr.rel @p0 .LBB2_17-.Ltmp8, $4  }
0xe3: {  	s0 =	sshll.u32 s0, $0x5;
	v2 =	vmul.f32 v2, v3  }
0xe4: {  	s0 =	sand.u32 $0x3FFFFFE0, s0;
	v1 =	vmul.f32 v1, v3  }
0xe5: {  	[tilespmem:s0+$0x1FA00] =	vst v2  }
0xe6: {  	s7 =	sadd.s32 $0x640, s7;
	[tilespmem:s0+$0x1FA10] =	vst v1  }
0xe7: {  	s0 =	sadd.s32 s5, s13  }
0xe8: {  	s10 =	sadd.s32 $0x1, s10;
	s0 =	sshll.u32 s0, $0x2  }
0xe9: {  	p0 =	sne.s32 s10, $0x8;
	s0 =	sand.u32 $0x1FFFFF80, s0  }
.Ltmp9:
0xea: {  	s0 =	sadd.s32 s2, s0;
	(pc) =	sbr.rel @p0 .LBB2_4-.Ltmp9, $4  }
0xeb: {  	[hbm4b:s0+s3] =	stream.linear.scatter [tilespmem:s1], [sflag:$0x3], $0x400, $0x38;
	[tilespmem:$0x1FE00] =	vst v63  }
0xec: {  	_ =	swait.ge [sflag:s9], $0x400  }
0xed: {  	[sflag:s9] =	ssyncset.done $0x0  }
0xee: {  	[sflag:s9] =	ssyncadd.s32 $0xFFFFFC00  }
0xef: {  	s6 =	rddreg [dreg:$0x7]  }
0xf0: {  	s0 =	rddreg [dreg:$0x6];
	s6 =	sadd.s32 $0x1, s6  }
0xf1: {  	p0 =	sne.s32 s6, s0  }
.Ltmp10:
0xf2: {  	_ = 	snop;
	(pc) =	sbr.rel @p0 .LBB2_1-.Ltmp10, $1  }
0xf3: {  	_ =	sdelay $0x3  }
0xf4: {  	_ =	sfence.sel $0x180000  }
0xf5: {  	[bflag:$0x0] =	sbarrier.arrive $0xFFFF  }
0xf6: {  	_ =	strace $0x90000047  }
0xf7: {  	s0 =	stileid.u32;
	[bflag:$0x2] =	sbarrier.arrive $0xFFFF  }
0xf8: {  	p0 =	sne.s32 s0, $0x0;
	s0 =	rddreg [dreg:$0x3]  }
0xf9: {  	s0 =	sadd.s32 @!p0 $0x100000, s0  }
0xfa: {  	[sflag:s0] =	ssyncadd.tile.s32 @!p0 $0x1;
	_ =	shalt  }
.Lfunc_end2:
_tile_overlayer_lowered:
.L_overlay_start_2:
0xfb: {  	(tag) =	ssettag $0x2  }
0xfc: {  	s0 =	rddreg [dreg:$0x0];
	s2 =	stileid.u32  }
0xfd: {  	s1 =	rddreg [dreg:$0x1];
	p0 =	sne.s32 s2, $0x0  }
0xfe: {  	s3 =	rddreg [dreg:$0x2];
	[bflag:$0x3] =	sbarrier.arrive $0xFFFF;
	s2 =	simm.s32 @!p0 $0x1C03  }
0xff: {  	[timem:s3], [sflag:s2] =	dma.local @!p0 [hbm:s0], s1  }
0x100: {  	s0 =	simm.s32 @!p0 $0x3  }
0x101: {  	_ =	swait.ge @!p0 [sflag:s0], s1  }
0x102: {  	s1 =	ssub.s32 @!p0 $0x0, s1;
	[sflag:s0] =	ssyncset.done @!p0 $0x0  }
0x103: {  	[sflag:s0] =	ssyncadd.s32 @!p0 s1  }
0x104: {  	[bflag:$0x3] =	sbarrier.arrive $0xFFFF  }
0x105: {  	_ =	shalt  }

</sc_bundles>
